<compile_context>
chip_gen: v7x
topology: tpu7x:2x2x1
jax: 0.10.2.dev20260603
libtpu: 0.0.44.dev20260713+nightly
codegen_flags: <defaults>
</compile_context>

<pallas_src>
import jax
import jax.numpy as jnp
from jax import lax
from jax.experimental import pallas as pl
from jax.experimental.pallas import tpu as pltpu
from jax.experimental.pallas import tpu_sc as plsc

MASK_PROB = 0.15
MASK_TOKEN = 103
LABEL_IGNORE = -100
RAND_THRESH_BITS = 0x3E19999A

ROWS = 4096
COLS = 2048
NC, NS, LANES = 2, 16, 16
NW = NC * NS
ROWS_W = ROWS // NW
CR = 8
NCH = ROWS_W // CR
VECS = CR * COLS // LANES

TC_BLOCK_ROWS = 256


def _sc_labels_body(ids_hbm, rand_hbm, l_hbm,
                    buf_ids0, buf_rnd0, buf_ids1, buf_rnd1,
                    si0, sr0, si1, sr1, sol0, sol1):
    wid = lax.axis_index("s") * NC + lax.axis_index("c")
    base = wid * ROWS_W

    bufs = ((buf_ids0, buf_rnd0, si0, sr0, sol0),
            (buf_ids1, buf_rnd1, si1, sr1, sol1))

    def start_in(c):
        ids_b, rnd_b, si, sr, _ = bufs[c % 2]
        r0 = base + c * CR
        h_i = pltpu.async_copy(ids_hbm.at[pl.ds(r0, CR)], ids_b, si)
        h_r = pltpu.async_copy(rand_hbm.at[pl.ds(r0, CR)], rnd_b, sr)
        return h_i, h_r

    out_handles = [None, None]
    in_handles = [None, None]

    in_handles[0] = start_in(0)
    for c in range(NCH):
        b = c % 2
        ids_b, rnd_b, _, _, sol = bufs[b]
        if c + 1 < NCH:
            nb = (c + 1) % 2
            if out_handles[nb] is not None:
                out_handles[nb].wait()
                out_handles[nb] = None
            in_handles[nb] = start_in(c + 1)
        in_handles[b][0].wait()
        in_handles[b][1].wait()

        @plsc.parallel_loop(0, VECS, unroll=8)
        def _(i):
            r = i >> 7
            sl = pl.ds((i & 127) * LANES, LANES)
            ids = ids_b[r, sl]
            rnd = rnd_b[r, sl]
            cond = (rnd < RAND_THRESH_BITS) | (ids == MASK_TOKEN)
            ids_b[r, sl] = jnp.where(cond, ids, jnp.int32(LABEL_IGNORE))

        r0 = base + c * CR
        out_handles[b] = pltpu.async_copy(ids_b, l_hbm.at[pl.ds(r0, CR)], sol)

    for b in range(2):
        if out_handles[b] is not None:
            out_handles[b].wait()


def _sc_labels(ids, rand_bits):
    mesh = plsc.VectorSubcoreMesh(core_axis_name="c", subcore_axis_name="s",
                                  num_cores=NC, num_subcores=NS)
    run = pl.kernel(
        _sc_labels_body,
        out_type=jax.ShapeDtypeStruct((ROWS, COLS), jnp.int32),
        mesh=mesh,
        scratch_types=[pltpu.VMEM((CR, COLS), jnp.int32) for _ in range(4)]
        + [pltpu.SemaphoreType.DMA for _ in range(6)],
    )
    return run(ids, rand_bits)


def _tc_masked_kernel(ids_ref, rand_ref, m_ref):
    m_ref[...] = jnp.where(rand_ref[...] < MASK_PROB,
                           jnp.int32(MASK_TOKEN), ids_ref[...])


def _tc_masked(ids, rand_vals):
    grid = (ROWS // TC_BLOCK_ROWS,)
    spec = pl.BlockSpec((TC_BLOCK_ROWS, COLS), lambda i: (i, 0))
    return pl.pallas_call(
        _tc_masked_kernel,
        grid=grid,
        in_specs=[spec, spec],
        out_specs=spec,
        out_shape=jax.ShapeDtypeStruct((ROWS, COLS), jnp.int32),
    )(ids, rand_vals)


def kernel(input_ids, rand_vals):
    rand_bits = lax.bitcast_convert_type(rand_vals, jnp.int32)
    labels = _sc_labels(input_ids, rand_bits)
    masked = _tc_masked(input_ids, rand_vals)
    return masked, labels

# --- scband reference (transcript-rebuilt; emitter-appended) ---
"""Pipeline reference for scband-token-random-masking-augmentation-44779329028654 (READ-ONLY COPY).

The authoritative reference and input builder live on the scoring server;
editing this copy changes nothing except your own understanding.
"""

import jax, jax.numpy as jnp
import numpy as np

MASK_PROB = 0.15
MASK_TOKEN = 103

def setup_inputs(seed: int = 0) -> dict:
    key = jax.random.key(seed)
    k1, k2 = jax.random.split(key)
    input_ids = jax.random.randint(k1, (4096, 2048), 0, 32000, dtype=jnp.int64 if jax.config.jax_enable_x64 else jnp.int32).astype(jnp.int32)
    # uniform randoms standing in for torch.rand(input_ids.shape)
    rand_vals = jax.random.uniform(k2, (4096, 2048), dtype=jnp.float32)
    return {"input_ids": input_ids, "rand_vals": rand_vals}

def reference(input_ids, rand_vals):
    # input_ids = texts['input_ids'].clone(); mask = rand < p; input_ids[mask] = mask_token
    mask = rand_vals < MASK_PROB
    masked_ids = jnp.where(mask, jnp.asarray(MASK_TOKEN, dtype=input_ids.dtype), input_ids)
    # labels = original.clone(); labels[masked_ids != mask_token] = -100
    labels = jnp.where(masked_ids != MASK_TOKEN, jnp.asarray(-100, dtype=input_ids.dtype), input_ids)
    return masked_ids, labels

if __name__ == "__main__":
    import jax
    _d = setup_inputs()
    print(jax.jit(kernel)(*tuple(_d.values())))

</pallas_src>

<mosaic_0001>
#map = affine_map<(d0, d1) -> (0, 0)>
module attributes {stable_mosaic.version = 14 : i64} {
  func.func @_sc_labels_body(%arg0: i32, %arg1: i32, %arg2: memref<4096x2048xi32, #tpu.memory_space<hbm>>, %arg3: memref<4096x2048xi32, #tpu.memory_space<hbm>>, %arg4: memref<4096x2048xi32, #tpu.memory_space<hbm>>, %arg5: memref<8x2048xi32, #tpu.memory_space<vmem>>, %arg6: memref<8x2048xi32, #tpu.memory_space<vmem>>, %arg7: memref<8x2048xi32, #tpu.memory_space<vmem>>, %arg8: memref<8x2048xi32, #tpu.memory_space<vmem>>, %arg9: memref<!tpu.dma_semaphore, #tpu.memory_space<semaphore_mem>>, %arg10: memref<!tpu.dma_semaphore, #tpu.memory_space<semaphore_mem>>, %arg11: memref<!tpu.dma_semaphore, #tpu.memory_space<semaphore_mem>>, %arg12: memref<!tpu.dma_semaphore, #tpu.memory_space<semaphore_mem>>, %arg13: memref<!tpu.dma_semaphore, #tpu.memory_space<semaphore_mem>>, %arg14: memref<!tpu.dma_semaphore, #tpu.memory_space<semaphore_mem>>) attributes {dimension_semantics = [#tpu.dimension_semantics<core_parallel>, #tpu.dimension_semantics<subcore_parallel>], iteration_bounds = array<i64: 2, 16>, scalar_prefetch = 0 : i64, scratch_operands = 10 : i64, tpu.core_type = #tpu.core_type<sc_vector_subcore>, window_params = [{transform_indices = #map}, {transform_indices = #map}, {transform_indices = #map}]} {
    %mul3A = arith.constant 2 : i32
    %mul3A_0 = arith.muli %arg1, %mul3A : i32
    %add3A = arith.addi %mul3A_0, %arg0 : i32
    %mul3A_1 = arith.constant 128 : i32
    %mul3A_2 = arith.muli %add3A, %mul3A_1 : i32
    %add3A_3 = arith.constant 0 : i32
    %add3A_4 = arith.addi %mul3A_2, %add3A_3 : i32
    %dma_start3A = arith.constant 0 : i32
    %dma_start3A_5 = tpu.memref_slice %arg2[%add3A_4, %dma_start3A] : memref<4096x2048xi32, #tpu.memory_space<hbm>> -> memref<8x2048xi32, #tpu.memory_space<hbm>>
    %dma_start3A_6 = arith.constant 0 : i32
    %dma_start3A_7 = tpu.memref_slice %arg2[%add3A_4, %dma_start3A_6] : memref<4096x2048xi32, #tpu.memory_space<hbm>> -> memref<8x2048xi32, #tpu.memory_space<hbm>>
    tpu.enqueue_dma source(%dma_start3A_7 : memref<8x2048xi32, #tpu.memory_space<hbm>>) target(%arg5 : memref<8x2048xi32, #tpu.memory_space<vmem>>) target_semaphore(%arg9 : memref<!tpu.dma_semaphore, #tpu.memory_space<semaphore_mem>>)
    %dma_start3A_8 = arith.constant 0 : i32
    %dma_start3A_9 = tpu.memref_slice %arg3[%add3A_4, %dma_start3A_8] : memref<4096x2048xi32, #tpu.memory_space<hbm>> -> memref<8x2048xi32, #tpu.memory_space<hbm>>
    %dma_start3A_10 = arith.constant 0 : i32
    %dma_start3A_11 = tpu.memref_slice %arg3[%add3A_4, %dma_start3A_10] : memref<4096x2048xi32, #tpu.memory_space<hbm>> -> memref<8x2048xi32, #tpu.memory_space<hbm>>
    tpu.enqueue_dma source(%dma_start3A_11 : memref<8x2048xi32, #tpu.memory_space<hbm>>) target(%arg6 : memref<8x2048xi32, #tpu.memory_space<vmem>>) target_semaphore(%arg10 : memref<!tpu.dma_semaphore, #tpu.memory_space<semaphore_mem>>)
    %add3A_12 = arith.constant 8 : i32
    %add3A_13 = arith.addi %mul3A_2, %add3A_12 : i32
    %dma_start3A_14 = arith.constant 0 : i32
    %dma_start3A_15 = tpu.memref_slice %arg2[%add3A_13, %dma_start3A_14] : memref<4096x2048xi32, #tpu.memory_space<hbm>> -> memref<8x2048xi32, #tpu.memory_space<hbm>>
    %dma_start3A_16 = arith.constant 0 : i32
    %dma_start3A_17 = tpu.memref_slice %arg2[%add3A_13, %dma_start3A_16] : memref<4096x2048xi32, #tpu.memory_space<hbm>> -> memref<8x2048xi32, #tpu.memory_space<hbm>>
    tpu.enqueue_dma source(%dma_start3A_17 : memref<8x2048xi32, #tpu.memory_space<hbm>>) target(%arg7 : memref<8x2048xi32, #tpu.memory_space<vmem>>) target_semaphore(%arg11 : memref<!tpu.dma_semaphore, #tpu.memory_space<semaphore_mem>>)
    %dma_start3A_18 = arith.constant 0 : i32
    %dma_start3A_19 = tpu.memref_slice %arg3[%add3A_13, %dma_start3A_18] : memref<4096x2048xi32, #tpu.memory_space<hbm>> -> memref<8x2048xi32, #tpu.memory_space<hbm>>
    %dma_start3A_20 = arith.constant 0 : i32
    %dma_start3A_21 = tpu.memref_slice %arg3[%add3A_13, %dma_start3A_20] : memref<4096x2048xi32, #tpu.memory_space<hbm>> -> memref<8x2048xi32, #tpu.memory_space<hbm>>
    tpu.enqueue_dma source(%dma_start3A_21 : memref<8x2048xi32, #tpu.memory_space<hbm>>) target(%arg8 : memref<8x2048xi32, #tpu.memory_space<vmem>>) target_semaphore(%arg12 : memref<!tpu.dma_semaphore, #tpu.memory_space<semaphore_mem>>)
    %dma_wait3A = arith.constant 0 : i32
    %dma_wait3A_22 = tpu.memref_slice %arg2[%add3A_4, %dma_wait3A] : memref<4096x2048xi32, #tpu.memory_space<hbm>> -> memref<8x2048xi32, #tpu.memory_space<hbm>>
    %dma_wait3A_23 = arith.constant 0 : i32
    %dma_wait3A_24 = tpu.memref_slice %arg2[%add3A_4, %dma_wait3A_23] : memref<4096x2048xi32, #tpu.memory_space<hbm>> -> memref<8x2048xi32, #tpu.memory_space<hbm>>
    tpu.wait_dma2 semaphore(%arg9 : memref<!tpu.dma_semaphore, #tpu.memory_space<semaphore_mem>>) src(%dma_wait3A_24 : memref<8x2048xi32, #tpu.memory_space<hbm>>) dst(%arg5 : memref<8x2048xi32, #tpu.memory_space<vmem>>)
    %dma_wait3A_25 = arith.constant 0 : i32
    %dma_wait3A_26 = tpu.memref_slice %arg3[%add3A_4, %dma_wait3A_25] : memref<4096x2048xi32, #tpu.memory_space<hbm>> -> memref<8x2048xi32, #tpu.memory_space<hbm>>
    %dma_wait3A_27 = arith.constant 0 : i32
    %dma_wait3A_28 = tpu.memref_slice %arg3[%add3A_4, %dma_wait3A_27] : memref<4096x2048xi32, #tpu.memory_space<hbm>> -> memref<8x2048xi32, #tpu.memory_space<hbm>>
    tpu.wait_dma2 semaphore(%arg10 : memref<!tpu.dma_semaphore, #tpu.memory_space<semaphore_mem>>) src(%dma_wait3A_28 : memref<8x2048xi32, #tpu.memory_space<hbm>>) dst(%arg6 : memref<8x2048xi32, #tpu.memory_space<vmem>>)
    %parallel_loop3A = arith.constant 0 : i32
    %parallel_loop3A_29 = arith.constant 1024 : i32
    %parallel_loop3A_30 = arith.constant 1 : i32
    scf.for %parallel_loop3A_496 = %parallel_loop3A to %parallel_loop3A_29 step %parallel_loop3A_30  : i32 {
      %parallel_loop3A_497 = arith.constant 7 : i32
      %parallel_loop3A_498 = arith.shrsi %parallel_loop3A_496, %parallel_loop3A_497 : i32
      %parallel_loop3A_499 = arith.constant 127 : i32
      %parallel_loop3A_500 = arith.andi %parallel_loop3A_496, %parallel_loop3A_499 : i32
      %parallel_loop3A_501 = arith.constant 16 : i32
      %parallel_loop3A_502 = arith.muli %parallel_loop3A_500, %parallel_loop3A_501 : i32
      %parallel_loop3A_503 = arith.index_cast %parallel_loop3A_498 : i32 to index
      %parallel_loop3A_504 = arith.index_cast %parallel_loop3A_502 : i32 to index
      %parallel_loop3A_505 = tpu.vector_load %arg5[%parallel_loop3A_503, %parallel_loop3A_504] {strides = array<i32>} : memref<8x2048xi32, #tpu.memory_space<vmem>>, vector<1x16xi32>,
      %parallel_loop3A_506 = vector.shape_cast %parallel_loop3A_505 : vector<1x16xi32> to vector<16xi32>
      %parallel_loop3A_507 = arith.index_cast %parallel_loop3A_498 : i32 to index
      %parallel_loop3A_508 = arith.index_cast %parallel_loop3A_502 : i32 to index
      %parallel_loop3A_509 = tpu.vector_load %arg6[%parallel_loop3A_507, %parallel_loop3A_508] {strides = array<i32>} : memref<8x2048xi32, #tpu.memory_space<vmem>>, vector<1x16xi32>,
      %parallel_loop3A_510 = vector.shape_cast %parallel_loop3A_509 : vector<1x16xi32> to vector<16xi32>
      %parallel_loop3A_511 = arith.constant 1041865114 : i32
      %parallel_loop3A_512 = vector.broadcast %parallel_loop3A_511 : i32 to vector<16xi32>
      %parallel_loop3A_513 = arith.cmpi slt, %parallel_loop3A_510, %parallel_loop3A_512 : vector<16xi32>
      %parallel_loop3A_514 = arith.constant 103 : i32
      %parallel_loop3A_515 = vector.broadcast %parallel_loop3A_514 : i32 to vector<16xi32>
      %parallel_loop3A_516 = arith.cmpi eq, %parallel_loop3A_506, %parallel_loop3A_515 : vector<16xi32>
      %parallel_loop3A_517 = arith.ori %parallel_loop3A_513, %parallel_loop3A_516 : vector<16xi1>
      %parallel_loop3A_518 = arith.constant -100 : i32
      %parallel_loop3A_519 = vector.broadcast %parallel_loop3A_518 : i32 to vector<16xi32>
      %parallel_loop3A_520 = arith.select %parallel_loop3A_517, %parallel_loop3A_506, %parallel_loop3A_519 : vector<16xi1>, vector<16xi32>
      %parallel_loop3A_521 = arith.index_cast %parallel_loop3A_498 : i32 to index
      %parallel_loop3A_522 = arith.index_cast %parallel_loop3A_502 : i32 to index
      %parallel_loop3A_523 = tpu.vector_load %arg5[%parallel_loop3A_521, %parallel_loop3A_522] {strides = array<i32>} : memref<8x2048xi32, #tpu.memory_space<vmem>>, vector<1x16xi32>,
      %parallel_loop3A_524 = vector.shape_cast %parallel_loop3A_523 : vector<1x16xi32> to vector<16xi32>
      %parallel_loop3A_525 = vector.shape_cast %parallel_loop3A_520 : vector<16xi32> to vector<1x16xi32>
      tpu.vector_store %arg5[%parallel_loop3A_521, %parallel_loop3A_522], %parallel_loop3A_525 {strides = array<i32>} : memref<8x2048xi32, #tpu.memory_space<vmem>>, vector<1x16xi32>,
    } {sc.loop_unroll_factor = 8 : i64, sc.parallel_access}
    %add3A_31 = arith.constant 0 : i32
    %add3A_32 = arith.addi %mul3A_2, %add3A_31 : i32
    %dma_start3A_33 = arith.constant 0 : i32
    %dma_start3A_34 = tpu.memref_slice %arg4[%add3A_32, %dma_start3A_33] : memref<4096x2048xi32, #tpu.memory_space<hbm>> -> memref<8x2048xi32, #tpu.memory_space<hbm>>
    %dma_start3A_35 = arith.constant 0 : i32
    %dma_start3A_36 = tpu.memref_slice %arg4[%add3A_32, %dma_start3A_35] : memref<4096x2048xi32, #tpu.memory_space<hbm>> -> memref<8x2048xi32, #tpu.memory_space<hbm>>
    tpu.enqueue_dma source(%arg5 : memref<8x2048xi32, #tpu.memory_space<vmem>>) target(%dma_start3A_36 : memref<8x2048xi32, #tpu.memory_space<hbm>>) target_semaphore(%arg13 : memref<!tpu.dma_semaphore, #tpu.memory_space<semaphore_mem>>)
    %dma_wait3A_37 = arith.constant 0 : i32
    %dma_wait3A_38 = tpu.memref_slice %arg4[%add3A_32, %dma_wait3A_37] : memref<4096x2048xi32, #tpu.memory_space<hbm>> -> memref<8x2048xi32, #tpu.memory_space<hbm>>
    %dma_wait3A_39 = arith.constant 0 : i32
    %dma_wait3A_40 = tpu.memref_slice %arg4[%add3A_32, %dma_wait3A_39] : memref<4096x2048xi32, #tpu.memory_space<hbm>> -> memref<8x2048xi32, #tpu.memory_space<hbm>>
    tpu.wait_dma2 semaphore(%arg13 : memref<!tpu.dma_semaphore, #tpu.memory_space<semaphore_mem>>) src(%arg5 : memref<8x2048xi32, #tpu.memory_space<vmem>>) dst(%dma_wait3A_40 : memref<8x2048xi32, #tpu.memory_space<hbm>>)
    %add3A_41 = arith.constant 16 : i32
    %add3A_42 = arith.addi %mul3A_2, %add3A_41 : i32
    %dma_start3A_43 = arith.constant 0 : i32
    %dma_start3A_44 = tpu.memref_slice %arg2[%add3A_42, %dma_start3A_43] : memref<4096x2048xi32, #tpu.memory_space<hbm>> -> memref<8x2048xi32, #tpu.memory_space<hbm>>
    %dma_start3A_45 = arith.constant 0 : i32
    %dma_start3A_46 = tpu.memref_slice %arg2[%add3A_42, %dma_start3A_45] : memref<4096x2048xi32, #tpu.memory_space<hbm>> -> memref<8x2048xi32, #tpu.memory_space<hbm>>
    tpu.enqueue_dma source(%dma_start3A_46 : memref<8x2048xi32, #tpu.memory_space<hbm>>) target(%arg5 : memref<8x2048xi32, #tpu.memory_space<vmem>>) target_semaphore(%arg9 : memref<!tpu.dma_semaphore, #tpu.memory_space<semaphore_mem>>)
    %dma_start3A_47 = arith.constant 0 : i32
    %dma_start3A_48 = tpu.memref_slice %arg3[%add3A_42, %dma_start3A_47] : memref<4096x2048xi32, #tpu.memory_space<hbm>> -> memref<8x2048xi32, #tpu.memory_space<hbm>>
    %dma_start3A_49 = arith.constant 0 : i32
    %dma_start3A_50 = tpu.memref_slice %arg3[%add3A_42, %dma_start3A_49] : memref<4096x2048xi32, #tpu.memory_space<hbm>> -> memref<8x2048xi32, #tpu.memory_space<hbm>>
    tpu.enqueue_dma source(%dma_start3A_50 : memref<8x2048xi32, #tpu.memory_space<hbm>>) target(%arg6 : memref<8x2048xi32, #tpu.memory_space<vmem>>) target_semaphore(%arg10 : memref<!tpu.dma_semaphore, #tpu.memory_space<semaphore_mem>>)
    %dma_wait3A_51 = arith.constant 0 : i32
    %dma_wait3A_52 = tpu.memref_slice %arg2[%add3A_13, %dma_wait3A_51] : memref<4096x2048xi32, #tpu.memory_space<hbm>> -> memref<8x2048xi32, #tpu.memory_space<hbm>>
    %dma_wait3A_53 = arith.constant 0 : i32
    %dma_wait3A_54 = tpu.memref_slice %arg2[%add3A_13, %dma_wait3A_53] : memref<4096x2048xi32, #tpu.memory_space<hbm>> -> memref<8x2048xi32, #tpu.memory_space<hbm>>
    tpu.wait_dma2 semaphore(%arg11 : memref<!tpu.dma_semaphore, #tpu.memory_space<semaphore_mem>>) src(%dma_wait3A_54 : memref<8x2048xi32, #tpu.memory_space<hbm>>) dst(%arg7 : memref<8x2048xi32, #tpu.memory_space<vmem>>)
    %dma_wait3A_55 = arith.constant 0 : i32
    %dma_wait3A_56 = tpu.memref_slice %arg3[%add3A_13, %dma_wait3A_55] : memref<4096x2048xi32, #tpu.memory_space<hbm>> -> memref<8x2048xi32, #tpu.memory_space<hbm>>
    %dma_wait3A_57 = arith.constant 0 : i32
    %dma_wait3A_58 = tpu.memref_slice %arg3[%add3A_13, %dma_wait3A_57] : memref<4096x2048xi32, #tpu.memory_space<hbm>> -> memref<8x2048xi32, #tpu.memory_space<hbm>>
    tpu.wait_dma2 semaphore(%arg12 : memref<!tpu.dma_semaphore, #tpu.memory_space<semaphore_mem>>) src(%dma_wait3A_58 : memref<8x2048xi32, #tpu.memory_space<hbm>>) dst(%arg8 : memref<8x2048xi32, #tpu.memory_space<vmem>>)
    %parallel_loop3A_59 = arith.constant 0 : i32
    %parallel_loop3A_60 = arith.constant 1024 : i32
    %parallel_loop3A_61 = arith.constant 1 : i32
    scf.for %parallel_loop3A_496 = %parallel_loop3A_59 to %parallel_loop3A_60 step %parallel_loop3A_61  : i32 {
      %parallel_loop3A_497 = arith.constant 7 : i32
      %parallel_loop3A_498 = arith.shrsi %parallel_loop3A_496, %parallel_loop3A_497 : i32
      %parallel_loop3A_499 = arith.constant 127 : i32
      %parallel_loop3A_500 = arith.andi %parallel_loop3A_496, %parallel_loop3A_499 : i32
      %parallel_loop3A_501 = arith.constant 16 : i32
      %parallel_loop3A_502 = arith.muli %parallel_loop3A_500, %parallel_loop3A_501 : i32
      %parallel_loop3A_503 = arith.index_cast %parallel_loop3A_498 : i32 to index
      %parallel_loop3A_504 = arith.index_cast %parallel_loop3A_502 : i32 to index
      %parallel_loop3A_505 = tpu.vector_load %arg7[%parallel_loop3A_503, %parallel_loop3A_504] {strides = array<i32>} : memref<8x2048xi32, #tpu.memory_space<vmem>>, vector<1x16xi32>,
      %parallel_loop3A_506 = vector.shape_cast %parallel_loop3A_505 : vector<1x16xi32> to vector<16xi32>
      %parallel_loop3A_507 = arith.index_cast %parallel_loop3A_498 : i32 to index
      %parallel_loop3A_508 = arith.index_cast %parallel_loop3A_502 : i32 to index
      %parallel_loop3A_509 = tpu.vector_load %arg8[%parallel_loop3A_507, %parallel_loop3A_508] {strides = array<i32>} : memref<8x2048xi32, #tpu.memory_space<vmem>>, vector<1x16xi32>,
      %parallel_loop3A_510 = vector.shape_cast %parallel_loop3A_509 : vector<1x16xi32> to vector<16xi32>
      %parallel_loop3A_511 = arith.constant 1041865114 : i32
      %parallel_loop3A_512 = vector.broadcast %parallel_loop3A_511 : i32 to vector<16xi32>
      %parallel_loop3A_513 = arith.cmpi slt, %parallel_loop3A_510, %parallel_loop3A_512 : vector<16xi32>
      %parallel_loop3A_514 = arith.constant 103 : i32
      %parallel_loop3A_515 = vector.broadcast %parallel_loop3A_514 : i32 to vector<16xi32>
      %parallel_loop3A_516 = arith.cmpi eq, %parallel_loop3A_506, %parallel_loop3A_515 : vector<16xi32>
      %parallel_loop3A_517 = arith.ori %parallel_loop3A_513, %parallel_loop3A_516 : vector<16xi1>
      %parallel_loop3A_518 = arith.constant -100 : i32
      %parallel_loop3A_519 = vector.broadcast %parallel_loop3A_518 : i32 to vector<16xi32>
      %parallel_loop3A_520 = arith.select %parallel_loop3A_517, %parallel_loop3A_506, %parallel_loop3A_519 : vector<16xi1>, vector<16xi32>
      %parallel_loop3A_521 = arith.index_cast %parallel_loop3A_498 : i32 to index
      %parallel_loop3A_522 = arith.index_cast %parallel_loop3A_502 : i32 to index
      %parallel_loop3A_523 = tpu.vector_load %arg7[%parallel_loop3A_521, %parallel_loop3A_522] {strides = array<i32>} : memref<8x2048xi32, #tpu.memory_space<vmem>>, vector<1x16xi32>,
      %parallel_loop3A_524 = vector.shape_cast %parallel_loop3A_523 : vector<1x16xi32> to vector<16xi32>
      %parallel_loop3A_525 = vector.shape_cast %parallel_loop3A_520 : vector<16xi32> to vector<1x16xi32>
      tpu.vector_store %arg7[%parallel_loop3A_521, %parallel_loop3A_522], %parallel_loop3A_525 {strides = array<i32>} : memref<8x2048xi32, #tpu.memory_space<vmem>>, vector<1x16xi32>,
    } {sc.loop_unroll_factor = 8 : i64, sc.parallel_access}
    %add3A_62 = arith.constant 8 : i32
    %add3A_63 = arith.addi %mul3A_2, %add3A_62 : i32
    %dma_start3A_64 = arith.constant 0 : i32
    %dma_start3A_65 = tpu.memref_slice %arg4[%add3A_63, %dma_start3A_64] : memref<4096x2048xi32, #tpu.memory_space<hbm>> -> memref<8x2048xi32, #tpu.memory_space<hbm>>
    %dma_start3A_66 = arith.constant 0 : i32
    %dma_start3A_67 = tpu.memref_slice %arg4[%add3A_63, %dma_start3A_66] : memref<4096x2048xi32, #tpu.memory_space<hbm>> -> memref<8x2048xi32, #tpu.memory_space<hbm>>
    tpu.enqueue_dma source(%arg7 : memref<8x2048xi32, #tpu.memory_space<vmem>>) target(%dma_start3A_67 : memref<8x2048xi32, #tpu.memory_space<hbm>>) target_semaphore(%arg14 : memref<!tpu.dma_semaphore, #tpu.memory_space<semaphore_mem>>)
    %dma_wait3A_68 = arith.constant 0 : i32
    %dma_wait3A_69 = tpu.memref_slice %arg4[%add3A_63, %dma_wait3A_68] : memref<4096x2048xi32, #tpu.memory_space<hbm>> -> memref<8x2048xi32, #tpu.memory_space<hbm>>
    %dma_wait3A_70 = arith.constant 0 : i32
    %dma_wait3A_71 = tpu.memref_slice %arg4[%add3A_63, %dma_wait3A_70] : memref<4096x2048xi32, #tpu.memory_space<hbm>> -> memref<8x2048xi32, #tpu.memory_space<hbm>>
    tpu.wait_dma2 semaphore(%arg14 : memref<!tpu.dma_semaphore, #tpu.memory_space<semaphore_mem>>) src(%arg7 : memref<8x2048xi32, #tpu.memory_space<vmem>>) dst(%dma_wait3A_71 : memref<8x2048xi32, #tpu.memory_space<hbm>>)
    %add3A_72 = arith.constant 24 : i32
    %add3A_73 = arith.addi %mul3A_2, %add3A_72 : i32
    %dma_start3A_74 = arith.constant 0 : i32
    %dma_start3A_75 = tpu.memref_slice %arg2[%add3A_73, %dma_start3A_74] : memref<4096x2048xi32, #tpu.memory_space<hbm>> -> memref<8x2048xi32, #tpu.memory_space<hbm>>
    %dma_start3A_76 = arith.constant 0 : i32
    %dma_start3A_77 = tpu.memref_slice %arg2[%add3A_73, %dma_start3A_76] : memref<4096x2048xi32, #tpu.memory_space<hbm>> -> memref<8x2048xi32, #tpu.memory_space<hbm>>
    tpu.enqueue_dma source(%dma_start3A_77 : memref<8x2048xi32, #tpu.memory_space<hbm>>) target(%arg7 : memref<8x2048xi32, #tpu.memory_space<vmem>>) target_semaphore(%arg11 : memref<!tpu.dma_semaphore, #tpu.memory_space<semaphore_mem>>)
    %dma_start3A_78 = arith.constant 0 : i32
    %dma_start3A_79 = tpu.memref_slice %arg3[%add3A_73, %dma_start3A_78] : memref<4096x2048xi32, #tpu.memory_space<hbm>> -> memref<8x2048xi32, #tpu.memory_space<hbm>>
    %dma_start3A_80 = arith.constant 0 : i32
    %dma_start3A_81 = tpu.memref_slice %arg3[%add3A_73, %dma_start3A_80] : memref<4096x2048xi32, #tpu.memory_space<hbm>> -> memref<8x2048xi32, #tpu.memory_space<hbm>>
    tpu.enqueue_dma source(%dma_start3A_81 : memref<8x2048xi32, #tpu.memory_space<hbm>>) target(%arg8 : memref<8x2048xi32, #tpu.memory_space<vmem>>) target_semaphore(%arg12 : memref<!tpu.dma_semaphore, #tpu.memory_space<semaphore_mem>>)
    %dma_wait3A_82 = arith.constant 0 : i32
    %dma_wait3A_83 = tpu.memref_slice %arg2[%add3A_42, %dma_wait3A_82] : memref<4096x2048xi32, #tpu.memory_space<hbm>> -> memref<8x2048xi32, #tpu.memory_space<hbm>>
    %dma_wait3A_84 = arith.constant 0 : i32
    %dma_wait3A_85 = tpu.memref_slice %arg2[%add3A_42, %dma_wait3A_84] : memref<4096x2048xi32, #tpu.memory_space<hbm>> -> memref<8x2048xi32, #tpu.memory_space<hbm>>
    tpu.wait_dma2 semaphore(%arg9 : memref<!tpu.dma_semaphore, #tpu.memory_space<semaphore_mem>>) src(%dma_wait3A_85 : memref<8x2048xi32, #tpu.memory_space<hbm>>) dst(%arg5 : memref<8x2048xi32, #tpu.memory_space<vmem>>)
    %dma_wait3A_86 = arith.constant 0 : i32
    %dma_wait3A_87 = tpu.memref_slice %arg3[%add3A_42, %dma_wait3A_86] : memref<4096x2048xi32, #tpu.memory_space<hbm>> -> memref<8x2048xi32, #tpu.memory_space<hbm>>
    %dma_wait3A_88 = arith.constant 0 : i32
    %dma_wait3A_89 = tpu.memref_slice %arg3[%add3A_42, %dma_wait3A_88] : memref<4096x2048xi32, #tpu.memory_space<hbm>> -> memref<8x2048xi32, #tpu.memory_space<hbm>>
    tpu.wait_dma2 semaphore(%arg10 : memref<!tpu.dma_semaphore, #tpu.memory_space<semaphore_mem>>) src(%dma_wait3A_89 : memref<8x2048xi32, #tpu.memory_space<hbm>>) dst(%arg6 : memref<8x2048xi32, #tpu.memory_space<vmem>>)
    %parallel_loop3A_90 = arith.constant 0 : i32
    %parallel_loop3A_91 = arith.constant 1024 : i32
    %parallel_loop3A_92 = arith.constant 1 : i32
    scf.for %parallel_loop3A_496 = %parallel_loop3A_90 to %parallel_loop3A_91 step %parallel_loop3A_92  : i32 {
      %parallel_loop3A_497 = arith.constant 7 : i32
      %parallel_loop3A_498 = arith.shrsi %parallel_loop3A_496, %parallel_loop3A_497 : i32
      %parallel_loop3A_499 = arith.constant 127 : i32
      %parallel_loop3A_500 = arith.andi %parallel_loop3A_496, %parallel_loop3A_499 : i32
      %parallel_loop3A_501 = arith.constant 16 : i32
      %parallel_loop3A_502 = arith.muli %parallel_loop3A_500, %parallel_loop3A_501 : i32
      %parallel_loop3A_503 = arith.index_cast %parallel_loop3A_498 : i32 to index
      %parallel_loop3A_504 = arith.index_cast %parallel_loop3A_502 : i32 to index
      %parallel_loop3A_505 = tpu.vector_load %arg5[%parallel_loop3A_503, %parallel_loop3A_504] {strides = array<i32>} : memref<8x2048xi32, #tpu.memory_space<vmem>>, vector<1x16xi32>,
      %parallel_loop3A_506 = vector.shape_cast %parallel_loop3A_505 : vector<1x16xi32> to vector<16xi32>
      %parallel_loop3A_507 = arith.index_cast %parallel_loop3A_498 : i32 to index
      %parallel_loop3A_508 = arith.index_cast %parallel_loop3A_502 : i32 to index
      %parallel_loop3A_509 = tpu.vector_load %arg6[%parallel_loop3A_507, %parallel_loop3A_508] {strides = array<i32>} : memref<8x2048xi32, #tpu.memory_space<vmem>>, vector<1x16xi32>,
      %parallel_loop3A_510 = vector.shape_cast %parallel_loop3A_509 : vector<1x16xi32> to vector<16xi32>
      %parallel_loop3A_511 = arith.constant 1041865114 : i32
      %parallel_loop3A_512 = vector.broadcast %parallel_loop3A_511 : i32 to vector<16xi32>
      %parallel_loop3A_513 = arith.cmpi slt, %parallel_loop3A_510, %parallel_loop3A_512 : vector<16xi32>
      %parallel_loop3A_514 = arith.constant 103 : i32
      %parallel_loop3A_515 = vector.broadcast %parallel_loop3A_514 : i32 to vector<16xi32>
      %parallel_loop3A_516 = arith.cmpi eq, %parallel_loop3A_506, %parallel_loop3A_515 : vector<16xi32>
      %parallel_loop3A_517 = arith.ori %parallel_loop3A_513, %parallel_loop3A_516 : vector<16xi1>
      %parallel_loop3A_518 = arith.constant -100 : i32
      %parallel_loop3A_519 = vector.broadcast %parallel_loop3A_518 : i32 to vector<16xi32>
      %parallel_loop3A_520 = arith.select %parallel_loop3A_517, %parallel_loop3A_506, %parallel_loop3A_519 : vector<16xi1>, vector<16xi32>
      %parallel_loop3A_521 = arith.index_cast %parallel_loop3A_498 : i32 to index
      %parallel_loop3A_522 = arith.index_cast %parallel_loop3A_502 : i32 to index
      %parallel_loop3A_523 = tpu.vector_load %arg5[%parallel_loop3A_521, %parallel_loop3A_522] {strides = array<i32>} : memref<8x2048xi32, #tpu.memory_space<vmem>>, vector<1x16xi32>,
      %parallel_loop3A_524 = vector.shape_cast %parallel_loop3A_523 : vector<1x16xi32> to vector<16xi32>
      %parallel_loop3A_525 = vector.shape_cast %parallel_loop3A_520 : vector<16xi32> to vector<1x16xi32>
      tpu.vector_store %arg5[%parallel_loop3A_521, %parallel_loop3A_522], %parallel_loop3A_525 {strides = array<i32>} : memref<8x2048xi32, #tpu.memory_space<vmem>>, vector<1x16xi32>,
    } {sc.loop_unroll_factor = 8 : i64, sc.parallel_access}
    %add3A_93 = arith.constant 16 : i32
    %add3A_94 = arith.addi %mul3A_2, %add3A_93 : i32
    %dma_start3A_95 = arith.constant 0 : i32
    %dma_start3A_96 = tpu.memref_slice %arg4[%add3A_94, %dma_start3A_95] : memref<4096x2048xi32, #tpu.memory_space<hbm>> -> memref<8x2048xi32, #tpu.memory_space<hbm>>
    %dma_start3A_97 = arith.constant 0 : i32
    %dma_start3A_98 = tpu.memref_slice %arg4[%add3A_94, %dma_start3A_97] : memref<4096x2048xi32, #tpu.memory_space<hbm>> -> memref<8x2048xi32, #tpu.memory_space<hbm>>
    tpu.enqueue_dma source(%arg5 : memref<8x2048xi32, #tpu.memory_space<vmem>>) target(%dma_start3A_98 : memref<8x2048xi32, #tpu.memory_space<hbm>>) target_semaphore(%arg13 : memref<!tpu.dma_semaphore, #tpu.memory_space<semaphore_mem>>)
    %dma_wait3A_99 = arith.constant 0 : i32
    %dma_wait3A_100 = tpu.memref_slice %arg4[%add3A_94, %dma_wait3A_99] : memref<4096x2048xi32, #tpu.memory_space<hbm>> -> memref<8x2048xi32, #tpu.memory_space<hbm>>
    %dma_wait3A_101 = arith.constant 0 : i32
    %dma_wait3A_102 = tpu.memref_slice %arg4[%add3A_94, %dma_wait3A_101] : memref<4096x2048xi32, #tpu.memory_space<hbm>> -> memref<8x2048xi32, #tpu.memory_space<hbm>>
    tpu.wait_dma2 semaphore(%arg13 : memref<!tpu.dma_semaphore, #tpu.memory_space<semaphore_mem>>) src(%arg5 : memref<8x2048xi32, #tpu.memory_space<vmem>>) dst(%dma_wait3A_102 : memref<8x2048xi32, #tpu.memory_space<hbm>>)
    %add3A_103 = arith.constant 32 : i32
    %add3A_104 = arith.addi %mul3A_2, %add3A_103 : i32
    %dma_start3A_105 = arith.constant 0 : i32
    %dma_start3A_106 = tpu.memref_slice %arg2[%add3A_104, %dma_start3A_105] : memref<4096x2048xi32, #tpu.memory_space<hbm>> -> memref<8x2048xi32, #tpu.memory_space<hbm>>
    %dma_start3A_107 = arith.constant 0 : i32
    %dma_start3A_108 = tpu.memref_slice %arg2[%add3A_104, %dma_start3A_107] : memref<4096x2048xi32, #tpu.memory_space<hbm>> -> memref<8x2048xi32, #tpu.memory_space<hbm>>
    tpu.enqueue_dma source(%dma_start3A_108 : memref<8x2048xi32, #tpu.memory_space<hbm>>) target(%arg5 : memref<8x2048xi32, #tpu.memory_space<vmem>>) target_semaphore(%arg9 : memref<!tpu.dma_semaphore, #tpu.memory_space<semaphore_mem>>)
    %dma_start3A_109 = arith.constant 0 : i32
    %dma_start3A_110 = tpu.memref_slice %arg3[%add3A_104, %dma_start3A_109] : memref<4096x2048xi32, #tpu.memory_space<hbm>> -> memref<8x2048xi32, #tpu.memory_space<hbm>>
    %dma_start3A_111 = arith.constant 0 : i32
    %dma_start3A_112 = tpu.memref_slice %arg3[%add3A_104, %dma_start3A_111] : memref<4096x2048xi32, #tpu.memory_space<hbm>> -> memref<8x2048xi32, #tpu.memory_space<hbm>>
    tpu.enqueue_dma source(%dma_start3A_112 : memref<8x2048xi32, #tpu.memory_space<hbm>>) target(%arg6 : memref<8x2048xi32, #tpu.memory_space<vmem>>) target_semaphore(%arg10 : memref<!tpu.dma_semaphore, #tpu.memory_space<semaphore_mem>>)
    %dma_wait3A_113 = arith.constant 0 : i32
    %dma_wait3A_114 = tpu.memref_slice %arg2[%add3A_73, %dma_wait3A_113] : memref<4096x2048xi32, #tpu.memory_space<hbm>> -> memref<8x2048xi32, #tpu.memory_space<hbm>>
    %dma_wait3A_115 = arith.constant 0 : i32
    %dma_wait3A_116 = tpu.memref_slice %arg2[%add3A_73, %dma_wait3A_115] : memref<4096x2048xi32, #tpu.memory_space<hbm>> -> memref<8x2048xi32, #tpu.memory_space<hbm>>
    tpu.wait_dma2 semaphore(%arg11 : memref<!tpu.dma_semaphore, #tpu.memory_space<semaphore_mem>>) src(%dma_wait3A_116 : memref<8x2048xi32, #tpu.memory_space<hbm>>) dst(%arg7 : memref<8x2048xi32, #tpu.memory_space<vmem>>)
    %dma_wait3A_117 = arith.constant 0 : i32
    %dma_wait3A_118 = tpu.memref_slice %arg3[%add3A_73, %dma_wait3A_117] : memref<4096x2048xi32, #tpu.memory_space<hbm>> -> memref<8x2048xi32, #tpu.memory_space<hbm>>
    %dma_wait3A_119 = arith.constant 0 : i32
    %dma_wait3A_120 = tpu.memref_slice %arg3[%add3A_73, %dma_wait3A_119] : memref<4096x2048xi32, #tpu.memory_space<hbm>> -> memref<8x2048xi32, #tpu.memory_space<hbm>>
    tpu.wait_dma2 semaphore(%arg12 : memref<!tpu.dma_semaphore, #tpu.memory_space<semaphore_mem>>) src(%dma_wait3A_120 : memref<8x2048xi32, #tpu.memory_space<hbm>>) dst(%arg8 : memref<8x2048xi32, #tpu.memory_space<vmem>>)
    %parallel_loop3A_121 = arith.constant 0 : i32
    %parallel_loop3A_122 = arith.constant 1024 : i32
    %parallel_loop3A_123 = arith.constant 1 : i32
    scf.for %parallel_loop3A_496 = %parallel_loop3A_121 to %parallel_loop3A_122 step %parallel_loop3A_123  : i32 {
      %parallel_loop3A_497 = arith.constant 7 : i32
      %parallel_loop3A_498 = arith.shrsi %parallel_loop3A_496, %parallel_loop3A_497 : i32
      %parallel_loop3A_499 = arith.constant 127 : i32
      %parallel_loop3A_500 = arith.andi %parallel_loop3A_496, %parallel_loop3A_499 : i32
      %parallel_loop3A_501 = arith.constant 16 : i32
      %parallel_loop3A_502 = arith.muli %parallel_loop3A_500, %parallel_loop3A_501 : i32
      %parallel_loop3A_503 = arith.index_cast %parallel_loop3A_498 : i32 to index
      %parallel_loop3A_504 = arith.index_cast %parallel_loop3A_502 : i32 to index
      %parallel_loop3A_505 = tpu.vector_load %arg7[%parallel_loop3A_503, %parallel_loop3A_504] {strides = array<i32>} : memref<8x2048xi32, #tpu.memory_space<vmem>>, vector<1x16xi32>,
      %parallel_loop3A_506 = vector.shape_cast %parallel_loop3A_505 : vector<1x16xi32> to vector<16xi32>
      %parallel_loop3A_507 = arith.index_cast %parallel_loop3A_498 : i32 to index
      %parallel_loop3A_508 = arith.index_cast %parallel_loop3A_502 : i32 to index
      %parallel_loop3A_509 = tpu.vector_load %arg8[%parallel_loop3A_507, %parallel_loop3A_508] {strides = array<i32>} : memref<8x2048xi32, #tpu.memory_space<vmem>>, vector<1x16xi32>,
      %parallel_loop3A_510 = vector.shape_cast %parallel_loop3A_509 : vector<1x16xi32> to vector<16xi32>
      %parallel_loop3A_511 = arith.constant 1041865114 : i32
      %parallel_loop3A_512 = vector.broadcast %parallel_loop3A_511 : i32 to vector<16xi32>
      %parallel_loop3A_513 = arith.cmpi slt, %parallel_loop3A_510, %parallel_loop3A_512 : vector<16xi32>
      %parallel_loop3A_514 = arith.constant 103 : i32
      %parallel_loop3A_515 = vector.broadcast %parallel_loop3A_514 : i32 to vector<16xi32>
      %parallel_loop3A_516 = arith.cmpi eq, %parallel_loop3A_506, %parallel_loop3A_515 : vector<16xi32>
      %parallel_loop3A_517 = arith.ori %parallel_loop3A_513, %parallel_loop3A_516 : vector<16xi1>
      %parallel_loop3A_518 = arith.constant -100 : i32
      %parallel_loop3A_519 = vector.broadcast %parallel_loop3A_518 : i32 to vector<16xi32>
      %parallel_loop3A_520 = arith.select %parallel_loop3A_517, %parallel_loop3A_506, %parallel_loop3A_519 : vector<16xi1>, vector<16xi32>
      %parallel_loop3A_521 = arith.index_cast %parallel_loop3A_498 : i32 to index
      %parallel_loop3A_522 = arith.index_cast %parallel_loop3A_502 : i32 to index
      %parallel_loop3A_523 = tpu.vector_load %arg7[%parallel_loop3A_521, %parallel_loop3A_522] {strides = array<i32>} : memref<8x2048xi32, #tpu.memory_space<vmem>>, vector<1x16xi32>,
      %parallel_loop3A_524 = vector.shape_cast %parallel_loop3A_523 : vector<1x16xi32> to vector<16xi32>
      %parallel_loop3A_525 = vector.shape_cast %parallel_loop3A_520 : vector<16xi32> to vector<1x16xi32>
      tpu.vector_store %arg7[%parallel_loop3A_521, %parallel_loop3A_522], %parallel_loop3A_525 {strides = array<i32>} : memref<8x2048xi32, #tpu.memory_space<vmem>>, vector<1x16xi32>,
    } {sc.loop_unroll_factor = 8 : i64, sc.parallel_access}
    %add3A_124 = arith.constant 24 : i32
    %add3A_125 = arith.addi %mul3A_2, %add3A_124 : i32
    %dma_start3A_126 = arith.constant 0 : i32
    %dma_start3A_127 = tpu.memref_slice %arg4[%add3A_125, %dma_start3A_126] : memref<4096x2048xi32, #tpu.memory_space<hbm>> -> memref<8x2048xi32, #tpu.memory_space<hbm>>
    %dma_start3A_128 = arith.constant 0 : i32
    %dma_start3A_129 = tpu.memref_slice %arg4[%add3A_125, %dma_start3A_128] : memref<4096x2048xi32, #tpu.memory_space<hbm>> -> memref<8x2048xi32, #tpu.memory_space<hbm>>
    tpu.enqueue_dma source(%arg7 : memref<8x2048xi32, #tpu.memory_space<vmem>>) target(%dma_start3A_129 : memref<8x2048xi32, #tpu.memory_space<hbm>>) target_semaphore(%arg14 : memref<!tpu.dma_semaphore, #tpu.memory_space<semaphore_mem>>)
    %dma_wait3A_130 = arith.constant 0 : i32
    %dma_wait3A_131 = tpu.memref_slice %arg4[%add3A_125, %dma_wait3A_130] : memref<4096x2048xi32, #tpu.memory_space<hbm>> -> memref<8x2048xi32, #tpu.memory_space<hbm>>
    %dma_wait3A_132 = arith.constant 0 : i32
    %dma_wait3A_133 = tpu.memref_slice %arg4[%add3A_125, %dma_wait3A_132] : memref<4096x2048xi32, #tpu.memory_space<hbm>> -> memref<8x2048xi32, #tpu.memory_space<hbm>>
    tpu.wait_dma2 semaphore(%arg14 : memref<!tpu.dma_semaphore, #tpu.memory_space<semaphore_mem>>) src(%arg7 : memref<8x2048xi32, #tpu.memory_space<vmem>>) dst(%dma_wait3A_133 : memref<8x2048xi32, #tpu.memory_space<hbm>>)
    %add3A_134 = arith.constant 40 : i32
    %add3A_135 = arith.addi %mul3A_2, %add3A_134 : i32
    %dma_start3A_136 = arith.constant 0 : i32
    %dma_start3A_137 = tpu.memref_slice %arg2[%add3A_135, %dma_start3A_136] : memref<4096x2048xi32, #tpu.memory_space<hbm>> -> memref<8x2048xi32, #tpu.memory_space<hbm>>
    %dma_start3A_138 = arith.constant 0 : i32
    %dma_start3A_139 = tpu.memref_slice %arg2[%add3A_135, %dma_start3A_138] : memref<4096x2048xi32, #tpu.memory_space<hbm>> -> memref<8x2048xi32, #tpu.memory_space<hbm>>
    tpu.enqueue_dma source(%dma_start3A_139 : memref<8x2048xi32, #tpu.memory_space<hbm>>) target(%arg7 : memref<8x2048xi32, #tpu.memory_space<vmem>>) target_semaphore(%arg11 : memref<!tpu.dma_semaphore, #tpu.memory_space<semaphore_mem>>)
    %dma_start3A_140 = arith.constant 0 : i32
    %dma_start3A_141 = tpu.memref_slice %arg3[%add3A_135, %dma_start3A_140] : memref<4096x2048xi32, #tpu.memory_space<hbm>> -> memref<8x2048xi32, #tpu.memory_space<hbm>>
    %dma_start3A_142 = arith.constant 0 : i32
    %dma_start3A_143 = tpu.memref_slice %arg3[%add3A_135, %dma_start3A_142] : memref<4096x2048xi32, #tpu.memory_space<hbm>> -> memref<8x2048xi32, #tpu.memory_space<hbm>>
    tpu.enqueue_dma source(%dma_start3A_143 : memref<8x2048xi32, #tpu.memory_space<hbm>>) target(%arg8 : memref<8x2048xi32, #tpu.memory_space<vmem>>) target_semaphore(%arg12 : memref<!tpu.dma_semaphore, #tpu.memory_space<semaphore_mem>>)
    %dma_wait3A_144 = arith.constant 0 : i32
    %dma_wait3A_145 = tpu.memref_slice %arg2[%add3A_104, %dma_wait3A_144] : memref<4096x2048xi32, #tpu.memory_space<hbm>> -> memref<8x2048xi32, #tpu.memory_space<hbm>>
    %dma_wait3A_146 = arith.constant 0 : i32
    %dma_wait3A_147 = tpu.memref_slice %arg2[%add3A_104, %dma_wait3A_146] : memref<4096x2048xi32, #tpu.memory_space<hbm>> -> memref<8x2048xi32, #tpu.memory_space<hbm>>
    tpu.wait_dma2 semaphore(%arg9 : memref<!tpu.dma_semaphore, #tpu.memory_space<semaphore_mem>>) src(%dma_wait3A_147 : memref<8x2048xi32, #tpu.memory_space<hbm>>) dst(%arg5 : memref<8x2048xi32, #tpu.memory_space<vmem>>)
    %dma_wait3A_148 = arith.constant 0 : i32
    %dma_wait3A_149 = tpu.memref_slice %arg3[%add3A_104, %dma_wait3A_148] : memref<4096x2048xi32, #tpu.memory_space<hbm>> -> memref<8x2048xi32, #tpu.memory_space<hbm>>
    %dma_wait3A_150 = arith.constant 0 : i32
    %dma_wait3A_151 = tpu.memref_slice %arg3[%add3A_104, %dma_wait3A_150] : memref<4096x2048xi32, #tpu.memory_space<hbm>> -> memref<8x2048xi32, #tpu.memory_space<hbm>>
    tpu.wait_dma2 semaphore(%arg10 : memref<!tpu.dma_semaphore, #tpu.memory_space<semaphore_mem>>) src(%dma_wait3A_151 : memref<8x2048xi32, #tpu.memory_space<hbm>>) dst(%arg6 : memref<8x2048xi32, #tpu.memory_space<vmem>>)
    %parallel_loop3A_152 = arith.constant 0 : i32
    %parallel_loop3A_153 = arith.constant 1024 : i32
    %parallel_loop3A_154 = arith.constant 1 : i32
    scf.for %parallel_loop3A_496 = %parallel_loop3A_152 to %parallel_loop3A_153 step %parallel_loop3A_154  : i32 {
      %parallel_loop3A_497 = arith.constant 7 : i32
      %parallel_loop3A_498 = arith.shrsi %parallel_loop3A_496, %parallel_loop3A_497 : i32
      %parallel_loop3A_499 = arith.constant 127 : i32
      %parallel_loop3A_500 = arith.andi %parallel_loop3A_496, %parallel_loop3A_499 : i32
      %parallel_loop3A_501 = arith.constant 16 : i32
      %parallel_loop3A_502 = arith.muli %parallel_loop3A_500, %parallel_loop3A_501 : i32
      %parallel_loop3A_503 = arith.index_cast %parallel_loop3A_498 : i32 to index
      %parallel_loop3A_504 = arith.index_cast %parallel_loop3A_502 : i32 to index
      %parallel_loop3A_505 = tpu.vector_load %arg5[%parallel_loop3A_503, %parallel_loop3A_504] {strides = array<i32>} : memref<8x2048xi32, #tpu.memory_space<vmem>>, vector<1x16xi32>,
      %parallel_loop3A_506 = vector.shape_cast %parallel_loop3A_505 : vector<1x16xi32> to vector<16xi32>
      %parallel_loop3A_507 = arith.index_cast %parallel_loop3A_498 : i32 to index
      %parallel_loop3A_508 = arith.index_cast %parallel_loop3A_502 : i32 to index
      %parallel_loop3A_509 = tpu.vector_load %arg6[%parallel_loop3A_507, %parallel_loop3A_508] {strides = array<i32>} : memref<8x2048xi32, #tpu.memory_space<vmem>>, vector<1x16xi32>,
      %parallel_loop3A_510 = vector.shape_cast %parallel_loop3A_509 : vector<1x16xi32> to vector<16xi32>
      %parallel_loop3A_511 = arith.constant 1041865114 : i32
      %parallel_loop3A_512 = vector.broadcast %parallel_loop3A_511 : i32 to vector<16xi32>
      %parallel_loop3A_513 = arith.cmpi slt, %parallel_loop3A_510, %parallel_loop3A_512 : vector<16xi32>
      %parallel_loop3A_514 = arith.constant 103 : i32
      %parallel_loop3A_515 = vector.broadcast %parallel_loop3A_514 : i32 to vector<16xi32>
      %parallel_loop3A_516 = arith.cmpi eq, %parallel_loop3A_506, %parallel_loop3A_515 : vector<16xi32>
      %parallel_loop3A_517 = arith.ori %parallel_loop3A_513, %parallel_loop3A_516 : vector<16xi1>
      %parallel_loop3A_518 = arith.constant -100 : i32
      %parallel_loop3A_519 = vector.broadcast %parallel_loop3A_518 : i32 to vector<16xi32>
      %parallel_loop3A_520 = arith.select %parallel_loop3A_517, %parallel_loop3A_506, %parallel_loop3A_519 : vector<16xi1>, vector<16xi32>
      %parallel_loop3A_521 = arith.index_cast %parallel_loop3A_498 : i32 to index
      %parallel_loop3A_522 = arith.index_cast %parallel_loop3A_502 : i32 to index
      %parallel_loop3A_523 = tpu.vector_load %arg5[%parallel_loop3A_521, %parallel_loop3A_522] {strides = array<i32>} : memref<8x2048xi32, #tpu.memory_space<vmem>>, vector<1x16xi32>,
      %parallel_loop3A_524 = vector.shape_cast %parallel_loop3A_523 : vector<1x16xi32> to vector<16xi32>
      %parallel_loop3A_525 = vector.shape_cast %parallel_loop3A_520 : vector<16xi32> to vector<1x16xi32>
      tpu.vector_store %arg5[%parallel_loop3A_521, %parallel_loop3A_522], %parallel_loop3A_525 {strides = array<i32>} : memref<8x2048xi32, #tpu.memory_space<vmem>>, vector<1x16xi32>,
    } {sc.loop_unroll_factor = 8 : i64, sc.parallel_access}
    %add3A_155 = arith.constant 32 : i32
    %add3A_156 = arith.addi %mul3A_2, %add3A_155 : i32
    %dma_start3A_157 = arith.constant 0 : i32
    %dma_start3A_158 = tpu.memref_slice %arg4[%add3A_156, %dma_start3A_157] : memref<4096x2048xi32, #tpu.memory_space<hbm>> -> memref<8x2048xi32, #tpu.memory_space<hbm>>
    %dma_start3A_159 = arith.constant 0 : i32
    %dma_start3A_160 = tpu.memref_slice %arg4[%add3A_156, %dma_start3A_159] : memref<4096x2048xi32, #tpu.memory_space<hbm>> -> memref<8x2048xi32, #tpu.memory_space<hbm>>
    tpu.enqueue_dma source(%arg5 : memref<8x2048xi32, #tpu.memory_space<vmem>>) target(%dma_start3A_160 : memref<8x2048xi32, #tpu.memory_space<hbm>>) target_semaphore(%arg13 : memref<!tpu.dma_semaphore, #tpu.memory_space<semaphore_mem>>)
    %dma_wait3A_161 = arith.constant 0 : i32
    %dma_wait3A_162 = tpu.memref_slice %arg4[%add3A_156, %dma_wait3A_161] : memref<4096x2048xi32, #tpu.memory_space<hbm>> -> memref<8x2048xi32, #tpu.memory_space<hbm>>
    %dma_wait3A_163 = arith.constant 0 : i32
    %dma_wait3A_164 = tpu.memref_slice %arg4[%add3A_156, %dma_wait3A_163] : memref<4096x2048xi32, #tpu.memory_space<hbm>> -> memref<8x2048xi32, #tpu.memory_space<hbm>>
    tpu.wait_dma2 semaphore(%arg13 : memref<!tpu.dma_semaphore, #tpu.memory_space<semaphore_mem>>) src(%arg5 : memref<8x2048xi32, #tpu.memory_space<vmem>>) dst(%dma_wait3A_164 : memref<8x2048xi32, #tpu.memory_space<hbm>>)
    %add3A_165 = arith.constant 48 : i32
    %add3A_166 = arith.addi %mul3A_2, %add3A_165 : i32
    %dma_start3A_167 = arith.constant 0 : i32
    %dma_start3A_168 = tpu.memref_slice %arg2[%add3A_166, %dma_start3A_167] : memref<4096x2048xi32, #tpu.memory_space<hbm>> -> memref<8x2048xi32, #tpu.memory_space<hbm>>
    %dma_start3A_169 = arith.constant 0 : i32
    %dma_start3A_170 = tpu.memref_slice %arg2[%add3A_166, %dma_start3A_169] : memref<4096x2048xi32, #tpu.memory_space<hbm>> -> memref<8x2048xi32, #tpu.memory_space<hbm>>
    tpu.enqueue_dma source(%dma_start3A_170 : memref<8x2048xi32, #tpu.memory_space<hbm>>) target(%arg5 : memref<8x2048xi32, #tpu.memory_space<vmem>>) target_semaphore(%arg9 : memref<!tpu.dma_semaphore, #tpu.memory_space<semaphore_mem>>)
    %dma_start3A_171 = arith.constant 0 : i32
    %dma_start3A_172 = tpu.memref_slice %arg3[%add3A_166, %dma_start3A_171] : memref<4096x2048xi32, #tpu.memory_space<hbm>> -> memref<8x2048xi32, #tpu.memory_space<hbm>>
    %dma_start3A_173 = arith.constant 0 : i32
    %dma_start3A_174 = tpu.memref_slice %arg3[%add3A_166, %dma_start3A_173] : memref<4096x2048xi32, #tpu.memory_space<hbm>> -> memref<8x2048xi32, #tpu.memory_space<hbm>>
    tpu.enqueue_dma source(%dma_start3A_174 : memref<8x2048xi32, #tpu.memory_space<hbm>>) target(%arg6 : memref<8x2048xi32, #tpu.memory_space<vmem>>) target_semaphore(%arg10 : memref<!tpu.dma_semaphore, #tpu.memory_space<semaphore_mem>>)
    %dma_wait3A_175 = arith.constant 0 : i32
    %dma_wait3A_176 = tpu.memref_slice %arg2[%add3A_135, %dma_wait3A_175] : memref<4096x2048xi32, #tpu.memory_space<hbm>> -> memref<8x2048xi32, #tpu.memory_space<hbm>>
    %dma_wait3A_177 = arith.constant 0 : i32
    %dma_wait3A_178 = tpu.memref_slice %arg2[%add3A_135, %dma_wait3A_177] : memref<4096x2048xi32, #tpu.memory_space<hbm>> -> memref<8x2048xi32, #tpu.memory_space<hbm>>
    tpu.wait_dma2 semaphore(%arg11 : memref<!tpu.dma_semaphore, #tpu.memory_space<semaphore_mem>>) src(%dma_wait3A_178 : memref<8x2048xi32, #tpu.memory_space<hbm>>) dst(%arg7 : memref<8x2048xi32, #tpu.memory_space<vmem>>)
    %dma_wait3A_179 = arith.constant 0 : i32
    %dma_wait3A_180 = tpu.memref_slice %arg3[%add3A_135, %dma_wait3A_179] : memref<4096x2048xi32, #tpu.memory_space<hbm>> -> memref<8x2048xi32, #tpu.memory_space<hbm>>
    %dma_wait3A_181 = arith.constant 0 : i32
    %dma_wait3A_182 = tpu.memref_slice %arg3[%add3A_135, %dma_wait3A_181] : memref<4096x2048xi32, #tpu.memory_space<hbm>> -> memref<8x2048xi32, #tpu.memory_space<hbm>>
    tpu.wait_dma2 semaphore(%arg12 : memref<!tpu.dma_semaphore, #tpu.memory_space<semaphore_mem>>) src(%dma_wait3A_182 : memref<8x2048xi32, #tpu.memory_space<hbm>>) dst(%arg8 : memref<8x2048xi32, #tpu.memory_space<vmem>>)
    %parallel_loop3A_183 = arith.constant 0 : i32
    %parallel_loop3A_184 = arith.constant 1024 : i32
    %parallel_loop3A_185 = arith.constant 1 : i32
    scf.for %parallel_loop3A_496 = %parallel_loop3A_183 to %parallel_loop3A_184 step %parallel_loop3A_185  : i32 {
      %parallel_loop3A_497 = arith.constant 7 : i32
      %parallel_loop3A_498 = arith.shrsi %parallel_loop3A_496, %parallel_loop3A_497 : i32
      %parallel_loop3A_499 = arith.constant 127 : i32
      %parallel_loop3A_500 = arith.andi %parallel_loop3A_496, %parallel_loop3A_499 : i32
      %parallel_loop3A_501 = arith.constant 16 : i32
      %parallel_loop3A_502 = arith.muli %parallel_loop3A_500, %parallel_loop3A_501 : i32
      %parallel_loop3A_503 = arith.index_cast %parallel_loop3A_498 : i32 to index
      %parallel_loop3A_504 = arith.index_cast %parallel_loop3A_502 : i32 to index
      %parallel_loop3A_505 = tpu.vector_load %arg7[%parallel_loop3A_503, %parallel_loop3A_504] {strides = array<i32>} : memref<8x2048xi32, #tpu.memory_space<vmem>>, vector<1x16xi32>,
      %parallel_loop3A_506 = vector.shape_cast %parallel_loop3A_505 : vector<1x16xi32> to vector<16xi32>
      %parallel_loop3A_507 = arith.index_cast %parallel_loop3A_498 : i32 to index
      %parallel_loop3A_508 = arith.index_cast %parallel_loop3A_502 : i32 to index
      %parallel_loop3A_509 = tpu.vector_load %arg8[%parallel_loop3A_507, %parallel_loop3A_508] {strides = array<i32>} : memref<8x2048xi32, #tpu.memory_space<vmem>>, vector<1x16xi32>,
      %parallel_loop3A_510 = vector.shape_cast %parallel_loop3A_509 : vector<1x16xi32> to vector<16xi32>
      %parallel_loop3A_511 = arith.constant 1041865114 : i32
      %parallel_loop3A_512 = vector.broadcast %parallel_loop3A_511 : i32 to vector<16xi32>
      %parallel_loop3A_513 = arith.cmpi slt, %parallel_loop3A_510, %parallel_loop3A_512 : vector<16xi32>
      %parallel_loop3A_514 = arith.constant 103 : i32
      %parallel_loop3A_515 = vector.broadcast %parallel_loop3A_514 : i32 to vector<16xi32>
      %parallel_loop3A_516 = arith.cmpi eq, %parallel_loop3A_506, %parallel_loop3A_515 : vector<16xi32>
      %parallel_loop3A_517 = arith.ori %parallel_loop3A_513, %parallel_loop3A_516 : vector<16xi1>
      %parallel_loop3A_518 = arith.constant -100 : i32
      %parallel_loop3A_519 = vector.broadcast %parallel_loop3A_518 : i32 to vector<16xi32>
      %parallel_loop3A_520 = arith.select %parallel_loop3A_517, %parallel_loop3A_506, %parallel_loop3A_519 : vector<16xi1>, vector<16xi32>
      %parallel_loop3A_521 = arith.index_cast %parallel_loop3A_498 : i32 to index
      %parallel_loop3A_522 = arith.index_cast %parallel_loop3A_502 : i32 to index
      %parallel_loop3A_523 = tpu.vector_load %arg7[%parallel_loop3A_521, %parallel_loop3A_522] {strides = array<i32>} : memref<8x2048xi32, #tpu.memory_space<vmem>>, vector<1x16xi32>,
      %parallel_loop3A_524 = vector.shape_cast %parallel_loop3A_523 : vector<1x16xi32> to vector<16xi32>
      %parallel_loop3A_525 = vector.shape_cast %parallel_loop3A_520 : vector<16xi32> to vector<1x16xi32>
      tpu.vector_store %arg7[%parallel_loop3A_521, %parallel_loop3A_522], %parallel_loop3A_525 {strides = array<i32>} : memref<8x2048xi32, #tpu.memory_space<vmem>>, vector<1x16xi32>,
    } {sc.loop_unroll_factor = 8 : i64, sc.parallel_access}
    %add3A_186 = arith.constant 40 : i32
    %add3A_187 = arith.addi %mul3A_2, %add3A_186 : i32
    %dma_start3A_188 = arith.constant 0 : i32
    %dma_start3A_189 = tpu.memref_slice %arg4[%add3A_187, %dma_start3A_188] : memref<4096x2048xi32, #tpu.memory_space<hbm>> -> memref<8x2048xi32, #tpu.memory_space<hbm>>
    %dma_start3A_190 = arith.constant 0 : i32
    %dma_start3A_191 = tpu.memref_slice %arg4[%add3A_187, %dma_start3A_190] : memref<4096x2048xi32, #tpu.memory_space<hbm>> -> memref<8x2048xi32, #tpu.memory_space<hbm>>
    tpu.enqueue_dma source(%arg7 : memref<8x2048xi32, #tpu.memory_space<vmem>>) target(%dma_start3A_191 : memref<8x2048xi32, #tpu.memory_space<hbm>>) target_semaphore(%arg14 : memref<!tpu.dma_semaphore, #tpu.memory_space<semaphore_mem>>)
    %dma_wait3A_192 = arith.constant 0 : i32
    %dma_wait3A_193 = tpu.memref_slice %arg4[%add3A_187, %dma_wait3A_192] : memref<4096x2048xi32, #tpu.memory_space<hbm>> -> memref<8x2048xi32, #tpu.memory_space<hbm>>
    %dma_wait3A_194 = arith.constant 0 : i32
    %dma_wait3A_195 = tpu.memref_slice %arg4[%add3A_187, %dma_wait3A_194] : memref<4096x2048xi32, #tpu.memory_space<hbm>> -> memref<8x2048xi32, #tpu.memory_space<hbm>>
    tpu.wait_dma2 semaphore(%arg14 : memref<!tpu.dma_semaphore, #tpu.memory_space<semaphore_mem>>) src(%arg7 : memref<8x2048xi32, #tpu.memory_space<vmem>>) dst(%dma_wait3A_195 : memref<8x2048xi32, #tpu.memory_space<hbm>>)
    %add3A_196 = arith.constant 56 : i32
    %add3A_197 = arith.addi %mul3A_2, %add3A_196 : i32
    %dma_start3A_198 = arith.constant 0 : i32
    %dma_start3A_199 = tpu.memref_slice %arg2[%add3A_197, %dma_start3A_198] : memref<4096x2048xi32, #tpu.memory_space<hbm>> -> memref<8x2048xi32, #tpu.memory_space<hbm>>
    %dma_start3A_200 = arith.constant 0 : i32
    %dma_start3A_201 = tpu.memref_slice %arg2[%add3A_197, %dma_start3A_200] : memref<4096x2048xi32, #tpu.memory_space<hbm>> -> memref<8x2048xi32, #tpu.memory_space<hbm>>
    tpu.enqueue_dma source(%dma_start3A_201 : memref<8x2048xi32, #tpu.memory_space<hbm>>) target(%arg7 : memref<8x2048xi32, #tpu.memory_space<vmem>>) target_semaphore(%arg11 : memref<!tpu.dma_semaphore, #tpu.memory_space<semaphore_mem>>)
    %dma_start3A_202 = arith.constant 0 : i32
    %dma_start3A_203 = tpu.memref_slice %arg3[%add3A_197, %dma_start3A_202] : memref<4096x2048xi32, #tpu.memory_space<hbm>> -> memref<8x2048xi32, #tpu.memory_space<hbm>>
    %dma_start3A_204 = arith.constant 0 : i32
    %dma_start3A_205 = tpu.memref_slice %arg3[%add3A_197, %dma_start3A_204] : memref<4096x2048xi32, #tpu.memory_space<hbm>> -> memref<8x2048xi32, #tpu.memory_space<hbm>>
    tpu.enqueue_dma source(%dma_start3A_205 : memref<8x2048xi32, #tpu.memory_space<hbm>>) target(%arg8 : memref<8x2048xi32, #tpu.memory_space<vmem>>) target_semaphore(%arg12 : memref<!tpu.dma_semaphore, #tpu.memory_space<semaphore_mem>>)
    %dma_wait3A_206 = arith.constant 0 : i32
    %dma_wait3A_207 = tpu.memref_slice %arg2[%add3A_166, %dma_wait3A_206] : memref<4096x2048xi32, #tpu.memory_space<hbm>> -> memref<8x2048xi32, #tpu.memory_space<hbm>>
    %dma_wait3A_208 = arith.constant 0 : i32
    %dma_wait3A_209 = tpu.memref_slice %arg2[%add3A_166, %dma_wait3A_208] : memref<4096x2048xi32, #tpu.memory_space<hbm>> -> memref<8x2048xi32, #tpu.memory_space<hbm>>
    tpu.wait_dma2 semaphore(%arg9 : memref<!tpu.dma_semaphore, #tpu.memory_space<semaphore_mem>>) src(%dma_wait3A_209 : memref<8x2048xi32, #tpu.memory_space<hbm>>) dst(%arg5 : memref<8x2048xi32, #tpu.memory_space<vmem>>)
    %dma_wait3A_210 = arith.constant 0 : i32
    %dma_wait3A_211 = tpu.memref_slice %arg3[%add3A_166, %dma_wait3A_210] : memref<4096x2048xi32, #tpu.memory_space<hbm>> -> memref<8x2048xi32, #tpu.memory_space<hbm>>
    %dma_wait3A_212 = arith.constant 0 : i32
    %dma_wait3A_213 = tpu.memref_slice %arg3[%add3A_166, %dma_wait3A_212] : memref<4096x2048xi32, #tpu.memory_space<hbm>> -> memref<8x2048xi32, #tpu.memory_space<hbm>>
    tpu.wait_dma2 semaphore(%arg10 : memref<!tpu.dma_semaphore, #tpu.memory_space<semaphore_mem>>) src(%dma_wait3A_213 : memref<8x2048xi32, #tpu.memory_space<hbm>>) dst(%arg6 : memref<8x2048xi32, #tpu.memory_space<vmem>>)
    %parallel_loop3A_214 = arith.constant 0 : i32
    %parallel_loop3A_215 = arith.constant 1024 : i32
    %parallel_loop3A_216 = arith.constant 1 : i32
    scf.for %parallel_loop3A_496 = %parallel_loop3A_214 to %parallel_loop3A_215 step %parallel_loop3A_216  : i32 {
      %parallel_loop3A_497 = arith.constant 7 : i32
      %parallel_loop3A_498 = arith.shrsi %parallel_loop3A_496, %parallel_loop3A_497 : i32
      %parallel_loop3A_499 = arith.constant 127 : i32
      %parallel_loop3A_500 = arith.andi %parallel_loop3A_496, %parallel_loop3A_499 : i32
      %parallel_loop3A_501 = arith.constant 16 : i32
      %parallel_loop3A_502 = arith.muli %parallel_loop3A_500, %parallel_loop3A_501 : i32
      %parallel_loop3A_503 = arith.index_cast %parallel_loop3A_498 : i32 to index
      %parallel_loop3A_504 = arith.index_cast %parallel_loop3A_502 : i32 to index
      %parallel_loop3A_505 = tpu.vector_load %arg5[%parallel_loop3A_503, %parallel_loop3A_504] {strides = array<i32>} : memref<8x2048xi32, #tpu.memory_space<vmem>>, vector<1x16xi32>,
      %parallel_loop3A_506 = vector.shape_cast %parallel_loop3A_505 : vector<1x16xi32> to vector<16xi32>
      %parallel_loop3A_507 = arith.index_cast %parallel_loop3A_498 : i32 to index
      %parallel_loop3A_508 = arith.index_cast %parallel_loop3A_502 : i32 to index
      %parallel_loop3A_509 = tpu.vector_load %arg6[%parallel_loop3A_507, %parallel_loop3A_508] {strides = array<i32>} : memref<8x2048xi32, #tpu.memory_space<vmem>>, vector<1x16xi32>,
      %parallel_loop3A_510 = vector.shape_cast %parallel_loop3A_509 : vector<1x16xi32> to vector<16xi32>
      %parallel_loop3A_511 = arith.constant 1041865114 : i32
      %parallel_loop3A_512 = vector.broadcast %parallel_loop3A_511 : i32 to vector<16xi32>
      %parallel_loop3A_513 = arith.cmpi slt, %parallel_loop3A_510, %parallel_loop3A_512 : vector<16xi32>
      %parallel_loop3A_514 = arith.constant 103 : i32
      %parallel_loop3A_515 = vector.broadcast %parallel_loop3A_514 : i32 to vector<16xi32>
      %parallel_loop3A_516 = arith.cmpi eq, %parallel_loop3A_506, %parallel_loop3A_515 : vector<16xi32>
      %parallel_loop3A_517 = arith.ori %parallel_loop3A_513, %parallel_loop3A_516 : vector<16xi1>
      %parallel_loop3A_518 = arith.constant -100 : i32
      %parallel_loop3A_519 = vector.broadcast %parallel_loop3A_518 : i32 to vector<16xi32>
      %parallel_loop3A_520 = arith.select %parallel_loop3A_517, %parallel_loop3A_506, %parallel_loop3A_519 : vector<16xi1>, vector<16xi32>
      %parallel_loop3A_521 = arith.index_cast %parallel_loop3A_498 : i32 to index
      %parallel_loop3A_522 = arith.index_cast %parallel_loop3A_502 : i32 to index
      %parallel_loop3A_523 = tpu.vector_load %arg5[%parallel_loop3A_521, %parallel_loop3A_522] {strides = array<i32>} : memref<8x2048xi32, #tpu.memory_space<vmem>>, vector<1x16xi32>,
      %parallel_loop3A_524 = vector.shape_cast %parallel_loop3A_523 : vector<1x16xi32> to vector<16xi32>
      %parallel_loop3A_525 = vector.shape_cast %parallel_loop3A_520 : vector<16xi32> to vector<1x16xi32>
      tpu.vector_store %arg5[%parallel_loop3A_521, %parallel_loop3A_522], %parallel_loop3A_525 {strides = array<i32>} : memref<8x2048xi32, #tpu.memory_space<vmem>>, vector<1x16xi32>,
    } {sc.loop_unroll_factor = 8 : i64, sc.parallel_access}
    %add3A_217 = arith.constant 48 : i32
    %add3A_218 = arith.addi %mul3A_2, %add3A_217 : i32
    %dma_start3A_219 = arith.constant 0 : i32
    %dma_start3A_220 = tpu.memref_slice %arg4[%add3A_218, %dma_start3A_219] : memref<4096x2048xi32, #tpu.memory_space<hbm>> -> memref<8x2048xi32, #tpu.memory_space<hbm>>
    %dma_start3A_221 = arith.constant 0 : i32
    %dma_start3A_222 = tpu.memref_slice %arg4[%add3A_218, %dma_start3A_221] : memref<4096x2048xi32, #tpu.memory_space<hbm>> -> memref<8x2048xi32, #tpu.memory_space<hbm>>
    tpu.enqueue_dma source(%arg5 : memref<8x2048xi32, #tpu.memory_space<vmem>>) target(%dma_start3A_222 : memref<8x2048xi32, #tpu.memory_space<hbm>>) target_semaphore(%arg13 : memref<!tpu.dma_semaphore, #tpu.memory_space<semaphore_mem>>)
    %dma_wait3A_223 = arith.constant 0 : i32
    %dma_wait3A_224 = tpu.memref_slice %arg4[%add3A_218, %dma_wait3A_223] : memref<4096x2048xi32, #tpu.memory_space<hbm>> -> memref<8x2048xi32, #tpu.memory_space<hbm>>
    %dma_wait3A_225 = arith.constant 0 : i32
    %dma_wait3A_226 = tpu.memref_slice %arg4[%add3A_218, %dma_wait3A_225] : memref<4096x2048xi32, #tpu.memory_space<hbm>> -> memref<8x2048xi32, #tpu.memory_space<hbm>>
    tpu.wait_dma2 semaphore(%arg13 : memref<!tpu.dma_semaphore, #tpu.memory_space<semaphore_mem>>) src(%arg5 : memref<8x2048xi32, #tpu.memory_space<vmem>>) dst(%dma_wait3A_226 : memref<8x2048xi32, #tpu.memory_space<hbm>>)
    %add3A_227 = arith.constant 64 : i32
    %add3A_228 = arith.addi %mul3A_2, %add3A_227 : i32
    %dma_start3A_229 = arith.constant 0 : i32
    %dma_start3A_230 = tpu.memref_slice %arg2[%add3A_228, %dma_start3A_229] : memref<4096x2048xi32, #tpu.memory_space<hbm>> -> memref<8x2048xi32, #tpu.memory_space<hbm>>
    %dma_start3A_231 = arith.constant 0 : i32
    %dma_start3A_232 = tpu.memref_slice %arg2[%add3A_228, %dma_start3A_231] : memref<4096x2048xi32, #tpu.memory_space<hbm>> -> memref<8x2048xi32, #tpu.memory_space<hbm>>
    tpu.enqueue_dma source(%dma_start3A_232 : memref<8x2048xi32, #tpu.memory_space<hbm>>) target(%arg5 : memref<8x2048xi32, #tpu.memory_space<vmem>>) target_semaphore(%arg9 : memref<!tpu.dma_semaphore, #tpu.memory_space<semaphore_mem>>)
    %dma_start3A_233 = arith.constant 0 : i32
    %dma_start3A_234 = tpu.memref_slice %arg3[%add3A_228, %dma_start3A_233] : memref<4096x2048xi32, #tpu.memory_space<hbm>> -> memref<8x2048xi32, #tpu.memory_space<hbm>>
    %dma_start3A_235 = arith.constant 0 : i32
    %dma_start3A_236 = tpu.memref_slice %arg3[%add3A_228, %dma_start3A_235] : memref<4096x2048xi32, #tpu.memory_space<hbm>> -> memref<8x2048xi32, #tpu.memory_space<hbm>>
    tpu.enqueue_dma source(%dma_start3A_236 : memref<8x2048xi32, #tpu.memory_space<hbm>>) target(%arg6 : memref<8x2048xi32, #tpu.memory_space<vmem>>) target_semaphore(%arg10 : memref<!tpu.dma_semaphore, #tpu.memory_space<semaphore_mem>>)
    %dma_wait3A_237 = arith.constant 0 : i32
    %dma_wait3A_238 = tpu.memref_slice %arg2[%add3A_197, %dma_wait3A_237] : memref<4096x2048xi32, #tpu.memory_space<hbm>> -> memref<8x2048xi32, #tpu.memory_space<hbm>>
    %dma_wait3A_239 = arith.constant 0 : i32
    %dma_wait3A_240 = tpu.memref_slice %arg2[%add3A_197, %dma_wait3A_239] : memref<4096x2048xi32, #tpu.memory_space<hbm>> -> memref<8x2048xi32, #tpu.memory_space<hbm>>
    tpu.wait_dma2 semaphore(%arg11 : memref<!tpu.dma_semaphore, #tpu.memory_space<semaphore_mem>>) src(%dma_wait3A_240 : memref<8x2048xi32, #tpu.memory_space<hbm>>) dst(%arg7 : memref<8x2048xi32, #tpu.memory_space<vmem>>)
    %dma_wait3A_241 = arith.constant 0 : i32
    %dma_wait3A_242 = tpu.memref_slice %arg3[%add3A_197, %dma_wait3A_241] : memref<4096x2048xi32, #tpu.memory_space<hbm>> -> memref<8x2048xi32, #tpu.memory_space<hbm>>
    %dma_wait3A_243 = arith.constant 0 : i32
    %dma_wait3A_244 = tpu.memref_slice %arg3[%add3A_197, %dma_wait3A_243] : memref<4096x2048xi32, #tpu.memory_space<hbm>> -> memref<8x2048xi32, #tpu.memory_space<hbm>>
    tpu.wait_dma2 semaphore(%arg12 : memref<!tpu.dma_semaphore, #tpu.memory_space<semaphore_mem>>) src(%dma_wait3A_244 : memref<8x2048xi32, #tpu.memory_space<hbm>>) dst(%arg8 : memref<8x2048xi32, #tpu.memory_space<vmem>>)
    %parallel_loop3A_245 = arith.constant 0 : i32
    %parallel_loop3A_246 = arith.constant 1024 : i32
    %parallel_loop3A_247 = arith.constant 1 : i32
    scf.for %parallel_loop3A_496 = %parallel_loop3A_245 to %parallel_loop3A_246 step %parallel_loop3A_247  : i32 {
      %parallel_loop3A_497 = arith.constant 7 : i32
      %parallel_loop3A_498 = arith.shrsi %parallel_loop3A_496, %parallel_loop3A_497 : i32
      %parallel_loop3A_499 = arith.constant 127 : i32
      %parallel_loop3A_500 = arith.andi %parallel_loop3A_496, %parallel_loop3A_499 : i32
      %parallel_loop3A_501 = arith.constant 16 : i32
      %parallel_loop3A_502 = arith.muli %parallel_loop3A_500, %parallel_loop3A_501 : i32
      %parallel_loop3A_503 = arith.index_cast %parallel_loop3A_498 : i32 to index
      %parallel_loop3A_504 = arith.index_cast %parallel_loop3A_502 : i32 to index
      %parallel_loop3A_505 = tpu.vector_load %arg7[%parallel_loop3A_503, %parallel_loop3A_504] {strides = array<i32>} : memref<8x2048xi32, #tpu.memory_space<vmem>>, vector<1x16xi32>,
      %parallel_loop3A_506 = vector.shape_cast %parallel_loop3A_505 : vector<1x16xi32> to vector<16xi32>
      %parallel_loop3A_507 = arith.index_cast %parallel_loop3A_498 : i32 to index
      %parallel_loop3A_508 = arith.index_cast %parallel_loop3A_502 : i32 to index
      %parallel_loop3A_509 = tpu.vector_load %arg8[%parallel_loop3A_507, %parallel_loop3A_508] {strides = array<i32>} : memref<8x2048xi32, #tpu.memory_space<vmem>>, vector<1x16xi32>,
      %parallel_loop3A_510 = vector.shape_cast %parallel_loop3A_509 : vector<1x16xi32> to vector<16xi32>
      %parallel_loop3A_511 = arith.constant 1041865114 : i32
      %parallel_loop3A_512 = vector.broadcast %parallel_loop3A_511 : i32 to vector<16xi32>
      %parallel_loop3A_513 = arith.cmpi slt, %parallel_loop3A_510, %parallel_loop3A_512 : vector<16xi32>
      %parallel_loop3A_514 = arith.constant 103 : i32
      %parallel_loop3A_515 = vector.broadcast %parallel_loop3A_514 : i32 to vector<16xi32>
      %parallel_loop3A_516 = arith.cmpi eq, %parallel_loop3A_506, %parallel_loop3A_515 : vector<16xi32>
      %parallel_loop3A_517 = arith.ori %parallel_loop3A_513, %parallel_loop3A_516 : vector<16xi1>
      %parallel_loop3A_518 = arith.constant -100 : i32
      %parallel_loop3A_519 = vector.broadcast %parallel_loop3A_518 : i32 to vector<16xi32>
      %parallel_loop3A_520 = arith.select %parallel_loop3A_517, %parallel_loop3A_506, %parallel_loop3A_519 : vector<16xi1>, vector<16xi32>
      %parallel_loop3A_521 = arith.index_cast %parallel_loop3A_498 : i32 to index
      %parallel_loop3A_522 = arith.index_cast %parallel_loop3A_502 : i32 to index
      %parallel_loop3A_523 = tpu.vector_load %arg7[%parallel_loop3A_521, %parallel_loop3A_522] {strides = array<i32>} : memref<8x2048xi32, #tpu.memory_space<vmem>>, vector<1x16xi32>,
      %parallel_loop3A_524 = vector.shape_cast %parallel_loop3A_523 : vector<1x16xi32> to vector<16xi32>
      %parallel_loop3A_525 = vector.shape_cast %parallel_loop3A_520 : vector<16xi32> to vector<1x16xi32>
      tpu.vector_store %arg7[%parallel_loop3A_521, %parallel_loop3A_522], %parallel_loop3A_525 {strides = array<i32>} : memref<8x2048xi32, #tpu.memory_space<vmem>>, vector<1x16xi32>,
    } {sc.loop_unroll_factor = 8 : i64, sc.parallel_access}
    %add3A_248 = arith.constant 56 : i32
    %add3A_249 = arith.addi %mul3A_2, %add3A_248 : i32
    %dma_start3A_250 = arith.constant 0 : i32
    %dma_start3A_251 = tpu.memref_slice %arg4[%add3A_249, %dma_start3A_250] : memref<4096x2048xi32, #tpu.memory_space<hbm>> -> memref<8x2048xi32, #tpu.memory_space<hbm>>
    %dma_start3A_252 = arith.constant 0 : i32
    %dma_start3A_253 = tpu.memref_slice %arg4[%add3A_249, %dma_start3A_252] : memref<4096x2048xi32, #tpu.memory_space<hbm>> -> memref<8x2048xi32, #tpu.memory_space<hbm>>
    tpu.enqueue_dma source(%arg7 : memref<8x2048xi32, #tpu.memory_space<vmem>>) target(%dma_start3A_253 : memref<8x2048xi32, #tpu.memory_space<hbm>>) target_semaphore(%arg14 : memref<!tpu.dma_semaphore, #tpu.memory_space<semaphore_mem>>)
    %dma_wait3A_254 = arith.constant 0 : i32
    %dma_wait3A_255 = tpu.memref_slice %arg4[%add3A_249, %dma_wait3A_254] : memref<4096x2048xi32, #tpu.memory_space<hbm>> -> memref<8x2048xi32, #tpu.memory_space<hbm>>
    %dma_wait3A_256 = arith.constant 0 : i32
    %dma_wait3A_257 = tpu.memref_slice %arg4[%add3A_249, %dma_wait3A_256] : memref<4096x2048xi32, #tpu.memory_space<hbm>> -> memref<8x2048xi32, #tpu.memory_space<hbm>>
    tpu.wait_dma2 semaphore(%arg14 : memref<!tpu.dma_semaphore, #tpu.memory_space<semaphore_mem>>) src(%arg7 : memref<8x2048xi32, #tpu.memory_space<vmem>>) dst(%dma_wait3A_257 : memref<8x2048xi32, #tpu.memory_space<hbm>>)
    %add3A_258 = arith.constant 72 : i32
    %add3A_259 = arith.addi %mul3A_2, %add3A_258 : i32
    %dma_start3A_260 = arith.constant 0 : i32
    %dma_start3A_261 = tpu.memref_slice %arg2[%add3A_259, %dma_start3A_260] : memref<4096x2048xi32, #tpu.memory_space<hbm>> -> memref<8x2048xi32, #tpu.memory_space<hbm>>
    %dma_start3A_262 = arith.constant 0 : i32
    %dma_start3A_263 = tpu.memref_slice %arg2[%add3A_259, %dma_start3A_262] : memref<4096x2048xi32, #tpu.memory_space<hbm>> -> memref<8x2048xi32, #tpu.memory_space<hbm>>
    tpu.enqueue_dma source(%dma_start3A_263 : memref<8x2048xi32, #tpu.memory_space<hbm>>) target(%arg7 : memref<8x2048xi32, #tpu.memory_space<vmem>>) target_semaphore(%arg11 : memref<!tpu.dma_semaphore, #tpu.memory_space<semaphore_mem>>)
    %dma_start3A_264 = arith.constant 0 : i32
    %dma_start3A_265 = tpu.memref_slice %arg3[%add3A_259, %dma_start3A_264] : memref<4096x2048xi32, #tpu.memory_space<hbm>> -> memref<8x2048xi32, #tpu.memory_space<hbm>>
    %dma_start3A_266 = arith.constant 0 : i32
    %dma_start3A_267 = tpu.memref_slice %arg3[%add3A_259, %dma_start3A_266] : memref<4096x2048xi32, #tpu.memory_space<hbm>> -> memref<8x2048xi32, #tpu.memory_space<hbm>>
    tpu.enqueue_dma source(%dma_start3A_267 : memref<8x2048xi32, #tpu.memory_space<hbm>>) target(%arg8 : memref<8x2048xi32, #tpu.memory_space<vmem>>) target_semaphore(%arg12 : memref<!tpu.dma_semaphore, #tpu.memory_space<semaphore_mem>>)
    %dma_wait3A_268 = arith.constant 0 : i32
    %dma_wait3A_269 = tpu.memref_slice %arg2[%add3A_228, %dma_wait3A_268] : memref<4096x2048xi32, #tpu.memory_space<hbm>> -> memref<8x2048xi32, #tpu.memory_space<hbm>>
    %dma_wait3A_270 = arith.constant 0 : i32
    %dma_wait3A_271 = tpu.memref_slice %arg2[%add3A_228, %dma_wait3A_270] : memref<4096x2048xi32, #tpu.memory_space<hbm>> -> memref<8x2048xi32, #tpu.memory_space<hbm>>
    tpu.wait_dma2 semaphore(%arg9 : memref<!tpu.dma_semaphore, #tpu.memory_space<semaphore_mem>>) src(%dma_wait3A_271 : memref<8x2048xi32, #tpu.memory_space<hbm>>) dst(%arg5 : memref<8x2048xi32, #tpu.memory_space<vmem>>)
    %dma_wait3A_272 = arith.constant 0 : i32
    %dma_wait3A_273 = tpu.memref_slice %arg3[%add3A_228, %dma_wait3A_272] : memref<4096x2048xi32, #tpu.memory_space<hbm>> -> memref<8x2048xi32, #tpu.memory_space<hbm>>
    %dma_wait3A_274 = arith.constant 0 : i32
    %dma_wait3A_275 = tpu.memref_slice %arg3[%add3A_228, %dma_wait3A_274] : memref<4096x2048xi32, #tpu.memory_space<hbm>> -> memref<8x2048xi32, #tpu.memory_space<hbm>>
    tpu.wait_dma2 semaphore(%arg10 : memref<!tpu.dma_semaphore, #tpu.memory_space<semaphore_mem>>) src(%dma_wait3A_275 : memref<8x2048xi32, #tpu.memory_space<hbm>>) dst(%arg6 : memref<8x2048xi32, #tpu.memory_space<vmem>>)
    %parallel_loop3A_276 = arith.constant 0 : i32
    %parallel_loop3A_277 = arith.constant 1024 : i32
    %parallel_loop3A_278 = arith.constant 1 : i32
    scf.for %parallel_loop3A_496 = %parallel_loop3A_276 to %parallel_loop3A_277 step %parallel_loop3A_278  : i32 {
      %parallel_loop3A_497 = arith.constant 7 : i32
      %parallel_loop3A_498 = arith.shrsi %parallel_loop3A_496, %parallel_loop3A_497 : i32
      %parallel_loop3A_499 = arith.constant 127 : i32
      %parallel_loop3A_500 = arith.andi %parallel_loop3A_496, %parallel_loop3A_499 : i32
      %parallel_loop3A_501 = arith.constant 16 : i32
      %parallel_loop3A_502 = arith.muli %parallel_loop3A_500, %parallel_loop3A_501 : i32
      %parallel_loop3A_503 = arith.index_cast %parallel_loop3A_498 : i32 to index
      %parallel_loop3A_504 = arith.index_cast %parallel_loop3A_502 : i32 to index
      %parallel_loop3A_505 = tpu.vector_load %arg5[%parallel_loop3A_503, %parallel_loop3A_504] {strides = array<i32>} : memref<8x2048xi32, #tpu.memory_space<vmem>>, vector<1x16xi32>,
      %parallel_loop3A_506 = vector.shape_cast %parallel_loop3A_505 : vector<1x16xi32> to vector<16xi32>
      %parallel_loop3A_507 = arith.index_cast %parallel_loop3A_498 : i32 to index
      %parallel_loop3A_508 = arith.index_cast %parallel_loop3A_502 : i32 to index
      %parallel_loop3A_509 = tpu.vector_load %arg6[%parallel_loop3A_507, %parallel_loop3A_508] {strides = array<i32>} : memref<8x2048xi32, #tpu.memory_space<vmem>>, vector<1x16xi32>,
      %parallel_loop3A_510 = vector.shape_cast %parallel_loop3A_509 : vector<1x16xi32> to vector<16xi32>
      %parallel_loop3A_511 = arith.constant 1041865114 : i32
      %parallel_loop3A_512 = vector.broadcast %parallel_loop3A_511 : i32 to vector<16xi32>
      %parallel_loop3A_513 = arith.cmpi slt, %parallel_loop3A_510, %parallel_loop3A_512 : vector<16xi32>
      %parallel_loop3A_514 = arith.constant 103 : i32
      %parallel_loop3A_515 = vector.broadcast %parallel_loop3A_514 : i32 to vector<16xi32>
      %parallel_loop3A_516 = arith.cmpi eq, %parallel_loop3A_506, %parallel_loop3A_515 : vector<16xi32>
      %parallel_loop3A_517 = arith.ori %parallel_loop3A_513, %parallel_loop3A_516 : vector<16xi1>
      %parallel_loop3A_518 = arith.constant -100 : i32
      %parallel_loop3A_519 = vector.broadcast %parallel_loop3A_518 : i32 to vector<16xi32>
      %parallel_loop3A_520 = arith.select %parallel_loop3A_517, %parallel_loop3A_506, %parallel_loop3A_519 : vector<16xi1>, vector<16xi32>
      %parallel_loop3A_521 = arith.index_cast %parallel_loop3A_498 : i32 to index
      %parallel_loop3A_522 = arith.index_cast %parallel_loop3A_502 : i32 to index
      %parallel_loop3A_523 = tpu.vector_load %arg5[%parallel_loop3A_521, %parallel_loop3A_522] {strides = array<i32>} : memref<8x2048xi32, #tpu.memory_space<vmem>>, vector<1x16xi32>,
      %parallel_loop3A_524 = vector.shape_cast %parallel_loop3A_523 : vector<1x16xi32> to vector<16xi32>
      %parallel_loop3A_525 = vector.shape_cast %parallel_loop3A_520 : vector<16xi32> to vector<1x16xi32>
      tpu.vector_store %arg5[%parallel_loop3A_521, %parallel_loop3A_522], %parallel_loop3A_525 {strides = array<i32>} : memref<8x2048xi32, #tpu.memory_space<vmem>>, vector<1x16xi32>,
    } {sc.loop_unroll_factor = 8 : i64, sc.parallel_access}
    %add3A_279 = arith.constant 64 : i32
    %add3A_280 = arith.addi %mul3A_2, %add3A_279 : i32
    %dma_start3A_281 = arith.constant 0 : i32
    %dma_start3A_282 = tpu.memref_slice %arg4[%add3A_280, %dma_start3A_281] : memref<4096x2048xi32, #tpu.memory_space<hbm>> -> memref<8x2048xi32, #tpu.memory_space<hbm>>
    %dma_start3A_283 = arith.constant 0 : i32
    %dma_start3A_284 = tpu.memref_slice %arg4[%add3A_280, %dma_start3A_283] : memref<4096x2048xi32, #tpu.memory_space<hbm>> -> memref<8x2048xi32, #tpu.memory_space<hbm>>
    tpu.enqueue_dma source(%arg5 : memref<8x2048xi32, #tpu.memory_space<vmem>>) target(%dma_start3A_284 : memref<8x2048xi32, #tpu.memory_space<hbm>>) target_semaphore(%arg13 : memref<!tpu.dma_semaphore, #tpu.memory_space<semaphore_mem>>)
    %dma_wait3A_285 = arith.constant 0 : i32
    %dma_wait3A_286 = tpu.memref_slice %arg4[%add3A_280, %dma_wait3A_285] : memref<4096x2048xi32, #tpu.memory_space<hbm>> -> memref<8x2048xi32, #tpu.memory_space<hbm>>
    %dma_wait3A_287 = arith.constant 0 : i32
    %dma_wait3A_288 = tpu.memref_slice %arg4[%add3A_280, %dma_wait3A_287] : memref<4096x2048xi32, #tpu.memory_space<hbm>> -> memref<8x2048xi32, #tpu.memory_space<hbm>>
    tpu.wait_dma2 semaphore(%arg13 : memref<!tpu.dma_semaphore, #tpu.memory_space<semaphore_mem>>) src(%arg5 : memref<8x2048xi32, #tpu.memory_space<vmem>>) dst(%dma_wait3A_288 : memref<8x2048xi32, #tpu.memory_space<hbm>>)
    %add3A_289 = arith.constant 80 : i32
    %add3A_290 = arith.addi %mul3A_2, %add3A_289 : i32
    %dma_start3A_291 = arith.constant 0 : i32
    %dma_start3A_292 = tpu.memref_slice %arg2[%add3A_290, %dma_start3A_291] : memref<4096x2048xi32, #tpu.memory_space<hbm>> -> memref<8x2048xi32, #tpu.memory_space<hbm>>
    %dma_start3A_293 = arith.constant 0 : i32
    %dma_start3A_294 = tpu.memref_slice %arg2[%add3A_290, %dma_start3A_293] : memref<4096x2048xi32, #tpu.memory_space<hbm>> -> memref<8x2048xi32, #tpu.memory_space<hbm>>
    tpu.enqueue_dma source(%dma_start3A_294 : memref<8x2048xi32, #tpu.memory_space<hbm>>) target(%arg5 : memref<8x2048xi32, #tpu.memory_space<vmem>>) target_semaphore(%arg9 : memref<!tpu.dma_semaphore, #tpu.memory_space<semaphore_mem>>)
    %dma_start3A_295 = arith.constant 0 : i32
    %dma_start3A_296 = tpu.memref_slice %arg3[%add3A_290, %dma_start3A_295] : memref<4096x2048xi32, #tpu.memory_space<hbm>> -> memref<8x2048xi32, #tpu.memory_space<hbm>>
    %dma_start3A_297 = arith.constant 0 : i32
    %dma_start3A_298 = tpu.memref_slice %arg3[%add3A_290, %dma_start3A_297] : memref<4096x2048xi32, #tpu.memory_space<hbm>> -> memref<8x2048xi32, #tpu.memory_space<hbm>>
    tpu.enqueue_dma source(%dma_start3A_298 : memref<8x2048xi32, #tpu.memory_space<hbm>>) target(%arg6 : memref<8x2048xi32, #tpu.memory_space<vmem>>) target_semaphore(%arg10 : memref<!tpu.dma_semaphore, #tpu.memory_space<semaphore_mem>>)
    %dma_wait3A_299 = arith.constant 0 : i32
    %dma_wait3A_300 = tpu.memref_slice %arg2[%add3A_259, %dma_wait3A_299] : memref<4096x2048xi32, #tpu.memory_space<hbm>> -> memref<8x2048xi32, #tpu.memory_space<hbm>>
    %dma_wait3A_301 = arith.constant 0 : i32
    %dma_wait3A_302 = tpu.memref_slice %arg2[%add3A_259, %dma_wait3A_301] : memref<4096x2048xi32, #tpu.memory_space<hbm>> -> memref<8x2048xi32, #tpu.memory_space<hbm>>
    tpu.wait_dma2 semaphore(%arg11 : memref<!tpu.dma_semaphore, #tpu.memory_space<semaphore_mem>>) src(%dma_wait3A_302 : memref<8x2048xi32, #tpu.memory_space<hbm>>) dst(%arg7 : memref<8x2048xi32, #tpu.memory_space<vmem>>)
    %dma_wait3A_303 = arith.constant 0 : i32
    %dma_wait3A_304 = tpu.memref_slice %arg3[%add3A_259, %dma_wait3A_303] : memref<4096x2048xi32, #tpu.memory_space<hbm>> -> memref<8x2048xi32, #tpu.memory_space<hbm>>
    %dma_wait3A_305 = arith.constant 0 : i32
    %dma_wait3A_306 = tpu.memref_slice %arg3[%add3A_259, %dma_wait3A_305] : memref<4096x2048xi32, #tpu.memory_space<hbm>> -> memref<8x2048xi32, #tpu.memory_space<hbm>>
    tpu.wait_dma2 semaphore(%arg12 : memref<!tpu.dma_semaphore, #tpu.memory_space<semaphore_mem>>) src(%dma_wait3A_306 : memref<8x2048xi32, #tpu.memory_space<hbm>>) dst(%arg8 : memref<8x2048xi32, #tpu.memory_space<vmem>>)
    %parallel_loop3A_307 = arith.constant 0 : i32
    %parallel_loop3A_308 = arith.constant 1024 : i32
    %parallel_loop3A_309 = arith.constant 1 : i32
    scf.for %parallel_loop3A_496 = %parallel_loop3A_307 to %parallel_loop3A_308 step %parallel_loop3A_309  : i32 {
      %parallel_loop3A_497 = arith.constant 7 : i32
      %parallel_loop3A_498 = arith.shrsi %parallel_loop3A_496, %parallel_loop3A_497 : i32
      %parallel_loop3A_499 = arith.constant 127 : i32
      %parallel_loop3A_500 = arith.andi %parallel_loop3A_496, %parallel_loop3A_499 : i32
      %parallel_loop3A_501 = arith.constant 16 : i32
      %parallel_loop3A_502 = arith.muli %parallel_loop3A_500, %parallel_loop3A_501 : i32
      %parallel_loop3A_503 = arith.index_cast %parallel_loop3A_498 : i32 to index
      %parallel_loop3A_504 = arith.index_cast %parallel_loop3A_502 : i32 to index
      %parallel_loop3A_505 = tpu.vector_load %arg7[%parallel_loop3A_503, %parallel_loop3A_504] {strides = array<i32>} : memref<8x2048xi32, #tpu.memory_space<vmem>>, vector<1x16xi32>,
      %parallel_loop3A_506 = vector.shape_cast %parallel_loop3A_505 : vector<1x16xi32> to vector<16xi32>
      %parallel_loop3A_507 = arith.index_cast %parallel_loop3A_498 : i32 to index
      %parallel_loop3A_508 = arith.index_cast %parallel_loop3A_502 : i32 to index
      %parallel_loop3A_509 = tpu.vector_load %arg8[%parallel_loop3A_507, %parallel_loop3A_508] {strides = array<i32>} : memref<8x2048xi32, #tpu.memory_space<vmem>>, vector<1x16xi32>,
      %parallel_loop3A_510 = vector.shape_cast %parallel_loop3A_509 : vector<1x16xi32> to vector<16xi32>
      %parallel_loop3A_511 = arith.constant 1041865114 : i32
      %parallel_loop3A_512 = vector.broadcast %parallel_loop3A_511 : i32 to vector<16xi32>
      %parallel_loop3A_513 = arith.cmpi slt, %parallel_loop3A_510, %parallel_loop3A_512 : vector<16xi32>
      %parallel_loop3A_514 = arith.constant 103 : i32
      %parallel_loop3A_515 = vector.broadcast %parallel_loop3A_514 : i32 to vector<16xi32>
      %parallel_loop3A_516 = arith.cmpi eq, %parallel_loop3A_506, %parallel_loop3A_515 : vector<16xi32>
      %parallel_loop3A_517 = arith.ori %parallel_loop3A_513, %parallel_loop3A_516 : vector<16xi1>
      %parallel_loop3A_518 = arith.constant -100 : i32
      %parallel_loop3A_519 = vector.broadcast %parallel_loop3A_518 : i32 to vector<16xi32>
      %parallel_loop3A_520 = arith.select %parallel_loop3A_517, %parallel_loop3A_506, %parallel_loop3A_519 : vector<16xi1>, vector<16xi32>
      %parallel_loop3A_521 = arith.index_cast %parallel_loop3A_498 : i32 to index
      %parallel_loop3A_522 = arith.index_cast %parallel_loop3A_502 : i32 to index
      %parallel_loop3A_523 = tpu.vector_load %arg7[%parallel_loop3A_521, %parallel_loop3A_522] {strides = array<i32>} : memref<8x2048xi32, #tpu.memory_space<vmem>>, vector<1x16xi32>,
      %parallel_loop3A_524 = vector.shape_cast %parallel_loop3A_523 : vector<1x16xi32> to vector<16xi32>
      %parallel_loop3A_525 = vector.shape_cast %parallel_loop3A_520 : vector<16xi32> to vector<1x16xi32>
      tpu.vector_store %arg7[%parallel_loop3A_521, %parallel_loop3A_522], %parallel_loop3A_525 {strides = array<i32>} : memref<8x2048xi32, #tpu.memory_space<vmem>>, vector<1x16xi32>,
    } {sc.loop_unroll_factor = 8 : i64, sc.parallel_access}
    %add3A_310 = arith.constant 72 : i32
    %add3A_311 = arith.addi %mul3A_2, %add3A_310 : i32
    %dma_start3A_312 = arith.constant 0 : i32
    %dma_start3A_313 = tpu.memref_slice %arg4[%add3A_311, %dma_start3A_312] : memref<4096x2048xi32, #tpu.memory_space<hbm>> -> memref<8x2048xi32, #tpu.memory_space<hbm>>
    %dma_start3A_314 = arith.constant 0 : i32
    %dma_start3A_315 = tpu.memref_slice %arg4[%add3A_311, %dma_start3A_314] : memref<4096x2048xi32, #tpu.memory_space<hbm>> -> memref<8x2048xi32, #tpu.memory_space<hbm>>
    tpu.enqueue_dma source(%arg7 : memref<8x2048xi32, #tpu.memory_space<vmem>>) target(%dma_start3A_315 : memref<8x2048xi32, #tpu.memory_space<hbm>>) target_semaphore(%arg14 : memref<!tpu.dma_semaphore, #tpu.memory_space<semaphore_mem>>)
    %dma_wait3A_316 = arith.constant 0 : i32
    %dma_wait3A_317 = tpu.memref_slice %arg4[%add3A_311, %dma_wait3A_316] : memref<4096x2048xi32, #tpu.memory_space<hbm>> -> memref<8x2048xi32, #tpu.memory_space<hbm>>
    %dma_wait3A_318 = arith.constant 0 : i32
    %dma_wait3A_319 = tpu.memref_slice %arg4[%add3A_311, %dma_wait3A_318] : memref<4096x2048xi32, #tpu.memory_space<hbm>> -> memref<8x2048xi32, #tpu.memory_space<hbm>>
    tpu.wait_dma2 semaphore(%arg14 : memref<!tpu.dma_semaphore, #tpu.memory_space<semaphore_mem>>) src(%arg7 : memref<8x2048xi32, #tpu.memory_space<vmem>>) dst(%dma_wait3A_319 : memref<8x2048xi32, #tpu.memory_space<hbm>>)
    %add3A_320 = arith.constant 88 : i32
    %add3A_321 = arith.addi %mul3A_2, %add3A_320 : i32
    %dma_start3A_322 = arith.constant 0 : i32
    %dma_start3A_323 = tpu.memref_slice %arg2[%add3A_321, %dma_start3A_322] : memref<4096x2048xi32, #tpu.memory_space<hbm>> -> memref<8x2048xi32, #tpu.memory_space<hbm>>
    %dma_start3A_324 = arith.constant 0 : i32
    %dma_start3A_325 = tpu.memref_slice %arg2[%add3A_321, %dma_start3A_324] : memref<4096x2048xi32, #tpu.memory_space<hbm>> -> memref<8x2048xi32, #tpu.memory_space<hbm>>
    tpu.enqueue_dma source(%dma_start3A_325 : memref<8x2048xi32, #tpu.memory_space<hbm>>) target(%arg7 : memref<8x2048xi32, #tpu.memory_space<vmem>>) target_semaphore(%arg11 : memref<!tpu.dma_semaphore, #tpu.memory_space<semaphore_mem>>)
    %dma_start3A_326 = arith.constant 0 : i32
    %dma_start3A_327 = tpu.memref_slice %arg3[%add3A_321, %dma_start3A_326] : memref<4096x2048xi32, #tpu.memory_space<hbm>> -> memref<8x2048xi32, #tpu.memory_space<hbm>>
    %dma_start3A_328 = arith.constant 0 : i32
    %dma_start3A_329 = tpu.memref_slice %arg3[%add3A_321, %dma_start3A_328] : memref<4096x2048xi32, #tpu.memory_space<hbm>> -> memref<8x2048xi32, #tpu.memory_space<hbm>>
    tpu.enqueue_dma source(%dma_start3A_329 : memref<8x2048xi32, #tpu.memory_space<hbm>>) target(%arg8 : memref<8x2048xi32, #tpu.memory_space<vmem>>) target_semaphore(%arg12 : memref<!tpu.dma_semaphore, #tpu.memory_space<semaphore_mem>>)
    %dma_wait3A_330 = arith.constant 0 : i32
    %dma_wait3A_331 = tpu.memref_slice %arg2[%add3A_290, %dma_wait3A_330] : memref<4096x2048xi32, #tpu.memory_space<hbm>> -> memref<8x2048xi32, #tpu.memory_space<hbm>>
    %dma_wait3A_332 = arith.constant 0 : i32
    %dma_wait3A_333 = tpu.memref_slice %arg2[%add3A_290, %dma_wait3A_332] : memref<4096x2048xi32, #tpu.memory_space<hbm>> -> memref<8x2048xi32, #tpu.memory_space<hbm>>
    tpu.wait_dma2 semaphore(%arg9 : memref<!tpu.dma_semaphore, #tpu.memory_space<semaphore_mem>>) src(%dma_wait3A_333 : memref<8x2048xi32, #tpu.memory_space<hbm>>) dst(%arg5 : memref<8x2048xi32, #tpu.memory_space<vmem>>)
    %dma_wait3A_334 = arith.constant 0 : i32
    %dma_wait3A_335 = tpu.memref_slice %arg3[%add3A_290, %dma_wait3A_334] : memref<4096x2048xi32, #tpu.memory_space<hbm>> -> memref<8x2048xi32, #tpu.memory_space<hbm>>
    %dma_wait3A_336 = arith.constant 0 : i32
    %dma_wait3A_337 = tpu.memref_slice %arg3[%add3A_290, %dma_wait3A_336] : memref<4096x2048xi32, #tpu.memory_space<hbm>> -> memref<8x2048xi32, #tpu.memory_space<hbm>>
    tpu.wait_dma2 semaphore(%arg10 : memref<!tpu.dma_semaphore, #tpu.memory_space<semaphore_mem>>) src(%dma_wait3A_337 : memref<8x2048xi32, #tpu.memory_space<hbm>>) dst(%arg6 : memref<8x2048xi32, #tpu.memory_space<vmem>>)
    %parallel_loop3A_338 = arith.constant 0 : i32
    %parallel_loop3A_339 = arith.constant 1024 : i32
    %parallel_loop3A_340 = arith.constant 1 : i32
    scf.for %parallel_loop3A_496 = %parallel_loop3A_338 to %parallel_loop3A_339 step %parallel_loop3A_340  : i32 {
      %parallel_loop3A_497 = arith.constant 7 : i32
      %parallel_loop3A_498 = arith.shrsi %parallel_loop3A_496, %parallel_loop3A_497 : i32
      %parallel_loop3A_499 = arith.constant 127 : i32
      %parallel_loop3A_500 = arith.andi %parallel_loop3A_496, %parallel_loop3A_499 : i32
      %parallel_loop3A_501 = arith.constant 16 : i32
      %parallel_loop3A_502 = arith.muli %parallel_loop3A_500, %parallel_loop3A_501 : i32
      %parallel_loop3A_503 = arith.index_cast %parallel_loop3A_498 : i32 to index
      %parallel_loop3A_504 = arith.index_cast %parallel_loop3A_502 : i32 to index
      %parallel_loop3A_505 = tpu.vector_load %arg5[%parallel_loop3A_503, %parallel_loop3A_504] {strides = array<i32>} : memref<8x2048xi32, #tpu.memory_space<vmem>>, vector<1x16xi32>,
      %parallel_loop3A_506 = vector.shape_cast %parallel_loop3A_505 : vector<1x16xi32> to vector<16xi32>
      %parallel_loop3A_507 = arith.index_cast %parallel_loop3A_498 : i32 to index
      %parallel_loop3A_508 = arith.index_cast %parallel_loop3A_502 : i32 to index
      %parallel_loop3A_509 = tpu.vector_load %arg6[%parallel_loop3A_507, %parallel_loop3A_508] {strides = array<i32>} : memref<8x2048xi32, #tpu.memory_space<vmem>>, vector<1x16xi32>,
      %parallel_loop3A_510 = vector.shape_cast %parallel_loop3A_509 : vector<1x16xi32> to vector<16xi32>
      %parallel_loop3A_511 = arith.constant 1041865114 : i32
      %parallel_loop3A_512 = vector.broadcast %parallel_loop3A_511 : i32 to vector<16xi32>
      %parallel_loop3A_513 = arith.cmpi slt, %parallel_loop3A_510, %parallel_loop3A_512 : vector<16xi32>
      %parallel_loop3A_514 = arith.constant 103 : i32
      %parallel_loop3A_515 = vector.broadcast %parallel_loop3A_514 : i32 to vector<16xi32>
      %parallel_loop3A_516 = arith.cmpi eq, %parallel_loop3A_506, %parallel_loop3A_515 : vector<16xi32>
      %parallel_loop3A_517 = arith.ori %parallel_loop3A_513, %parallel_loop3A_516 : vector<16xi1>
      %parallel_loop3A_518 = arith.constant -100 : i32
      %parallel_loop3A_519 = vector.broadcast %parallel_loop3A_518 : i32 to vector<16xi32>
      %parallel_loop3A_520 = arith.select %parallel_loop3A_517, %parallel_loop3A_506, %parallel_loop3A_519 : vector<16xi1>, vector<16xi32>
      %parallel_loop3A_521 = arith.index_cast %parallel_loop3A_498 : i32 to index
      %parallel_loop3A_522 = arith.index_cast %parallel_loop3A_502 : i32 to index
      %parallel_loop3A_523 = tpu.vector_load %arg5[%parallel_loop3A_521, %parallel_loop3A_522] {strides = array<i32>} : memref<8x2048xi32, #tpu.memory_space<vmem>>, vector<1x16xi32>,
      %parallel_loop3A_524 = vector.shape_cast %parallel_loop3A_523 : vector<1x16xi32> to vector<16xi32>
      %parallel_loop3A_525 = vector.shape_cast %parallel_loop3A_520 : vector<16xi32> to vector<1x16xi32>
      tpu.vector_store %arg5[%parallel_loop3A_521, %parallel_loop3A_522], %parallel_loop3A_525 {strides = array<i32>} : memref<8x2048xi32, #tpu.memory_space<vmem>>, vector<1x16xi32>,
    } {sc.loop_unroll_factor = 8 : i64, sc.parallel_access}
    %add3A_341 = arith.constant 80 : i32
    %add3A_342 = arith.addi %mul3A_2, %add3A_341 : i32
    %dma_start3A_343 = arith.constant 0 : i32
    %dma_start3A_344 = tpu.memref_slice %arg4[%add3A_342, %dma_start3A_343] : memref<4096x2048xi32, #tpu.memory_space<hbm>> -> memref<8x2048xi32, #tpu.memory_space<hbm>>
    %dma_start3A_345 = arith.constant 0 : i32
    %dma_start3A_346 = tpu.memref_slice %arg4[%add3A_342, %dma_start3A_345] : memref<4096x2048xi32, #tpu.memory_space<hbm>> -> memref<8x2048xi32, #tpu.memory_space<hbm>>
    tpu.enqueue_dma source(%arg5 : memref<8x2048xi32, #tpu.memory_space<vmem>>) target(%dma_start3A_346 : memref<8x2048xi32, #tpu.memory_space<hbm>>) target_semaphore(%arg13 : memref<!tpu.dma_semaphore, #tpu.memory_space<semaphore_mem>>)
    %dma_wait3A_347 = arith.constant 0 : i32
    %dma_wait3A_348 = tpu.memref_slice %arg4[%add3A_342, %dma_wait3A_347] : memref<4096x2048xi32, #tpu.memory_space<hbm>> -> memref<8x2048xi32, #tpu.memory_space<hbm>>
    %dma_wait3A_349 = arith.constant 0 : i32
    %dma_wait3A_350 = tpu.memref_slice %arg4[%add3A_342, %dma_wait3A_349] : memref<4096x2048xi32, #tpu.memory_space<hbm>> -> memref<8x2048xi32, #tpu.memory_space<hbm>>
    tpu.wait_dma2 semaphore(%arg13 : memref<!tpu.dma_semaphore, #tpu.memory_space<semaphore_mem>>) src(%arg5 : memref<8x2048xi32, #tpu.memory_space<vmem>>) dst(%dma_wait3A_350 : memref<8x2048xi32, #tpu.memory_space<hbm>>)
    %add3A_351 = arith.constant 96 : i32
    %add3A_352 = arith.addi %mul3A_2, %add3A_351 : i32
    %dma_start3A_353 = arith.constant 0 : i32
    %dma_start3A_354 = tpu.memref_slice %arg2[%add3A_352, %dma_start3A_353] : memref<4096x2048xi32, #tpu.memory_space<hbm>> -> memref<8x2048xi32, #tpu.memory_space<hbm>>
    %dma_start3A_355 = arith.constant 0 : i32
    %dma_start3A_356 = tpu.memref_slice %arg2[%add3A_352, %dma_start3A_355] : memref<4096x2048xi32, #tpu.memory_space<hbm>> -> memref<8x2048xi32, #tpu.memory_space<hbm>>
    tpu.enqueue_dma source(%dma_start3A_356 : memref<8x2048xi32, #tpu.memory_space<hbm>>) target(%arg5 : memref<8x2048xi32, #tpu.memory_space<vmem>>) target_semaphore(%arg9 : memref<!tpu.dma_semaphore, #tpu.memory_space<semaphore_mem>>)
    %dma_start3A_357 = arith.constant 0 : i32
    %dma_start3A_358 = tpu.memref_slice %arg3[%add3A_352, %dma_start3A_357] : memref<4096x2048xi32, #tpu.memory_space<hbm>> -> memref<8x2048xi32, #tpu.memory_space<hbm>>
    %dma_start3A_359 = arith.constant 0 : i32
    %dma_start3A_360 = tpu.memref_slice %arg3[%add3A_352, %dma_start3A_359] : memref<4096x2048xi32, #tpu.memory_space<hbm>> -> memref<8x2048xi32, #tpu.memory_space<hbm>>
    tpu.enqueue_dma source(%dma_start3A_360 : memref<8x2048xi32, #tpu.memory_space<hbm>>) target(%arg6 : memref<8x2048xi32, #tpu.memory_space<vmem>>) target_semaphore(%arg10 : memref<!tpu.dma_semaphore, #tpu.memory_space<semaphore_mem>>)
    %dma_wait3A_361 = arith.constant 0 : i32
    %dma_wait3A_362 = tpu.memref_slice %arg2[%add3A_321, %dma_wait3A_361] : memref<4096x2048xi32, #tpu.memory_space<hbm>> -> memref<8x2048xi32, #tpu.memory_space<hbm>>
    %dma_wait3A_363 = arith.constant 0 : i32
    %dma_wait3A_364 = tpu.memref_slice %arg2[%add3A_321, %dma_wait3A_363] : memref<4096x2048xi32, #tpu.memory_space<hbm>> -> memref<8x2048xi32, #tpu.memory_space<hbm>>
    tpu.wait_dma2 semaphore(%arg11 : memref<!tpu.dma_semaphore, #tpu.memory_space<semaphore_mem>>) src(%dma_wait3A_364 : memref<8x2048xi32, #tpu.memory_space<hbm>>) dst(%arg7 : memref<8x2048xi32, #tpu.memory_space<vmem>>)
    %dma_wait3A_365 = arith.constant 0 : i32
    %dma_wait3A_366 = tpu.memref_slice %arg3[%add3A_321, %dma_wait3A_365] : memref<4096x2048xi32, #tpu.memory_space<hbm>> -> memref<8x2048xi32, #tpu.memory_space<hbm>>
    %dma_wait3A_367 = arith.constant 0 : i32
    %dma_wait3A_368 = tpu.memref_slice %arg3[%add3A_321, %dma_wait3A_367] : memref<4096x2048xi32, #tpu.memory_space<hbm>> -> memref<8x2048xi32, #tpu.memory_space<hbm>>
    tpu.wait_dma2 semaphore(%arg12 : memref<!tpu.dma_semaphore, #tpu.memory_space<semaphore_mem>>) src(%dma_wait3A_368 : memref<8x2048xi32, #tpu.memory_space<hbm>>) dst(%arg8 : memref<8x2048xi32, #tpu.memory_space<vmem>>)
    %parallel_loop3A_369 = arith.constant 0 : i32
    %parallel_loop3A_370 = arith.constant 1024 : i32
    %parallel_loop3A_371 = arith.constant 1 : i32
    scf.for %parallel_loop3A_496 = %parallel_loop3A_369 to %parallel_loop3A_370 step %parallel_loop3A_371  : i32 {
      %parallel_loop3A_497 = arith.constant 7 : i32
      %parallel_loop3A_498 = arith.shrsi %parallel_loop3A_496, %parallel_loop3A_497 : i32
      %parallel_loop3A_499 = arith.constant 127 : i32
      %parallel_loop3A_500 = arith.andi %parallel_loop3A_496, %parallel_loop3A_499 : i32
      %parallel_loop3A_501 = arith.constant 16 : i32
      %parallel_loop3A_502 = arith.muli %parallel_loop3A_500, %parallel_loop3A_501 : i32
      %parallel_loop3A_503 = arith.index_cast %parallel_loop3A_498 : i32 to index
      %parallel_loop3A_504 = arith.index_cast %parallel_loop3A_502 : i32 to index
      %parallel_loop3A_505 = tpu.vector_load %arg7[%parallel_loop3A_503, %parallel_loop3A_504] {strides = array<i32>} : memref<8x2048xi32, #tpu.memory_space<vmem>>, vector<1x16xi32>,
      %parallel_loop3A_506 = vector.shape_cast %parallel_loop3A_505 : vector<1x16xi32> to vector<16xi32>
      %parallel_loop3A_507 = arith.index_cast %parallel_loop3A_498 : i32 to index
      %parallel_loop3A_508 = arith.index_cast %parallel_loop3A_502 : i32 to index
      %parallel_loop3A_509 = tpu.vector_load %arg8[%parallel_loop3A_507, %parallel_loop3A_508] {strides = array<i32>} : memref<8x2048xi32, #tpu.memory_space<vmem>>, vector<1x16xi32>,
      %parallel_loop3A_510 = vector.shape_cast %parallel_loop3A_509 : vector<1x16xi32> to vector<16xi32>
      %parallel_loop3A_511 = arith.constant 1041865114 : i32
      %parallel_loop3A_512 = vector.broadcast %parallel_loop3A_511 : i32 to vector<16xi32>
      %parallel_loop3A_513 = arith.cmpi slt, %parallel_loop3A_510, %parallel_loop3A_512 : vector<16xi32>
      %parallel_loop3A_514 = arith.constant 103 : i32
      %parallel_loop3A_515 = vector.broadcast %parallel_loop3A_514 : i32 to vector<16xi32>
      %parallel_loop3A_516 = arith.cmpi eq, %parallel_loop3A_506, %parallel_loop3A_515 : vector<16xi32>
      %parallel_loop3A_517 = arith.ori %parallel_loop3A_513, %parallel_loop3A_516 : vector<16xi1>
      %parallel_loop3A_518 = arith.constant -100 : i32
      %parallel_loop3A_519 = vector.broadcast %parallel_loop3A_518 : i32 to vector<16xi32>
      %parallel_loop3A_520 = arith.select %parallel_loop3A_517, %parallel_loop3A_506, %parallel_loop3A_519 : vector<16xi1>, vector<16xi32>
      %parallel_loop3A_521 = arith.index_cast %parallel_loop3A_498 : i32 to index
      %parallel_loop3A_522 = arith.index_cast %parallel_loop3A_502 : i32 to index
      %parallel_loop3A_523 = tpu.vector_load %arg7[%parallel_loop3A_521, %parallel_loop3A_522] {strides = array<i32>} : memref<8x2048xi32, #tpu.memory_space<vmem>>, vector<1x16xi32>,
      %parallel_loop3A_524 = vector.shape_cast %parallel_loop3A_523 : vector<1x16xi32> to vector<16xi32>
      %parallel_loop3A_525 = vector.shape_cast %parallel_loop3A_520 : vector<16xi32> to vector<1x16xi32>
      tpu.vector_store %arg7[%parallel_loop3A_521, %parallel_loop3A_522], %parallel_loop3A_525 {strides = array<i32>} : memref<8x2048xi32, #tpu.memory_space<vmem>>, vector<1x16xi32>,
    } {sc.loop_unroll_factor = 8 : i64, sc.parallel_access}
    %add3A_372 = arith.constant 88 : i32
    %add3A_373 = arith.addi %mul3A_2, %add3A_372 : i32
    %dma_start3A_374 = arith.constant 0 : i32
    %dma_start3A_375 = tpu.memref_slice %arg4[%add3A_373, %dma_start3A_374] : memref<4096x2048xi32, #tpu.memory_space<hbm>> -> memref<8x2048xi32, #tpu.memory_space<hbm>>
    %dma_start3A_376 = arith.constant 0 : i32
    %dma_start3A_377 = tpu.memref_slice %arg4[%add3A_373, %dma_start3A_376] : memref<4096x2048xi32, #tpu.memory_space<hbm>> -> memref<8x2048xi32, #tpu.memory_space<hbm>>
    tpu.enqueue_dma source(%arg7 : memref<8x2048xi32, #tpu.memory_space<vmem>>) target(%dma_start3A_377 : memref<8x2048xi32, #tpu.memory_space<hbm>>) target_semaphore(%arg14 : memref<!tpu.dma_semaphore, #tpu.memory_space<semaphore_mem>>)
    %dma_wait3A_378 = arith.constant 0 : i32
    %dma_wait3A_379 = tpu.memref_slice %arg4[%add3A_373, %dma_wait3A_378] : memref<4096x2048xi32, #tpu.memory_space<hbm>> -> memref<8x2048xi32, #tpu.memory_space<hbm>>
    %dma_wait3A_380 = arith.constant 0 : i32
    %dma_wait3A_381 = tpu.memref_slice %arg4[%add3A_373, %dma_wait3A_380] : memref<4096x2048xi32, #tpu.memory_space<hbm>> -> memref<8x2048xi32, #tpu.memory_space<hbm>>
    tpu.wait_dma2 semaphore(%arg14 : memref<!tpu.dma_semaphore, #tpu.memory_space<semaphore_mem>>) src(%arg7 : memref<8x2048xi32, #tpu.memory_space<vmem>>) dst(%dma_wait3A_381 : memref<8x2048xi32, #tpu.memory_space<hbm>>)
    %add3A_382 = arith.constant 104 : i32
    %add3A_383 = arith.addi %mul3A_2, %add3A_382 : i32
    %dma_start3A_384 = arith.constant 0 : i32
    %dma_start3A_385 = tpu.memref_slice %arg2[%add3A_383, %dma_start3A_384] : memref<4096x2048xi32, #tpu.memory_space<hbm>> -> memref<8x2048xi32, #tpu.memory_space<hbm>>
    %dma_start3A_386 = arith.constant 0 : i32
    %dma_start3A_387 = tpu.memref_slice %arg2[%add3A_383, %dma_start3A_386] : memref<4096x2048xi32, #tpu.memory_space<hbm>> -> memref<8x2048xi32, #tpu.memory_space<hbm>>
    tpu.enqueue_dma source(%dma_start3A_387 : memref<8x2048xi32, #tpu.memory_space<hbm>>) target(%arg7 : memref<8x2048xi32, #tpu.memory_space<vmem>>) target_semaphore(%arg11 : memref<!tpu.dma_semaphore, #tpu.memory_space<semaphore_mem>>)
    %dma_start3A_388 = arith.constant 0 : i32
    %dma_start3A_389 = tpu.memref_slice %arg3[%add3A_383, %dma_start3A_388] : memref<4096x2048xi32, #tpu.memory_space<hbm>> -> memref<8x2048xi32, #tpu.memory_space<hbm>>
    %dma_start3A_390 = arith.constant 0 : i32
    %dma_start3A_391 = tpu.memref_slice %arg3[%add3A_383, %dma_start3A_390] : memref<4096x2048xi32, #tpu.memory_space<hbm>> -> memref<8x2048xi32, #tpu.memory_space<hbm>>
    tpu.enqueue_dma source(%dma_start3A_391 : memref<8x2048xi32, #tpu.memory_space<hbm>>) target(%arg8 : memref<8x2048xi32, #tpu.memory_space<vmem>>) target_semaphore(%arg12 : memref<!tpu.dma_semaphore, #tpu.memory_space<semaphore_mem>>)
    %dma_wait3A_392 = arith.constant 0 : i32
    %dma_wait3A_393 = tpu.memref_slice %arg2[%add3A_352, %dma_wait3A_392] : memref<4096x2048xi32, #tpu.memory_space<hbm>> -> memref<8x2048xi32, #tpu.memory_space<hbm>>
    %dma_wait3A_394 = arith.constant 0 : i32
    %dma_wait3A_395 = tpu.memref_slice %arg2[%add3A_352, %dma_wait3A_394] : memref<4096x2048xi32, #tpu.memory_space<hbm>> -> memref<8x2048xi32, #tpu.memory_space<hbm>>
    tpu.wait_dma2 semaphore(%arg9 : memref<!tpu.dma_semaphore, #tpu.memory_space<semaphore_mem>>) src(%dma_wait3A_395 : memref<8x2048xi32, #tpu.memory_space<hbm>>) dst(%arg5 : memref<8x2048xi32, #tpu.memory_space<vmem>>)
    %dma_wait3A_396 = arith.constant 0 : i32
    %dma_wait3A_397 = tpu.memref_slice %arg3[%add3A_352, %dma_wait3A_396] : memref<4096x2048xi32, #tpu.memory_space<hbm>> -> memref<8x2048xi32, #tpu.memory_space<hbm>>
    %dma_wait3A_398 = arith.constant 0 : i32
    %dma_wait3A_399 = tpu.memref_slice %arg3[%add3A_352, %dma_wait3A_398] : memref<4096x2048xi32, #tpu.memory_space<hbm>> -> memref<8x2048xi32, #tpu.memory_space<hbm>>
    tpu.wait_dma2 semaphore(%arg10 : memref<!tpu.dma_semaphore, #tpu.memory_space<semaphore_mem>>) src(%dma_wait3A_399 : memref<8x2048xi32, #tpu.memory_space<hbm>>) dst(%arg6 : memref<8x2048xi32, #tpu.memory_space<vmem>>)
    %parallel_loop3A_400 = arith.constant 0 : i32
    %parallel_loop3A_401 = arith.constant 1024 : i32
    %parallel_loop3A_402 = arith.constant 1 : i32
    scf.for %parallel_loop3A_496 = %parallel_loop3A_400 to %parallel_loop3A_401 step %parallel_loop3A_402  : i32 {
      %parallel_loop3A_497 = arith.constant 7 : i32
      %parallel_loop3A_498 = arith.shrsi %parallel_loop3A_496, %parallel_loop3A_497 : i32
      %parallel_loop3A_499 = arith.constant 127 : i32
      %parallel_loop3A_500 = arith.andi %parallel_loop3A_496, %parallel_loop3A_499 : i32
      %parallel_loop3A_501 = arith.constant 16 : i32
      %parallel_loop3A_502 = arith.muli %parallel_loop3A_500, %parallel_loop3A_501 : i32
      %parallel_loop3A_503 = arith.index_cast %parallel_loop3A_498 : i32 to index
      %parallel_loop3A_504 = arith.index_cast %parallel_loop3A_502 : i32 to index
      %parallel_loop3A_505 = tpu.vector_load %arg5[%parallel_loop3A_503, %parallel_loop3A_504] {strides = array<i32>} : memref<8x2048xi32, #tpu.memory_space<vmem>>, vector<1x16xi32>,
      %parallel_loop3A_506 = vector.shape_cast %parallel_loop3A_505 : vector<1x16xi32> to vector<16xi32>
      %parallel_loop3A_507 = arith.index_cast %parallel_loop3A_498 : i32 to index
      %parallel_loop3A_508 = arith.index_cast %parallel_loop3A_502 : i32 to index
      %parallel_loop3A_509 = tpu.vector_load %arg6[%parallel_loop3A_507, %parallel_loop3A_508] {strides = array<i32>} : memref<8x2048xi32, #tpu.memory_space<vmem>>, vector<1x16xi32>,
      %parallel_loop3A_510 = vector.shape_cast %parallel_loop3A_509 : vector<1x16xi32> to vector<16xi32>
      %parallel_loop3A_511 = arith.constant 1041865114 : i32
      %parallel_loop3A_512 = vector.broadcast %parallel_loop3A_511 : i32 to vector<16xi32>
      %parallel_loop3A_513 = arith.cmpi slt, %parallel_loop3A_510, %parallel_loop3A_512 : vector<16xi32>
      %parallel_loop3A_514 = arith.constant 103 : i32
      %parallel_loop3A_515 = vector.broadcast %parallel_loop3A_514 : i32 to vector<16xi32>
      %parallel_loop3A_516 = arith.cmpi eq, %parallel_loop3A_506, %parallel_loop3A_515 : vector<16xi32>
      %parallel_loop3A_517 = arith.ori %parallel_loop3A_513, %parallel_loop3A_516 : vector<16xi1>
      %parallel_loop3A_518 = arith.constant -100 : i32
      %parallel_loop3A_519 = vector.broadcast %parallel_loop3A_518 : i32 to vector<16xi32>
      %parallel_loop3A_520 = arith.select %parallel_loop3A_517, %parallel_loop3A_506, %parallel_loop3A_519 : vector<16xi1>, vector<16xi32>
      %parallel_loop3A_521 = arith.index_cast %parallel_loop3A_498 : i32 to index
      %parallel_loop3A_522 = arith.index_cast %parallel_loop3A_502 : i32 to index
      %parallel_loop3A_523 = tpu.vector_load %arg5[%parallel_loop3A_521, %parallel_loop3A_522] {strides = array<i32>} : memref<8x2048xi32, #tpu.memory_space<vmem>>, vector<1x16xi32>,
      %parallel_loop3A_524 = vector.shape_cast %parallel_loop3A_523 : vector<1x16xi32> to vector<16xi32>
      %parallel_loop3A_525 = vector.shape_cast %parallel_loop3A_520 : vector<16xi32> to vector<1x16xi32>
      tpu.vector_store %arg5[%parallel_loop3A_521, %parallel_loop3A_522], %parallel_loop3A_525 {strides = array<i32>} : memref<8x2048xi32, #tpu.memory_space<vmem>>, vector<1x16xi32>,
    } {sc.loop_unroll_factor = 8 : i64, sc.parallel_access}
    %add3A_403 = arith.constant 96 : i32
    %add3A_404 = arith.addi %mul3A_2, %add3A_403 : i32
    %dma_start3A_405 = arith.constant 0 : i32
    %dma_start3A_406 = tpu.memref_slice %arg4[%add3A_404, %dma_start3A_405] : memref<4096x2048xi32, #tpu.memory_space<hbm>> -> memref<8x2048xi32, #tpu.memory_space<hbm>>
    %dma_start3A_407 = arith.constant 0 : i32
    %dma_start3A_408 = tpu.memref_slice %arg4[%add3A_404, %dma_start3A_407] : memref<4096x2048xi32, #tpu.memory_space<hbm>> -> memref<8x2048xi32, #tpu.memory_space<hbm>>
    tpu.enqueue_dma source(%arg5 : memref<8x2048xi32, #tpu.memory_space<vmem>>) target(%dma_start3A_408 : memref<8x2048xi32, #tpu.memory_space<hbm>>) target_semaphore(%arg13 : memref<!tpu.dma_semaphore, #tpu.memory_space<semaphore_mem>>)
    %dma_wait3A_409 = arith.constant 0 : i32
    %dma_wait3A_410 = tpu.memref_slice %arg4[%add3A_404, %dma_wait3A_409] : memref<4096x2048xi32, #tpu.memory_space<hbm>> -> memref<8x2048xi32, #tpu.memory_space<hbm>>
    %dma_wait3A_411 = arith.constant 0 : i32
    %dma_wait3A_412 = tpu.memref_slice %arg4[%add3A_404, %dma_wait3A_411] : memref<4096x2048xi32, #tpu.memory_space<hbm>> -> memref<8x2048xi32, #tpu.memory_space<hbm>>
    tpu.wait_dma2 semaphore(%arg13 : memref<!tpu.dma_semaphore, #tpu.memory_space<semaphore_mem>>) src(%arg5 : memref<8x2048xi32, #tpu.memory_space<vmem>>) dst(%dma_wait3A_412 : memref<8x2048xi32, #tpu.memory_space<hbm>>)
    %add3A_413 = arith.constant 112 : i32
    %add3A_414 = arith.addi %mul3A_2, %add3A_413 : i32
    %dma_start3A_415 = arith.constant 0 : i32
    %dma_start3A_416 = tpu.memref_slice %arg2[%add3A_414, %dma_start3A_415] : memref<4096x2048xi32, #tpu.memory_space<hbm>> -> memref<8x2048xi32, #tpu.memory_space<hbm>>
    %dma_start3A_417 = arith.constant 0 : i32
    %dma_start3A_418 = tpu.memref_slice %arg2[%add3A_414, %dma_start3A_417] : memref<4096x2048xi32, #tpu.memory_space<hbm>> -> memref<8x2048xi32, #tpu.memory_space<hbm>>
    tpu.enqueue_dma source(%dma_start3A_418 : memref<8x2048xi32, #tpu.memory_space<hbm>>) target(%arg5 : memref<8x2048xi32, #tpu.memory_space<vmem>>) target_semaphore(%arg9 : memref<!tpu.dma_semaphore, #tpu.memory_space<semaphore_mem>>)
    %dma_start3A_419 = arith.constant 0 : i32
    %dma_start3A_420 = tpu.memref_slice %arg3[%add3A_414, %dma_start3A_419] : memref<4096x2048xi32, #tpu.memory_space<hbm>> -> memref<8x2048xi32, #tpu.memory_space<hbm>>
    %dma_start3A_421 = arith.constant 0 : i32
    %dma_start3A_422 = tpu.memref_slice %arg3[%add3A_414, %dma_start3A_421] : memref<4096x2048xi32, #tpu.memory_space<hbm>> -> memref<8x2048xi32, #tpu.memory_space<hbm>>
    tpu.enqueue_dma source(%dma_start3A_422 : memref<8x2048xi32, #tpu.memory_space<hbm>>) target(%arg6 : memref<8x2048xi32, #tpu.memory_space<vmem>>) target_semaphore(%arg10 : memref<!tpu.dma_semaphore, #tpu.memory_space<semaphore_mem>>)
    %dma_wait3A_423 = arith.constant 0 : i32
    %dma_wait3A_424 = tpu.memref_slice %arg2[%add3A_383, %dma_wait3A_423] : memref<4096x2048xi32, #tpu.memory_space<hbm>> -> memref<8x2048xi32, #tpu.memory_space<hbm>>
    %dma_wait3A_425 = arith.constant 0 : i32
    %dma_wait3A_426 = tpu.memref_slice %arg2[%add3A_383, %dma_wait3A_425] : memref<4096x2048xi32, #tpu.memory_space<hbm>> -> memref<8x2048xi32, #tpu.memory_space<hbm>>
    tpu.wait_dma2 semaphore(%arg11 : memref<!tpu.dma_semaphore, #tpu.memory_space<semaphore_mem>>) src(%dma_wait3A_426 : memref<8x2048xi32, #tpu.memory_space<hbm>>) dst(%arg7 : memref<8x2048xi32, #tpu.memory_space<vmem>>)
    %dma_wait3A_427 = arith.constant 0 : i32
    %dma_wait3A_428 = tpu.memref_slice %arg3[%add3A_383, %dma_wait3A_427] : memref<4096x2048xi32, #tpu.memory_space<hbm>> -> memref<8x2048xi32, #tpu.memory_space<hbm>>
    %dma_wait3A_429 = arith.constant 0 : i32
    %dma_wait3A_430 = tpu.memref_slice %arg3[%add3A_383, %dma_wait3A_429] : memref<4096x2048xi32, #tpu.memory_space<hbm>> -> memref<8x2048xi32, #tpu.memory_space<hbm>>
    tpu.wait_dma2 semaphore(%arg12 : memref<!tpu.dma_semaphore, #tpu.memory_space<semaphore_mem>>) src(%dma_wait3A_430 : memref<8x2048xi32, #tpu.memory_space<hbm>>) dst(%arg8 : memref<8x2048xi32, #tpu.memory_space<vmem>>)
    %parallel_loop3A_431 = arith.constant 0 : i32
    %parallel_loop3A_432 = arith.constant 1024 : i32
    %parallel_loop3A_433 = arith.constant 1 : i32
    scf.for %parallel_loop3A_496 = %parallel_loop3A_431 to %parallel_loop3A_432 step %parallel_loop3A_433  : i32 {
      %parallel_loop3A_497 = arith.constant 7 : i32
      %parallel_loop3A_498 = arith.shrsi %parallel_loop3A_496, %parallel_loop3A_497 : i32
      %parallel_loop3A_499 = arith.constant 127 : i32
      %parallel_loop3A_500 = arith.andi %parallel_loop3A_496, %parallel_loop3A_499 : i32
      %parallel_loop3A_501 = arith.constant 16 : i32
      %parallel_loop3A_502 = arith.muli %parallel_loop3A_500, %parallel_loop3A_501 : i32
      %parallel_loop3A_503 = arith.index_cast %parallel_loop3A_498 : i32 to index
      %parallel_loop3A_504 = arith.index_cast %parallel_loop3A_502 : i32 to index
      %parallel_loop3A_505 = tpu.vector_load %arg7[%parallel_loop3A_503, %parallel_loop3A_504] {strides = array<i32>} : memref<8x2048xi32, #tpu.memory_space<vmem>>, vector<1x16xi32>,
      %parallel_loop3A_506 = vector.shape_cast %parallel_loop3A_505 : vector<1x16xi32> to vector<16xi32>
      %parallel_loop3A_507 = arith.index_cast %parallel_loop3A_498 : i32 to index
      %parallel_loop3A_508 = arith.index_cast %parallel_loop3A_502 : i32 to index
      %parallel_loop3A_509 = tpu.vector_load %arg8[%parallel_loop3A_507, %parallel_loop3A_508] {strides = array<i32>} : memref<8x2048xi32, #tpu.memory_space<vmem>>, vector<1x16xi32>,
      %parallel_loop3A_510 = vector.shape_cast %parallel_loop3A_509 : vector<1x16xi32> to vector<16xi32>
      %parallel_loop3A_511 = arith.constant 1041865114 : i32
      %parallel_loop3A_512 = vector.broadcast %parallel_loop3A_511 : i32 to vector<16xi32>
      %parallel_loop3A_513 = arith.cmpi slt, %parallel_loop3A_510, %parallel_loop3A_512 : vector<16xi32>
      %parallel_loop3A_514 = arith.constant 103 : i32
      %parallel_loop3A_515 = vector.broadcast %parallel_loop3A_514 : i32 to vector<16xi32>
      %parallel_loop3A_516 = arith.cmpi eq, %parallel_loop3A_506, %parallel_loop3A_515 : vector<16xi32>
      %parallel_loop3A_517 = arith.ori %parallel_loop3A_513, %parallel_loop3A_516 : vector<16xi1>
      %parallel_loop3A_518 = arith.constant -100 : i32
      %parallel_loop3A_519 = vector.broadcast %parallel_loop3A_518 : i32 to vector<16xi32>
      %parallel_loop3A_520 = arith.select %parallel_loop3A_517, %parallel_loop3A_506, %parallel_loop3A_519 : vector<16xi1>, vector<16xi32>
      %parallel_loop3A_521 = arith.index_cast %parallel_loop3A_498 : i32 to index
      %parallel_loop3A_522 = arith.index_cast %parallel_loop3A_502 : i32 to index
      %parallel_loop3A_523 = tpu.vector_load %arg7[%parallel_loop3A_521, %parallel_loop3A_522] {strides = array<i32>} : memref<8x2048xi32, #tpu.memory_space<vmem>>, vector<1x16xi32>,
      %parallel_loop3A_524 = vector.shape_cast %parallel_loop3A_523 : vector<1x16xi32> to vector<16xi32>
      %parallel_loop3A_525 = vector.shape_cast %parallel_loop3A_520 : vector<16xi32> to vector<1x16xi32>
      tpu.vector_store %arg7[%parallel_loop3A_521, %parallel_loop3A_522], %parallel_loop3A_525 {strides = array<i32>} : memref<8x2048xi32, #tpu.memory_space<vmem>>, vector<1x16xi32>,
    } {sc.loop_unroll_factor = 8 : i64, sc.parallel_access}
    %add3A_434 = arith.constant 104 : i32
    %add3A_435 = arith.addi %mul3A_2, %add3A_434 : i32
    %dma_start3A_436 = arith.constant 0 : i32
    %dma_start3A_437 = tpu.memref_slice %arg4[%add3A_435, %dma_start3A_436] : memref<4096x2048xi32, #tpu.memory_space<hbm>> -> memref<8x2048xi32, #tpu.memory_space<hbm>>
    %dma_start3A_438 = arith.constant 0 : i32
    %dma_start3A_439 = tpu.memref_slice %arg4[%add3A_435, %dma_start3A_438] : memref<4096x2048xi32, #tpu.memory_space<hbm>> -> memref<8x2048xi32, #tpu.memory_space<hbm>>
    tpu.enqueue_dma source(%arg7 : memref<8x2048xi32, #tpu.memory_space<vmem>>) target(%dma_start3A_439 : memref<8x2048xi32, #tpu.memory_space<hbm>>) target_semaphore(%arg14 : memref<!tpu.dma_semaphore, #tpu.memory_space<semaphore_mem>>)
    %dma_wait3A_440 = arith.constant 0 : i32
    %dma_wait3A_441 = tpu.memref_slice %arg4[%add3A_435, %dma_wait3A_440] : memref<4096x2048xi32, #tpu.memory_space<hbm>> -> memref<8x2048xi32, #tpu.memory_space<hbm>>
    %dma_wait3A_442 = arith.constant 0 : i32
    %dma_wait3A_443 = tpu.memref_slice %arg4[%add3A_435, %dma_wait3A_442] : memref<4096x2048xi32, #tpu.memory_space<hbm>> -> memref<8x2048xi32, #tpu.memory_space<hbm>>
    tpu.wait_dma2 semaphore(%arg14 : memref<!tpu.dma_semaphore, #tpu.memory_space<semaphore_mem>>) src(%arg7 : memref<8x2048xi32, #tpu.memory_space<vmem>>) dst(%dma_wait3A_443 : memref<8x2048xi32, #tpu.memory_space<hbm>>)
    %add3A_444 = arith.constant 120 : i32
    %add3A_445 = arith.addi %mul3A_2, %add3A_444 : i32
    %dma_start3A_446 = arith.constant 0 : i32
    %dma_start3A_447 = tpu.memref_slice %arg2[%add3A_445, %dma_start3A_446] : memref<4096x2048xi32, #tpu.memory_space<hbm>> -> memref<8x2048xi32, #tpu.memory_space<hbm>>
    %dma_start3A_448 = arith.constant 0 : i32
    %dma_start3A_449 = tpu.memref_slice %arg2[%add3A_445, %dma_start3A_448] : memref<4096x2048xi32, #tpu.memory_space<hbm>> -> memref<8x2048xi32, #tpu.memory_space<hbm>>
    tpu.enqueue_dma source(%dma_start3A_449 : memref<8x2048xi32, #tpu.memory_space<hbm>>) target(%arg7 : memref<8x2048xi32, #tpu.memory_space<vmem>>) target_semaphore(%arg11 : memref<!tpu.dma_semaphore, #tpu.memory_space<semaphore_mem>>)
    %dma_start3A_450 = arith.constant 0 : i32
    %dma_start3A_451 = tpu.memref_slice %arg3[%add3A_445, %dma_start3A_450] : memref<4096x2048xi32, #tpu.memory_space<hbm>> -> memref<8x2048xi32, #tpu.memory_space<hbm>>
    %dma_start3A_452 = arith.constant 0 : i32
    %dma_start3A_453 = tpu.memref_slice %arg3[%add3A_445, %dma_start3A_452] : memref<4096x2048xi32, #tpu.memory_space<hbm>> -> memref<8x2048xi32, #tpu.memory_space<hbm>>
    tpu.enqueue_dma source(%dma_start3A_453 : memref<8x2048xi32, #tpu.memory_space<hbm>>) target(%arg8 : memref<8x2048xi32, #tpu.memory_space<vmem>>) target_semaphore(%arg12 : memref<!tpu.dma_semaphore, #tpu.memory_space<semaphore_mem>>)
    %dma_wait3A_454 = arith.constant 0 : i32
    %dma_wait3A_455 = tpu.memref_slice %arg2[%add3A_414, %dma_wait3A_454] : memref<4096x2048xi32, #tpu.memory_space<hbm>> -> memref<8x2048xi32, #tpu.memory_space<hbm>>
    %dma_wait3A_456 = arith.constant 0 : i32
    %dma_wait3A_457 = tpu.memref_slice %arg2[%add3A_414, %dma_wait3A_456] : memref<4096x2048xi32, #tpu.memory_space<hbm>> -> memref<8x2048xi32, #tpu.memory_space<hbm>>
    tpu.wait_dma2 semaphore(%arg9 : memref<!tpu.dma_semaphore, #tpu.memory_space<semaphore_mem>>) src(%dma_wait3A_457 : memref<8x2048xi32, #tpu.memory_space<hbm>>) dst(%arg5 : memref<8x2048xi32, #tpu.memory_space<vmem>>)
    %dma_wait3A_458 = arith.constant 0 : i32
    %dma_wait3A_459 = tpu.memref_slice %arg3[%add3A_414, %dma_wait3A_458] : memref<4096x2048xi32, #tpu.memory_space<hbm>> -> memref<8x2048xi32, #tpu.memory_space<hbm>>
    %dma_wait3A_460 = arith.constant 0 : i32
    %dma_wait3A_461 = tpu.memref_slice %arg3[%add3A_414, %dma_wait3A_460] : memref<4096x2048xi32, #tpu.memory_space<hbm>> -> memref<8x2048xi32, #tpu.memory_space<hbm>>
    tpu.wait_dma2 semaphore(%arg10 : memref<!tpu.dma_semaphore, #tpu.memory_space<semaphore_mem>>) src(%dma_wait3A_461 : memref<8x2048xi32, #tpu.memory_space<hbm>>) dst(%arg6 : memref<8x2048xi32, #tpu.memory_space<vmem>>)
    %parallel_loop3A_462 = arith.constant 0 : i32
    %parallel_loop3A_463 = arith.constant 1024 : i32
    %parallel_loop3A_464 = arith.constant 1 : i32
    scf.for %parallel_loop3A_496 = %parallel_loop3A_462 to %parallel_loop3A_463 step %parallel_loop3A_464  : i32 {
      %parallel_loop3A_497 = arith.constant 7 : i32
      %parallel_loop3A_498 = arith.shrsi %parallel_loop3A_496, %parallel_loop3A_497 : i32
      %parallel_loop3A_499 = arith.constant 127 : i32
      %parallel_loop3A_500 = arith.andi %parallel_loop3A_496, %parallel_loop3A_499 : i32
      %parallel_loop3A_501 = arith.constant 16 : i32
      %parallel_loop3A_502 = arith.muli %parallel_loop3A_500, %parallel_loop3A_501 : i32
      %parallel_loop3A_503 = arith.index_cast %parallel_loop3A_498 : i32 to index
      %parallel_loop3A_504 = arith.index_cast %parallel_loop3A_502 : i32 to index
      %parallel_loop3A_505 = tpu.vector_load %arg5[%parallel_loop3A_503, %parallel_loop3A_504] {strides = array<i32>} : memref<8x2048xi32, #tpu.memory_space<vmem>>, vector<1x16xi32>,
      %parallel_loop3A_506 = vector.shape_cast %parallel_loop3A_505 : vector<1x16xi32> to vector<16xi32>
      %parallel_loop3A_507 = arith.index_cast %parallel_loop3A_498 : i32 to index
      %parallel_loop3A_508 = arith.index_cast %parallel_loop3A_502 : i32 to index
      %parallel_loop3A_509 = tpu.vector_load %arg6[%parallel_loop3A_507, %parallel_loop3A_508] {strides = array<i32>} : memref<8x2048xi32, #tpu.memory_space<vmem>>, vector<1x16xi32>,
      %parallel_loop3A_510 = vector.shape_cast %parallel_loop3A_509 : vector<1x16xi32> to vector<16xi32>
      %parallel_loop3A_511 = arith.constant 1041865114 : i32
      %parallel_loop3A_512 = vector.broadcast %parallel_loop3A_511 : i32 to vector<16xi32>
      %parallel_loop3A_513 = arith.cmpi slt, %parallel_loop3A_510, %parallel_loop3A_512 : vector<16xi32>
      %parallel_loop3A_514 = arith.constant 103 : i32
      %parallel_loop3A_515 = vector.broadcast %parallel_loop3A_514 : i32 to vector<16xi32>
      %parallel_loop3A_516 = arith.cmpi eq, %parallel_loop3A_506, %parallel_loop3A_515 : vector<16xi32>
      %parallel_loop3A_517 = arith.ori %parallel_loop3A_513, %parallel_loop3A_516 : vector<16xi1>
      %parallel_loop3A_518 = arith.constant -100 : i32
      %parallel_loop3A_519 = vector.broadcast %parallel_loop3A_518 : i32 to vector<16xi32>
      %parallel_loop3A_520 = arith.select %parallel_loop3A_517, %parallel_loop3A_506, %parallel_loop3A_519 : vector<16xi1>, vector<16xi32>
      %parallel_loop3A_521 = arith.index_cast %parallel_loop3A_498 : i32 to index
      %parallel_loop3A_522 = arith.index_cast %parallel_loop3A_502 : i32 to index
      %parallel_loop3A_523 = tpu.vector_load %arg5[%parallel_loop3A_521, %parallel_loop3A_522] {strides = array<i32>} : memref<8x2048xi32, #tpu.memory_space<vmem>>, vector<1x16xi32>,
      %parallel_loop3A_524 = vector.shape_cast %parallel_loop3A_523 : vector<1x16xi32> to vector<16xi32>
      %parallel_loop3A_525 = vector.shape_cast %parallel_loop3A_520 : vector<16xi32> to vector<1x16xi32>
      tpu.vector_store %arg5[%parallel_loop3A_521, %parallel_loop3A_522], %parallel_loop3A_525 {strides = array<i32>} : memref<8x2048xi32, #tpu.memory_space<vmem>>, vector<1x16xi32>,
    } {sc.loop_unroll_factor = 8 : i64, sc.parallel_access}
    %add3A_465 = arith.constant 112 : i32
    %add3A_466 = arith.addi %mul3A_2, %add3A_465 : i32
    %dma_start3A_467 = arith.constant 0 : i32
    %dma_start3A_468 = tpu.memref_slice %arg4[%add3A_466, %dma_start3A_467] : memref<4096x2048xi32, #tpu.memory_space<hbm>> -> memref<8x2048xi32, #tpu.memory_space<hbm>>
    %dma_start3A_469 = arith.constant 0 : i32
    %dma_start3A_470 = tpu.memref_slice %arg4[%add3A_466, %dma_start3A_469] : memref<4096x2048xi32, #tpu.memory_space<hbm>> -> memref<8x2048xi32, #tpu.memory_space<hbm>>
    tpu.enqueue_dma source(%arg5 : memref<8x2048xi32, #tpu.memory_space<vmem>>) target(%dma_start3A_470 : memref<8x2048xi32, #tpu.memory_space<hbm>>) target_semaphore(%arg13 : memref<!tpu.dma_semaphore, #tpu.memory_space<semaphore_mem>>)
    %dma_wait3A_471 = arith.constant 0 : i32
    %dma_wait3A_472 = tpu.memref_slice %arg2[%add3A_445, %dma_wait3A_471] : memref<4096x2048xi32, #tpu.memory_space<hbm>> -> memref<8x2048xi32, #tpu.memory_space<hbm>>
    %dma_wait3A_473 = arith.constant 0 : i32
    %dma_wait3A_474 = tpu.memref_slice %arg2[%add3A_445, %dma_wait3A_473] : memref<4096x2048xi32, #tpu.memory_space<hbm>> -> memref<8x2048xi32, #tpu.memory_space<hbm>>
    tpu.wait_dma2 semaphore(%arg11 : memref<!tpu.dma_semaphore, #tpu.memory_space<semaphore_mem>>) src(%dma_wait3A_474 : memref<8x2048xi32, #tpu.memory_space<hbm>>) dst(%arg7 : memref<8x2048xi32, #tpu.memory_space<vmem>>)
    %dma_wait3A_475 = arith.constant 0 : i32
    %dma_wait3A_476 = tpu.memref_slice %arg3[%add3A_445, %dma_wait3A_475] : memref<4096x2048xi32, #tpu.memory_space<hbm>> -> memref<8x2048xi32, #tpu.memory_space<hbm>>
    %dma_wait3A_477 = arith.constant 0 : i32
    %dma_wait3A_478 = tpu.memref_slice %arg3[%add3A_445, %dma_wait3A_477] : memref<4096x2048xi32, #tpu.memory_space<hbm>> -> memref<8x2048xi32, #tpu.memory_space<hbm>>
    tpu.wait_dma2 semaphore(%arg12 : memref<!tpu.dma_semaphore, #tpu.memory_space<semaphore_mem>>) src(%dma_wait3A_478 : memref<8x2048xi32, #tpu.memory_space<hbm>>) dst(%arg8 : memref<8x2048xi32, #tpu.memory_space<vmem>>)
    %parallel_loop3A_479 = arith.constant 0 : i32
    %parallel_loop3A_480 = arith.constant 1024 : i32
    %parallel_loop3A_481 = arith.constant 1 : i32
    scf.for %parallel_loop3A_496 = %parallel_loop3A_479 to %parallel_loop3A_480 step %parallel_loop3A_481  : i32 {
      %parallel_loop3A_497 = arith.constant 7 : i32
      %parallel_loop3A_498 = arith.shrsi %parallel_loop3A_496, %parallel_loop3A_497 : i32
      %parallel_loop3A_499 = arith.constant 127 : i32
      %parallel_loop3A_500 = arith.andi %parallel_loop3A_496, %parallel_loop3A_499 : i32
      %parallel_loop3A_501 = arith.constant 16 : i32
      %parallel_loop3A_502 = arith.muli %parallel_loop3A_500, %parallel_loop3A_501 : i32
      %parallel_loop3A_503 = arith.index_cast %parallel_loop3A_498 : i32 to index
      %parallel_loop3A_504 = arith.index_cast %parallel_loop3A_502 : i32 to index
      %parallel_loop3A_505 = tpu.vector_load %arg7[%parallel_loop3A_503, %parallel_loop3A_504] {strides = array<i32>} : memref<8x2048xi32, #tpu.memory_space<vmem>>, vector<1x16xi32>,
      %parallel_loop3A_506 = vector.shape_cast %parallel_loop3A_505 : vector<1x16xi32> to vector<16xi32>
      %parallel_loop3A_507 = arith.index_cast %parallel_loop3A_498 : i32 to index
      %parallel_loop3A_508 = arith.index_cast %parallel_loop3A_502 : i32 to index
      %parallel_loop3A_509 = tpu.vector_load %arg8[%parallel_loop3A_507, %parallel_loop3A_508] {strides = array<i32>} : memref<8x2048xi32, #tpu.memory_space<vmem>>, vector<1x16xi32>,
      %parallel_loop3A_510 = vector.shape_cast %parallel_loop3A_509 : vector<1x16xi32> to vector<16xi32>
      %parallel_loop3A_511 = arith.constant 1041865114 : i32
      %parallel_loop3A_512 = vector.broadcast %parallel_loop3A_511 : i32 to vector<16xi32>
      %parallel_loop3A_513 = arith.cmpi slt, %parallel_loop3A_510, %parallel_loop3A_512 : vector<16xi32>
      %parallel_loop3A_514 = arith.constant 103 : i32
      %parallel_loop3A_515 = vector.broadcast %parallel_loop3A_514 : i32 to vector<16xi32>
      %parallel_loop3A_516 = arith.cmpi eq, %parallel_loop3A_506, %parallel_loop3A_515 : vector<16xi32>
      %parallel_loop3A_517 = arith.ori %parallel_loop3A_513, %parallel_loop3A_516 : vector<16xi1>
      %parallel_loop3A_518 = arith.constant -100 : i32
      %parallel_loop3A_519 = vector.broadcast %parallel_loop3A_518 : i32 to vector<16xi32>
      %parallel_loop3A_520 = arith.select %parallel_loop3A_517, %parallel_loop3A_506, %parallel_loop3A_519 : vector<16xi1>, vector<16xi32>
      %parallel_loop3A_521 = arith.index_cast %parallel_loop3A_498 : i32 to index
      %parallel_loop3A_522 = arith.index_cast %parallel_loop3A_502 : i32 to index
      %parallel_loop3A_523 = tpu.vector_load %arg7[%parallel_loop3A_521, %parallel_loop3A_522] {strides = array<i32>} : memref<8x2048xi32, #tpu.memory_space<vmem>>, vector<1x16xi32>,
      %parallel_loop3A_524 = vector.shape_cast %parallel_loop3A_523 : vector<1x16xi32> to vector<16xi32>
      %parallel_loop3A_525 = vector.shape_cast %parallel_loop3A_520 : vector<16xi32> to vector<1x16xi32>
      tpu.vector_store %arg7[%parallel_loop3A_521, %parallel_loop3A_522], %parallel_loop3A_525 {strides = array<i32>} : memref<8x2048xi32, #tpu.memory_space<vmem>>, vector<1x16xi32>,
    } {sc.loop_unroll_factor = 8 : i64, sc.parallel_access}
    %add3A_482 = arith.constant 120 : i32
    %add3A_483 = arith.addi %mul3A_2, %add3A_482 : i32
    %dma_start3A_484 = arith.constant 0 : i32
    %dma_start3A_485 = tpu.memref_slice %arg4[%add3A_483, %dma_start3A_484] : memref<4096x2048xi32, #tpu.memory_space<hbm>> -> memref<8x2048xi32, #tpu.memory_space<hbm>>
    %dma_start3A_486 = arith.constant 0 : i32
    %dma_start3A_487 = tpu.memref_slice %arg4[%add3A_483, %dma_start3A_486] : memref<4096x2048xi32, #tpu.memory_space<hbm>> -> memref<8x2048xi32, #tpu.memory_space<hbm>>
    tpu.enqueue_dma source(%arg7 : memref<8x2048xi32, #tpu.memory_space<vmem>>) target(%dma_start3A_487 : memref<8x2048xi32, #tpu.memory_space<hbm>>) target_semaphore(%arg14 : memref<!tpu.dma_semaphore, #tpu.memory_space<semaphore_mem>>)
    %dma_wait3A_488 = arith.constant 0 : i32
    %dma_wait3A_489 = tpu.memref_slice %arg4[%add3A_466, %dma_wait3A_488] : memref<4096x2048xi32, #tpu.memory_space<hbm>> -> memref<8x2048xi32, #tpu.memory_space<hbm>>
    %dma_wait3A_490 = arith.constant 0 : i32
    %dma_wait3A_491 = tpu.memref_slice %arg4[%add3A_466, %dma_wait3A_490] : memref<4096x2048xi32, #tpu.memory_space<hbm>> -> memref<8x2048xi32, #tpu.memory_space<hbm>>
    tpu.wait_dma2 semaphore(%arg13 : memref<!tpu.dma_semaphore, #tpu.memory_space<semaphore_mem>>) src(%arg5 : memref<8x2048xi32, #tpu.memory_space<vmem>>) dst(%dma_wait3A_491 : memref<8x2048xi32, #tpu.memory_space<hbm>>)
    %dma_wait3A_492 = arith.constant 0 : i32
    %dma_wait3A_493 = tpu.memref_slice %arg4[%add3A_483, %dma_wait3A_492] : memref<4096x2048xi32, #tpu.memory_space<hbm>> -> memref<8x2048xi32, #tpu.memory_space<hbm>>
    %dma_wait3A_494 = arith.constant 0 : i32
    %dma_wait3A_495 = tpu.memref_slice %arg4[%add3A_483, %dma_wait3A_494] : memref<4096x2048xi32, #tpu.memory_space<hbm>> -> memref<8x2048xi32, #tpu.memory_space<hbm>>
    tpu.wait_dma2 semaphore(%arg14 : memref<!tpu.dma_semaphore, #tpu.memory_space<semaphore_mem>>) src(%arg7 : memref<8x2048xi32, #tpu.memory_space<vmem>>) dst(%dma_wait3A_495 : memref<8x2048xi32, #tpu.memory_space<hbm>>)
    return
  }
}

module attributes {stable_mosaic.version = 14 : i64} {
  func.func @_tc_masked_kernel(%arg0: i32, %arg1: memref<256x2048xi32, #tpu.memory_space<vmem>>, %arg2: memref<256x2048xf32, #tpu.memory_space<vmem>>, %arg3: memref<256x2048xi32, #tpu.memory_space<vmem>>) attributes {dimension_semantics = [#tpu.dimension_semantics<arbitrary>], iteration_bounds = array<i64: 16>, scalar_prefetch = 0 : i64, scratch_operands = 0 : i64, tpu.core_type = #tpu.core_type<tc>, window_params = [{transform_indices = @transform_0, window_bounds = array<i64: 256, 2048>}, {transform_indices = @transform_1, window_bounds = array<i64: 256, 2048>}, {transform_indices = @transform_2, window_bounds = array<i64: 256, 2048>}]} {
    %get3A = arith.constant 0 : index
    %get3A_0 = arith.constant 0 : index
    %get3A_1 = vector.load %arg2[%get3A, %get3A_0] : memref<256x2048xf32, #tpu.memory_space<vmem>>, vector<256x2048xf32>
    %lt3A = arith.constant 1.500000e-01 : f32
    %lt3A_2 = vector.broadcast %lt3A : f32 to vector<256x2048xf32>
    %lt3A_3 = arith.cmpf olt, %get3A_1, %lt3A_2 : vector<256x2048xf32>
    %get3A_4 = arith.constant 0 : index
    %get3A_5 = arith.constant 0 : index
    %get3A_6 = vector.load %arg1[%get3A_4, %get3A_5] : memref<256x2048xi32, #tpu.memory_space<vmem>>, vector<256x2048xi32>
    %jit3A = arith.constant 103 : i32
    %broadcast_in_dim3A = vector.broadcast %jit3A : i32 to vector<256x2048xi32>
    %select_n3A = arith.select %lt3A_3, %broadcast_in_dim3A, %get3A_6 : vector<256x2048xi1>, vector<256x2048xi32>
    %swap3A = arith.constant 0 : index
    %swap3A_7 = arith.constant 0 : index
    %swap3A_8 = vector.load %arg3[%swap3A, %swap3A_7] : memref<256x2048xi32, #tpu.memory_space<vmem>>, vector<256x2048xi32>
    tpu.vector_store %arg3[%swap3A, %swap3A_7], %select_n3A {strides = array<i32>} : memref<256x2048xi32, #tpu.memory_space<vmem>>, vector<256x2048xi32>,
    return
  }
  func.func @transform_0(%arg0: i32) -> (i32, i32) {
    %c0_i32 = arith.constant 0 : i32
    %c0_i32_0 = arith.constant 0 : i32
    return %arg0, %c0_i32 : i32, i32
  }
  func.func @transform_1(%arg0: i32) -> (i32, i32) {
    %c0_i32 = arith.constant 0 : i32
    %c0_i32_0 = arith.constant 0 : i32
    return %arg0, %c0_i32 : i32, i32
  }
  func.func @transform_2(%arg0: i32) -> (i32, i32) {
    %c0_i32 = arith.constant 0 : i32
    %c0_i32_0 = arith.constant 0 : i32
    return %arg0, %c0_i32 : i32, i32
  }
}

</mosaic_0001>

<sc_bundles>
// kernel: kernel.4.cloned.1.call-start
scs
__scs_entry_jumppad:
0x0: {  	(pc) =	sbr.rel $0x88, $3  }
0x1: {  	(tag) =	ssettag $0x0;
	lr =	simm.s32 $0x1  }
0x2: {  	[smem:$0x3F9F] =	sst lr;
	_ =	strace $0xD0000000  }
0x3: {  	_ = 	snop  }
0x4: {  	_ = 	snop  }
0x5: {  	_ = 	snop  }
0x6: {  	_ = 	snop  }
0x7: {  	_ = 	snop  }
__scs_overlays_trampoline_lowered:
0x8: {  	[smem:$0x3FAE] =	sst s0  }
0x9: {  	[smem:$0x3FAF] =	sst s1  }
0xa: {  	[smem:$0x3FB0] =	sst s2  }
0xb: {  	[smem:$0x3FB1] =	sst s3  }
0xc: {  	[smem:$0x3FB2] =	sst s4  }
0xd: {  	[smem:$0x3FB3] =	sst s5  }
0xe: {  	[smem:$0x3FB4] =	sst s6  }
0xf: {  	[smem:$0x3FB5] =	sst s7  }
0x10: {  	[smem:$0x3FB6] =	sst s8  }
0x11: {  	[smem:$0x3FB7] =	sst s9;
	s0 =	simm.s32 @!p0 $0x0  }
0x12: {  	s1 =	sld [smem:$0x3F9D];
	s0 =	simm.s32 @p0 $0x1  }
0x13: {  	[smem:$0x3FB8] =	sst s0;
	s0 =	simm.s32 @!p1 $0x0  }
0x14: {  	s2 =	sld [smem:$0x3F9C];
	s0 =	simm.s32 @p1 $0x1  }
0x15: {  	[smem:$0x3FB9] =	sst s0;
	s0 =	simm.s32 @!p2 $0x0  }
0x16: {  	s3 =	sld [smem:$0x3FDB];
	s0 =	simm.s32 @p2 $0x1  }
0x17: {  	s4 =	simm.s32 $0x1BF5;
	[smem:$0x3FBB] =	sst s0  }
0x18: {  	s0 =	sld [smem:$0x3F9E];
	_ =	swait.ge [sflag:s4], $0x0  }
0x19: {  	s7 =	sld [smem:$0x3F9F]  }
0x1a: {  	s8 =	sadd.s32 $0xFFFFE003, lr  }
0x1b: {  	s9 =	sadd.s32 $0xFFFFFEF7, lr;
	s5 =	simm.s32 $0xFFFFFFFF;
	p2 =	slt.u32 s8, $0xFFFFF086  }
0x1c: {  	p1 =	slt.u32 s9, $0xF7A;
	s5 =	simm.s32 @!p2 $0x0  }
0x1d: {  	s5 =	simm.s32 @p1 $0x1;
	p0 =	seq.s32 s7, s2  }
0x1e: {  	s7 =	smul.u32 @!p0 $0xF7A, s2;
	p2 =	seq.s32 @!p0 s5, $0x0  }
0x1f: {  	s9 =	smul.u32 $0xF7A, s1;
	s8 =	simm.s32 @!p0 $0x1BF5;
	p2 =	por !p2, p0  }
0x20: {  	[sflag:s8] =	ssyncset.s32 @!p0 $0xFFFFF086;
	s6 =	sadd.s32 @!p0 s3, s7;
	s7 =	simm.s32 @!p0 $0x108  }
0x21: {  	s3 =	sadd.s32 s3, s9;
	s6 =	sadd.s32 @!p0 $0x88, s6;
	s7 =	simm.s32 @p2 $0x1082  }
0x22: {  	[simem:s7], [sflag:s8] =	dma.local @!p0 [hbm:s6], $0xF7A  }
0x23: {  	s9 =	sor.u32 $0xD0000000, s2;
	s6 =	simm.s32 $0x108;
	_ =	swait.ge @!p0 [sflag:s8], $0x0  }
0x24: {  	s3 =	sadd.s32 $0x88, s3;
	s6 =	simm.s32 @!p1 $0x1082;
	[sflag:s4] =	ssyncset.s32 $0xFFFFF086  }
0x25: {  	[simem:s6], [sflag:s4] =	dma.local [hbm:s3], $0xF7A  }
0x26: {  	[smem:$0x3F9F] =	sst s1;
	(tag) =	ssettag s2;
	_ =	strace s9  }
0x27: {  	s1 =	sld [smem:$0x3FAF]  }
0x28: {  	s2 =	sld [smem:$0x3FB0]  }
0x29: {  	s4 =	sld [smem:$0x3FB2]  }
0x2a: {  	p0 =	seq.s32 s5, $0x0;
	s5 =	sld [smem:$0x3FB3]  }
0x2b: {  	s6 =	sld [smem:$0x3FB4]  }
0x2c: {  	s7 =	sld [smem:$0x3FB5]  }
0x2d: {  	s3 =	simm.s32 $0x108;
	s8 =	sld [smem:$0x3FB6]  }
0x2e: {  	s3 =	simm.s32 @!p0 $0x1082;
	s9 =	sld [smem:$0x3FB7]  }
0x2f: {  	lr =	sadd.s32 s0, s3;
	s0 =	sld [smem:$0x3FAE]  }
0x30: {  	s3 =	sld [smem:$0x3FB1]  }
0x31: {  	[smem:$0x3FBA] =	sst s10  }
0x32: {  	s10 =	sld [smem:$0x3FB8];
	_ =	sdelay $0x3  }
0x33: {  	p0 =	seq.s32 s10, $0x1;
	s10 =	sld [smem:$0x3FBA];
	_ =	sdelay $0x3  }
0x34: {  	[smem:$0x3FBA] =	sst s10  }
0x35: {  	s10 =	sld [smem:$0x3FB9];
	_ =	sdelay $0x3  }
0x36: {  	p1 =	seq.s32 s10, $0x1;
	s10 =	sld [smem:$0x3FBA];
	_ =	sdelay $0x3  }
0x37: {  	[smem:$0x3FBA] =	sst s10  }
0x38: {  	s10 =	sld [smem:$0x3FBB]  }
0x39: {  	_ = 	snop;
	(pc) =	sbr.ind lr, $3  }
0x3a: {  	_ = 	snop  }
0x3b: {  	_ = 	snop  }
0x3c: {  	p2 =	seq.s32 s10, $0x1;
	s10 =	sld [smem:$0x3FBA]  }
0x3d: {  	_ =	shalt  }
0x3e: {  	_ =	shalt  }
0x3f: {  	_ =	shalt  }
0x40: {  	_ =	shalt  }
0x41: {  	_ =	shalt  }
0x42: {  	_ =	shalt  }
0x43: {  	_ =	shalt  }
0x44: {  	_ =	shalt  }
0x45: {  	_ =	shalt  }
0x46: {  	_ =	shalt  }
0x47: {  	_ =	shalt  }
0x48: {  	_ =	shalt  }
0x49: {  	_ =	shalt  }
0x4a: {  	_ =	shalt  }
0x4b: {  	_ =	shalt  }
0x4c: {  	_ =	shalt  }
0x4d: {  	_ =	shalt  }
0x4e: {  	_ =	shalt  }
0x4f: {  	_ =	shalt  }
0x50: {  	_ =	shalt  }
0x51: {  	_ =	shalt  }
0x52: {  	_ =	shalt  }
0x53: {  	_ =	shalt  }
0x54: {  	_ =	shalt  }
0x55: {  	_ =	shalt  }
0x56: {  	_ =	shalt  }
0x57: {  	_ =	shalt  }
0x58: {  	_ =	shalt  }
0x59: {  	_ =	shalt  }
0x5a: {  	_ =	shalt  }
0x5b: {  	_ =	shalt  }
0x5c: {  	_ =	shalt  }
0x5d: {  	_ =	shalt  }
0x5e: {  	_ =	shalt  }
0x5f: {  	_ =	shalt  }
0x60: {  	_ =	shalt  }
0x61: {  	_ =	shalt  }
0x62: {  	_ =	shalt  }
0x63: {  	_ =	shalt  }
0x64: {  	_ =	shalt  }
0x65: {  	_ =	shalt  }
0x66: {  	_ =	shalt  }
0x67: {  	_ =	shalt  }
0x68: {  	_ =	shalt  }
0x69: {  	_ =	shalt  }
0x6a: {  	_ =	shalt  }
0x6b: {  	_ =	shalt  }
0x6c: {  	_ =	shalt  }
0x6d: {  	_ =	shalt  }
0x6e: {  	_ =	shalt  }
0x6f: {  	_ =	shalt  }
0x70: {  	_ =	shalt  }
0x71: {  	_ =	shalt  }
0x72: {  	_ =	shalt  }
0x73: {  	_ =	shalt  }
0x74: {  	_ =	shalt  }
0x75: {  	_ =	shalt  }
0x76: {  	_ =	shalt  }
0x77: {  	_ =	shalt  }
0x78: {  	_ =	shalt  }
0x79: {  	_ =	shalt  }
0x7a: {  	_ =	shalt  }
0x7b: {  	_ =	shalt  }
0x7c: {  	_ =	shalt  }
0x7d: {  	_ =	shalt  }
0x7e: {  	_ =	shalt  }
0x7f: {  	_ =	shalt  }
0x80: {  	_ =	shalt  }
0x81: {  	_ =	shalt  }
0x82: {  	_ =	shalt  }
0x83: {  	_ =	shalt  }
0x84: {  	_ =	shalt  }
0x85: {  	_ =	shalt  }
0x86: {  	_ =	shalt  }
0x87: {  	_ =	shalt  }
.Lfunc_end0:
.L_simem_size_0:
called_computation_lowered:
.L_overlay_start_0:
0x88: {  	s2 =	sld [smem:$0x3FD9]  }
0x89: {  	s3 =	sld [smem:$0x3FFE];
	_ =	sdelay $0x1  }
0x8a: {  	s1 =	srdreg.scid  }
0x8b: {  	s0 =	sand.u32 $0x1, s1  }
0x8c: {  	s14 =	sshll.u32 s0, $0xA;
	s2 =	sadd.s32 s3, s2  }
0x8d: {  	s2 =	sadd.s32 s2, s14  }
0x8e: {  	[smem:$0x3FC6] =	sst s2  }
0x8f: {  	_ = 	snop  }
0x90: {  	s2 =	sld [smem:$0x3FD0];
	_ =	sdelay $0x2  }
0x91: {  	s4 =	simm.s32 $0xA;
	s5 =	simm.s32 $0x10;
	s15 =	sld [smem:$0x3FC9]  }
0x92: {  	[smem:s5], [sflag:s4] =	dma.local [hbm:s2], $0x1  }
0x93: {  	_ =	swait.eq [sflag:s4], $0x1  }
0x94: {  	[sflag:s4] =	ssyncset.done $0x0  }
0x95: {  	[sflag:s4] =	ssyncadd.s32 $0xFFFFFFFF  }
0x96: {  	s16 =	sld [smem:$0x11];
	(tm) =	ssettm $0x1  }
0x97: {  	s17 =	sld [smem:$0x3FFB];
	_ =	sdelay $0x3  }
0x98: {  	_ =	strace s17  }
0x99: {  	s4 =	sld [smem:$0x3FFC];
	_ =	sdelay $0x3  }
0x9a: {  	_ =	strace s4  }
0x9b: {  	s4 =	sld [smem:$0x3FFD];
	_ =	sdelay $0x3  }
0x9c: {  	_ =	strace s4  }
0x9d: {  	_ =	strace $0x8FFFFFFF  }
0x9e: {  	s18 =	sld [smem:$0x3FDB];
	_ =	sdelay $0x1  }
0x9f: {  	s19 =	simm.s32 $_scs_section_size  }
0xa0: {  	s6 =	simm.s32 $_size__tile_overlayer_lowered;
	s7 =	simm.s32 $_tile_overlayer_lowered  }
0xa1: {  	s22 =	simm.s32 $0x1BFF;
	s21 =	sshll.u32 s7, $0x1;
	s4 =	sadd.s32 s19, s18  }
0xa2: {  	s8 =	simm.s32 $0x0;
	s20 =	sshll.u32 s6, $0x1;
	s6 =	sadd.s32 s21, s4  }
0xa3: {  	[timem:s8], [sflag:s22] =	dma.local [hbm:s6], s20  }
0xa4: {  	_ =	swait.ge [sflag:s22], s20  }
0xa5: {  	s5 =	ssub.s32 $0x0, s20;
	[sflag:s22] =	ssyncset.done $0x0  }
0xa6: {  	[sflag:s22] =	ssyncadd.s32 s5;
	_ =	sdelay $0x1  }
0xa7: {  	s23 =	simm.s32 $0x1B8B  }
0xa8: {  	_ =	swait.ge [sflag:s23], $0x1  }
0xa9: {  	[sflag:s23] =	ssyncset.done $0x0  }
0xaa: {  	s25 =	simm.s32 $0x1B8E;
	s24 =	sld [smem:$0x3FFE];
	[sflag:s23] =	ssyncadd.s32 $0xFFFFFFFF  }
0xab: {  	s26 =	simm.s32 $execute0_lowered;
	[smem:$0x3FD2] =	sst s25  }
0xac: {  	s6 =	sshll.u32 s26, $0x1;
	_ =	strace $0x80000046;
	[dreg:$0x1] =	wrdreg $0xFFFFFFFF  }
0xad: {  	s28 =	simm.s32 $_size_execute0_lowered;
	s4 =	sadd.s32 s4, s6;
	[dreg:$0x0] =	wrdreg $0x0  }
0xae: {  	s6 =	sshll.u32 s28, $0x1;
	[dreg:$0x2] =	wrdreg s4  }
0xaf: {  	[dreg:$0x3] =	wrdreg s6  }
0xb0: {  	[dreg:$0x4] =	wrdreg $0xC0  }
0xb1: {  	_ =	task [dreg:s8], $0x5FFFF  }
0xb2: {  	[dreg:$0x1] =	wrdreg $0xFFFFFFFF  }
0xb3: {  	[dreg:$0x0] =	wrdreg $0x60  }
0xb4: {  	[dreg:$0x2] =	wrdreg s15  }
0xb5: {  	[dreg:$0x3] =	wrdreg s24  }
0xb6: {  	[dreg:$0x4] =	wrdreg s16  }
0xb7: {  	[dreg:$0x5] =	wrdreg $0x9  }
0xb8: {  	_ =	task.clear_ibuf [dreg:s8], $0x6FFFF;
	_ =	strace $0x90000046  }
0xb9: {  	s29 =	simm.s32 $0x9;
	_ =	strace $0x80000048  }
0xba: {  	_ =	swait.ge [sflag:s29], $0x1  }
0xbb: {  	[sflag:s29] =	ssyncadd.s32 $0xFFFFFFFF  }
0xbc: {  	_ =	strace $0x90000048  }
0xbd: {  	_ =	sfence  }
0xbe: {  	s30 =	sld [smem:$0x0];
	_ =	sdelay $0x2  }
0xbf: {  	s31 =	sshll.u32 s1, $0xD;
	s1 =	sshrl.u32 s1, $0x2  }
0xc0: {  	s3 =	sand.u32 $0x4000, s31;
	s1 =	sadd.s32 s1, s30  }
0xc1: {  	s0 =	sor.u32 s3, s0;
	s1 =	sshll.u32 s1, $0x11  }
0xc2: {  	s0 =	sor.u32 s1, s0  }
0xc3: {  	s0 =	sadd.s32 $0x8F2B, s0  }
0xc4: {  	[sflag:s0] =	ssyncadd.remote.s32 $0x1  }
0xc5: {  	_ =	sfence.sel $0xFFFF  }
0xc6: {  	[dreg:$0x0] =	wrdreg $0xFFFFFFFF;
	(pc) =	sbr.abs _section_cstart, $3  }
0xc7: {  	[dreg:$0x1] =	wrdreg $0xFFFFFFFF  }
0xc8: {  	_ =	task.clear_ibuf [dreg:s8], $0x2FFFF;
	_ =	strace $0x9FFFFFFF  }
0xc9: {  	(tm) =	ssettm $0x7FFFFFFF  }
tec
execute0_lowered:
.L_overlay_start_1:
0x0: {  	(tag) =	ssettag $0x1  }
0x1: {  	s4 =	srdreg.scid  }
0x2: {  	s2 =	rddreg [dreg:$0x0];
	s6 =	stileid.u32;
	s4 =	sand.u32 $0x1, s4  }
0x3: {  	s6 =	sshll.u32 s6, $0x10;
	s5 =	ssub.s32 $0x2, s4;
	s4 =	sshll.u32 s4, $0xF  }
0x4: {  	s3 =	rddreg [dreg:$0x1];
	s14 =	sor.u32 s4, s6  }
0x5: {  	s0 =	rddreg [dreg:$0x2];
	s1 =	simm.s32 $0x0;
	s4 =	sor.u32 $0x800, s14  }
0x6: {  	[smem:$0x7FF] =	sst s1;
	s17 =	sadd.s32 $0x400, s3;
	s24 =	sadd.s32 s2, s4  }
0x7: {  	s26 =	sor.u32 $0x1000, s14;
	s25 =	sadd.s32 s17, s4;
	[dreg:$0x4] =	wrdreg s24  }
0x8: {  	s8 =	sadd.s32 s2, s26;
	[dreg:$0x5] =	wrdreg s25  }
0x9: {  	s9 =	sadd.s32 s17, s26;
	[dreg:$0x6] =	wrdreg s8  }
0xa: {  	s10 =	sor.u32 $0x1800, s14;
	s4 =	sadd.s32 s0, s4;
	[dreg:$0x7] =	wrdreg s9  }
0xb: {  	s7 =	sshrl.u32 s5, $0x1;
	s11 =	sadd.s32 s2, s10;
	[dreg:$0x8] =	wrdreg s4  }
0xc: {  	s3 =	ssub.s32 s5, s7;
	s13 =	sadd.s32 s17, s10;
	[dreg:$0x9] =	wrdreg s11  }
0xd: {  	s12 =	sor.u32 $0x2000, s14;
	s5 =	sadd.s32 s0, s26;
	[dreg:$0xa] =	wrdreg s13  }
0xe: {  	s15 =	sadd.s32 s2, s12;
	[dreg:$0xb] =	wrdreg s5  }
0xf: {  	s16 =	sadd.s32 s17, s12;
	[dreg:$0xc] =	wrdreg s15  }
0x10: {  	s19 =	sor.u32 $0x2800, s14;
	s18 =	sadd.s32 s0, s10;
	[dreg:$0xd] =	wrdreg s16  }
0x11: {  	s20 =	sadd.s32 s2, s19;
	[dreg:$0xe] =	wrdreg s18  }
0x12: {  	s22 =	sor.u32 $0x3000, s14;
	s21 =	sadd.s32 s17, s19;
	[dreg:$0xf] =	wrdreg s20  }
0x13: {  	s28 =	simm.s32 $0x3;
	s23 =	sadd.s32 s2, s22;
	[dreg:$0x10] =	wrdreg s21  }
0x14: {  	s29 =	simm.s32 $0x4;
	s7 =	sadd.s32 s0, s22;
	[dreg:$0x12] =	wrdreg s23  }
0x15: {  	s30 =	simm.s32 $0x6;
	s4 =	sadd.s32 s0, s12;
	[dreg:$0x15] =	wrdreg s7  }
0x16: {  	s31 =	simm.s32 $0x0;
	s24 =	sadd.s32 s17, s22;
	[dreg:$0x11] =	wrdreg s4  }
0x17: {  	s26 =	sor.u32 $0x3800, s14;
	s25 =	sadd.s32 s0, s19;
	[dreg:$0x13] =	wrdreg s24  }
0x18: {  	s10 =	sor.u32 $0x4000, s14;
	s8 =	sadd.s32 s2, s26;
	[dreg:$0x14] =	wrdreg s25  }
0x19: {  	s9 =	sadd.s32 s17, s26;
	s11 =	sadd.s32 s2, s10;
	[dreg:$0x16] =	wrdreg s8  }
0x1a: {  	s12 =	sor.u32 $0x4800, s14;
	s13 =	sadd.s32 s17, s10;
	[dreg:$0x17] =	wrdreg s9  }
0x1b: {  	s5 =	sadd.s32 s0, s10;
	s18 =	sor.u32 $0x5000, s14;
	[dreg:$0x19] =	wrdreg s11  }
0x1c: {  	s21 =	sor.u32 $0x5800, s14;
	s23 =	sor.u32 $0x6000, s14;
	[dreg:$0x1a] =	wrdreg s13  }
0x1d: {  	s10 =	sor.u32 $0x6800, s14;
	s4 =	sadd.s32 s0, s26;
	[dreg:$0x1b] =	wrdreg s5  }
0x1e: {  	s15 =	sadd.s32 s2, s12;
	s16 =	sadd.s32 s17, s12;
	[dreg:$0x18] =	wrdreg s4  }
0x1f: {  	s19 =	sadd.s32 s2, s18;
	s20 =	sadd.s32 s17, s18;
	[dreg:$0x1c] =	wrdreg s15  }
0x20: {  	s22 =	sadd.s32 s2, s21;
	s24 =	sadd.s32 s17, s21;
	[dreg:$0x1d] =	wrdreg s16  }
0x21: {  	s25 =	sadd.s32 s0, s21;
	s26 =	sadd.s32 s2, s23;
	[dreg:$0x1f] =	wrdreg s19  }
0x22: {  	s6 =	sadd.s32 s17, s23;
	s7 =	sadd.s32 s0, s23;
	[smem:$0x7F8] =	sst s20  }
0x23: {  	s8 =	sadd.s32 s2, s10;
	s9 =	sadd.s32 s17, s10;
	[smem:$0x7FA] =	sst s22  }
0x24: {  	s10 =	sadd.s32 s0, s10;
	s11 =	sadd.s32 s2, s14;
	[smem:$0x7FB] =	sst s24  }
0x25: {  	s13 =	sadd.s32 s0, s14;
	s21 =	simm.s32 $0x4000;
	[smem:$0x7FC] =	sst s25  }
0x26: {  	s23 =	simm.s32 $0xC000;
	s4 =	sadd.s32 s0, s12;
	[smem:$0x7FD] =	sst s26  }
0x27: {  	s12 =	sadd.s32 s17, s14;
	s19 =	sor.u32 $0x7800, s14;
	s20 =	smax.u32 s3, $0x1  }
0x28: {  	s22 =	simm.s32 $0x8000;
	s24 =	simm.s32 $0x1;
	s25 =	simm.s32 $0x2  }
0x29: {  	s26 =	simm.s32 $0x5;
	[dreg:$0x1e] =	wrdreg s4;
	s4 =	sadd.s32 s0, s18  }
0x2a: {  	s18 =	sor.u32 $0x7000, s14;
	s15 =	sadd.s32 s2, s19;
	[smem:$0x7F9] =	sst s4  }
0x2b: {  	s14 =	sadd.s32 s2, s18;
	s16 =	sadd.s32 s17, s18;
	s17 =	sadd.s32 s17, s19  }
0x2c: {  	s18 =	sadd.s32 s0, s18;
	s19 =	sadd.s32 s0, s19;
	_ =	strace $0x80000047  }
.LBB2_1:
0x2d: {  	[tilespmem:s1], [sflag:$0x1] =	stream.linear.gather [hbm4b:s11+s1], $0x4000, $0x38;
	[tilespmem:$0x10000] =	vst v63  }
0x2e: {  	_ = 	snop  }
0x2f: {  	[tilespmem:s21], [sflag:$0x2] =	stream.linear.gather [hbm4b:s12+s1], $0x4000, $0x38;
	[tilespmem:$0x10000] =	vst v63  }
0x30: {  	s0 =	rddreg [dreg:$0x4]  }
0x31: {  	[tilespmem:s22], [sflag:$0x3] =	stream.linear.gather [hbm4b:s0+s1], $0x4000, $0x38;
	[tilespmem:$0x10000] =	vst v63  }
0x32: {  	s4 =	rddreg [dreg:$0x5]  }
0x33: {  	[tilespmem:s23], [sflag:$0x4] =	stream.linear.gather [hbm4b:s4+s1], $0x4000, $0x38;
	[tilespmem:$0x10000] =	vst v63  }
0x34: {  	_ =	swait.ge [sflag:s24], $0x4000  }
0x35: {  	[sflag:s24] =	ssyncset.done $0x0  }
0x36: {  	[sflag:s24] =	ssyncadd.s32 $0xFFFFC000  }
0x37: {  	s2 =	simm.s32 $0x0;
	_ =	swait.ge [sflag:s25], $0x4000  }
0x38: {  	s5 =	sand.u32 $0x3C00, s1;
	s3 =	sand.u32 $0x380, s2;
	[sflag:s25] =	ssyncset.done $0x0  }
0x39: {  	s0 =	sor.u32 s3, s5;
	[sflag:s25] =	ssyncadd.s32 $0xFFFFC000  }
0x3a: {  	v2 =	vld [tilespmem:s0+$0x70]  }
0x3b: {  	v1 =	vld [tilespmem:s0+$0x4070]  }
0x3c: {  	v3 =	vld [tilespmem:s0+$0x0]  }
0x3d: {  	v4 =	vld [tilespmem:s0+$0x4000]  }
0x3e: {  	v6 =	vld [tilespmem:s0+$0x10]  }
0x3f: {  	v5 =	vld [tilespmem:s0+$0x4010]  }
0x40: {  	v0 =	vld [tilespmem:s0+$0x20]  }
0x41: {  	v7 =	vld [tilespmem:s0+$0x4020];
	vm0 =	vlt.s32 v1, $0x3E19999A;
	vm1 =	veq.s32 v2, $0x67  }
0x42: {  	v1 =	vld [tilespmem:s0+$0x30];
	vm0 =	vmor vm1, vm0  }
0x43: {  	vm2 =	vlt.s32 v4, $0x3E19999A;
	v4 =	vld [tilespmem:s0+$0x4030];
	vm1 =	veq.s32 v3, $0x67;
	v8 =	vnsel vm0, $0xFFFFFF9C, v2  }
0x44: {  	vm0 =	vmor vm1, vm2;
	vm1 =	veq.s32 v6, $0x67;
	vm2 =	vlt.s32 v5, $0x3E19999A;
	v2 =	vld [tilespmem:s0+$0x40]  }
0x45: {  	v5 =	vld [tilespmem:s0+$0x4040];
	[tilespmem:s0+$0x70] =	vst v8;
	v3 =	vnsel vm0, $0xFFFFFF9C, v3;
	vm1 =	vmor vm1, vm2  }
0x46: {  	s3 =	simm.s32 $0x0;
	vm0 =	veq.s32 v0, $0x67;
	[tilespmem:s0+$0x0] =	vst v3;
	v6 =	vnsel vm1, $0xFFFFFF9C, v6;
	vm1 =	vlt.s32 v7, $0x3E19999A;
	v3 =	vld [tilespmem:s0+$0x50]  }
.LBB2_2:
0x47: {  	s2 =	sadd.s32 $0x8, s2;
	[tilespmem:s0+$0x10] =	vst v6;
	vm0 =	vmor vm0, vm1;
	vm1 =	veq.s32 v1, $0x67;
	v6 =	vld [tilespmem:s0+$0x4050];
	s3 =	sadd.s32 $0x400, s3  }
0x48: {  	s4 =	sand.u32 $0x3C00, s3;
	s5 =	sand.u32 $0x380, s2;
	v0 =	vnsel vm0, $0xFFFFFF9C, v0;
	vm0 =	vlt.s32 v4, $0x3E19999A;
	v4 =	vld [tilespmem:s0+$0x60]  }
0x49: {  	p0 =	slt.u32 s2, $0x3F8;
	s4 =	sor.u32 s5, s4;
	[tilespmem:s0+$0x20] =	vst v0;
	vm0 =	vmor vm1, vm0;
	vm1 =	veq.s32 v2, $0x67;
	v0 =	vld [tilespmem:s0+$0x4060]  }
0x4a: {  	v7 =	vld [tilespmem:s4+$0x70];
	v1 =	vnsel vm0, $0xFFFFFF9C, v1;
	vm0 =	vlt.s32 v5, $0x3E19999A  }
0x4b: {  	v5 =	vld [tilespmem:s4+$0x4070];
	[tilespmem:s0+$0x30] =	vst v1;
	vm0 =	vmor vm1, vm0;
	vm1 =	veq.s32 v3, $0x67  }
0x4c: {  	v8 =	vld [tilespmem:s4+$0x0];
	v1 =	vnsel vm0, $0xFFFFFF9C, v2;
	vm0 =	vlt.s32 v6, $0x3E19999A  }
0x4d: {  	v2 =	vld [tilespmem:s4+$0x4000];
	[tilespmem:s0+$0x40] =	vst v1;
	vm0 =	vmor vm1, vm0;
	vm1 =	veq.s32 v4, $0x67  }
0x4e: {  	v6 =	vld [tilespmem:s4+$0x10];
	v1 =	vnsel vm0, $0xFFFFFF9C, v3;
	vm0 =	vlt.s32 v0, $0x3E19999A  }
0x4f: {  	v3 =	vld [tilespmem:s4+$0x4010];
	[tilespmem:s0+$0x50] =	vst v1;
	vm0 =	vmor vm1, vm0  }
0x50: {  	vm2 =	veq.s32 v7, $0x67;
	v0 =	vld [tilespmem:s4+$0x20];
	vm1 =	vlt.s32 v5, $0x3E19999A;
	v1 =	vnsel vm0, $0xFFFFFF9C, v4  }
0x51: {  	vm0 =	veq.s32 v8, $0x67;
	v9 =	vld [tilespmem:s4+$0x4020];
	vm1 =	vmor vm2, vm1;
	[tilespmem:s0+$0x60] =	vst v1;
	s0 =	smov.u32 s4  }
.Ltmp0:
0x52: {  	vm2 =	vlt.s32 v2, $0x3E19999A;
	v1 =	vld [tilespmem:s0+$0x30];
	v2 =	vnsel vm1, $0xFFFFFF9C, v7;
	(pc) =	sbr.rel @p0 .LBB2_2-.Ltmp0, $4  }
0x53: {  	vm0 =	vmor vm0, vm2;
	vm1 =	veq.s32 v6, $0x67;
	v4 =	vld [tilespmem:s0+$0x4030];
	[tilespmem:s0+$0x70] =	vst v2  }
0x54: {  	v5 =	vnsel vm0, $0xFFFFFF9C, v8;
	vm0 =	vlt.s32 v3, $0x3E19999A;
	v2 =	vld [tilespmem:s0+$0x40]  }
0x55: {  	[tilespmem:s0+$0x0] =	vst v5;
	vm1 =	vmor vm1, vm0;
	vm0 =	veq.s32 v0, $0x67;
	v5 =	vld [tilespmem:s0+$0x4040]  }
0x56: {  	v6 =	vnsel vm1, $0xFFFFFF9C, v6;
	vm1 =	vlt.s32 v9, $0x3E19999A;
	v3 =	vld [tilespmem:s0+$0x50]  }
0x57: {  	v7 =	vld [tilespmem:s0+$0x4050]  }
0x58: {  	v8 =	vld [tilespmem:s0+$0x60]  }
0x59: {  	v9 =	vld [tilespmem:s0+$0x4060]  }
0x5a: {  	vm0 =	vmor vm0, vm1;
	vm1 =	veq.s32 v1, $0x67;
	vm2 =	vlt.s32 v4, $0x3E19999A  }
0x5b: {  	vm1 =	vmor vm1, vm2;
	vm2 =	veq.s32 v2, $0x67;
	vm3 =	vlt.s32 v5, $0x3E19999A  }
0x5c: {  	[tilespmem:s0+$0x10] =	vst v6;
	v0 =	vnsel vm0, $0xFFFFFF9C, v0;
	v1 =	vnsel vm1, $0xFFFFFF9C, v1;
	vm0 =	vmor vm2, vm3  }
0x5d: {  	[tilespmem:s0+$0x20] =	vst v0;
	vm1 =	veq.s32 v3, $0x67;
	v0 =	vnsel vm0, $0xFFFFFF9C, v2;
	vm0 =	vlt.s32 v7, $0x3E19999A  }
0x5e: {  	[tilespmem:s0+$0x30] =	vst v1;
	vm2 =	vlt.s32 v9, $0x3E19999A;
	vm0 =	vmor vm1, vm0;
	vm1 =	veq.s32 v8, $0x67  }
0x5f: {  	[tilespmem:s0+$0x40] =	vst v0;
	v0 =	vnsel vm0, $0xFFFFFF9C, v3;
	vm0 =	vmor vm1, vm2  }
0x60: {  	[tilespmem:s0+$0x50] =	vst v0;
	v0 =	vnsel vm0, $0xFFFFFF9C, v8  }
0x61: {  	s2 =	simm.s32 $0x0;
	[tilespmem:s0+$0x60] =	vst v0  }
0x62: {  	[hbm4b:s13+s2] =	stream.linear.scatter [tilespmem:s2], [sflag:$0x5], $0x4000, $0x38;
	[tilespmem:$0x10000] =	vst v63  }
0x63: {  	_ =	swait.ge [sflag:s26], $0x4000  }
0x64: {  	[sflag:s26] =	ssyncset.done $0x0  }
0x65: {  	s3 =	rddreg [dreg:$0x6];
	[sflag:s26] =	ssyncadd.s32 $0xFFFFC000  }
0x66: {  	[tilespmem:s2], [sflag:$0x1] =	stream.linear.gather [hbm4b:s3+s2], $0x4000, $0x38;
	[tilespmem:$0x10000] =	vst v63  }
0x67: {  	s4 =	rddreg [dreg:$0x7]  }
0x68: {  	[tilespmem:s21], [sflag:$0x2] =	stream.linear.gather [hbm4b:s4+s2], $0x4000, $0x38;
	[tilespmem:$0x10000] =	vst v63  }
0x69: {  	_ =	swait.ge [sflag:s28], $0x4000  }
0x6a: {  	[sflag:s28] =	ssyncset.done $0x0  }
0x6b: {  	[sflag:s28] =	ssyncadd.s32 $0xFFFFC000  }
0x6c: {  	s3 =	simm.s32 $0x0;
	_ =	swait.ge [sflag:s29], $0x4000  }
0x6d: {  	s5 =	sand.u32 $0x3C00, s2;
	s4 =	sand.u32 $0x380, s3;
	[sflag:s29] =	ssyncset.done $0x0  }
0x6e: {  	s0 =	sor.u32 s4, s5;
	[sflag:s29] =	ssyncadd.s32 $0xFFFFC000  }
0x6f: {  	v2 =	vld [tilespmem:s0+$0x8070]  }
0x70: {  	v1 =	vld [tilespmem:s0+$0xC070]  }
0x71: {  	v3 =	vld [tilespmem:s0+$0x8000]  }
0x72: {  	v4 =	vld [tilespmem:s0+$0xC000]  }
0x73: {  	v6 =	vld [tilespmem:s0+$0x8010]  }
0x74: {  	v5 =	vld [tilespmem:s0+$0xC010]  }
0x75: {  	v0 =	vld [tilespmem:s0+$0x8020]  }
0x76: {  	v7 =	vld [tilespmem:s0+$0xC020];
	vm0 =	vlt.s32 v1, $0x3E19999A;
	vm1 =	veq.s32 v2, $0x67  }
0x77: {  	v1 =	vld [tilespmem:s0+$0x8030];
	vm0 =	vmor vm1, vm0  }
0x78: {  	vm2 =	vlt.s32 v4, $0x3E19999A;
	v4 =	vld [tilespmem:s0+$0xC030];
	vm1 =	veq.s32 v3, $0x67;
	v8 =	vnsel vm0, $0xFFFFFF9C, v2  }
0x79: {  	vm0 =	vmor vm1, vm2;
	vm1 =	veq.s32 v6, $0x67;
	vm2 =	vlt.s32 v5, $0x3E19999A;
	v2 =	vld [tilespmem:s0+$0x8040]  }
0x7a: {  	v5 =	vld [tilespmem:s0+$0xC040];
	[tilespmem:s0+$0x8070] =	vst v8;
	v3 =	vnsel vm0, $0xFFFFFF9C, v3;
	vm1 =	vmor vm1, vm2  }
0x7b: {  	vm0 =	veq.s32 v0, $0x67;
	[tilespmem:s0+$0x8000] =	vst v3;
	v6 =	vnsel vm1, $0xFFFFFF9C, v6;
	vm1 =	vlt.s32 v7, $0x3E19999A;
	v3 =	vld [tilespmem:s0+$0x8050]  }
.LBB2_4:
0x7c: {  	s3 =	sadd.s32 $0x8, s3;
	[tilespmem:s0+$0x8010] =	vst v6;
	vm0 =	vmor vm0, vm1;
	vm1 =	veq.s32 v1, $0x67;
	v6 =	vld [tilespmem:s0+$0xC050];
	s2 =	sadd.s32 $0x400, s2  }
0x7d: {  	s4 =	sand.u32 $0x3C00, s2;
	s5 =	sand.u32 $0x380, s3;
	v0 =	vnsel vm0, $0xFFFFFF9C, v0;
	vm0 =	vlt.s32 v4, $0x3E19999A;
	v4 =	vld [tilespmem:s0+$0x8060]  }
0x7e: {  	p0 =	slt.u32 s3, $0x3F8;
	s4 =	sor.u32 s5, s4;
	[tilespmem:s0+$0x8020] =	vst v0;
	vm0 =	vmor vm1, vm0;
	vm1 =	veq.s32 v2, $0x67;
	v0 =	vld [tilespmem:s0+$0xC060]  }
0x7f: {  	v7 =	vld [tilespmem:s4+$0x8070];
	v1 =	vnsel vm0, $0xFFFFFF9C, v1;
	vm0 =	vlt.s32 v5, $0x3E19999A  }
0x80: {  	v5 =	vld [tilespmem:s4+$0xC070];
	[tilespmem:s0+$0x8030] =	vst v1;
	vm0 =	vmor vm1, vm0;
	vm1 =	veq.s32 v3, $0x67  }
0x81: {  	v8 =	vld [tilespmem:s4+$0x8000];
	v1 =	vnsel vm0, $0xFFFFFF9C, v2;
	vm0 =	vlt.s32 v6, $0x3E19999A  }
0x82: {  	v2 =	vld [tilespmem:s4+$0xC000];
	[tilespmem:s0+$0x8040] =	vst v1;
	vm0 =	vmor vm1, vm0;
	vm1 =	veq.s32 v4, $0x67  }
0x83: {  	v6 =	vld [tilespmem:s4+$0x8010];
	v1 =	vnsel vm0, $0xFFFFFF9C, v3;
	vm0 =	vlt.s32 v0, $0x3E19999A  }
0x84: {  	v3 =	vld [tilespmem:s4+$0xC010];
	[tilespmem:s0+$0x8050] =	vst v1;
	vm0 =	vmor vm1, vm0  }
0x85: {  	vm2 =	veq.s32 v7, $0x67;
	v0 =	vld [tilespmem:s4+$0x8020];
	vm1 =	vlt.s32 v5, $0x3E19999A;
	v1 =	vnsel vm0, $0xFFFFFF9C, v4  }
0x86: {  	vm0 =	veq.s32 v8, $0x67;
	v9 =	vld [tilespmem:s4+$0xC020];
	vm1 =	vmor vm2, vm1;
	[tilespmem:s0+$0x8060] =	vst v1;
	s0 =	smov.u32 s4  }
.Ltmp1:
0x87: {  	vm2 =	vlt.s32 v2, $0x3E19999A;
	v1 =	vld [tilespmem:s0+$0x8030];
	v2 =	vnsel vm1, $0xFFFFFF9C, v7;
	(pc) =	sbr.rel @p0 .LBB2_4-.Ltmp1, $4  }
0x88: {  	vm0 =	vmor vm0, vm2;
	vm1 =	veq.s32 v6, $0x67;
	v4 =	vld [tilespmem:s0+$0xC030];
	[tilespmem:s0+$0x8070] =	vst v2  }
0x89: {  	v5 =	vnsel vm0, $0xFFFFFF9C, v8;
	vm0 =	vlt.s32 v3, $0x3E19999A;
	v2 =	vld [tilespmem:s0+$0x8040]  }
0x8a: {  	[tilespmem:s0+$0x8000] =	vst v5;
	vm1 =	vmor vm1, vm0;
	vm0 =	veq.s32 v0, $0x67;
	v5 =	vld [tilespmem:s0+$0xC040]  }
0x8b: {  	v6 =	vnsel vm1, $0xFFFFFF9C, v6;
	vm1 =	vlt.s32 v9, $0x3E19999A;
	v3 =	vld [tilespmem:s0+$0x8050]  }
0x8c: {  	v7 =	vld [tilespmem:s0+$0xC050]  }
0x8d: {  	v8 =	vld [tilespmem:s0+$0x8060]  }
0x8e: {  	v9 =	vld [tilespmem:s0+$0xC060]  }
0x8f: {  	vm0 =	vmor vm0, vm1;
	vm1 =	veq.s32 v1, $0x67;
	vm2 =	vlt.s32 v4, $0x3E19999A  }
0x90: {  	vm1 =	vmor vm1, vm2;
	vm2 =	veq.s32 v2, $0x67;
	vm3 =	vlt.s32 v5, $0x3E19999A  }
0x91: {  	[tilespmem:s0+$0x8010] =	vst v6;
	v0 =	vnsel vm0, $0xFFFFFF9C, v0;
	v1 =	vnsel vm1, $0xFFFFFF9C, v1;
	vm0 =	vmor vm2, vm3  }
0x92: {  	[tilespmem:s0+$0x8020] =	vst v0;
	vm1 =	veq.s32 v3, $0x67;
	v0 =	vnsel vm0, $0xFFFFFF9C, v2;
	vm0 =	vlt.s32 v7, $0x3E19999A  }
0x93: {  	[tilespmem:s0+$0x8030] =	vst v1;
	vm2 =	vlt.s32 v9, $0x3E19999A;
	vm0 =	vmor vm1, vm0;
	vm1 =	veq.s32 v8, $0x67  }
0x94: {  	[tilespmem:s0+$0x8040] =	vst v0;
	v0 =	vnsel vm0, $0xFFFFFF9C, v3;
	vm0 =	vmor vm1, vm2  }
0x95: {  	[tilespmem:s0+$0x8050] =	vst v0;
	v0 =	vnsel vm0, $0xFFFFFF9C, v8  }
0x96: {  	[tilespmem:s0+$0x8060] =	vst v0  }
0x97: {  	s2 =	simm.s32 $0x0;
	s0 =	rddreg [dreg:$0x8]  }
0x98: {  	[hbm4b:s0+s2] =	stream.linear.scatter [tilespmem:s22], [sflag:$0x6], $0x4000, $0x38;
	[tilespmem:$0x10000] =	vst v63  }
0x99: {  	_ =	swait.ge [sflag:s30], $0x4000  }
0x9a: {  	[sflag:s30] =	ssyncset.done $0x0  }
0x9b: {  	s3 =	rddreg [dreg:$0x9];
	[sflag:s30] =	ssyncadd.s32 $0xFFFFC000  }
0x9c: {  	[tilespmem:s22], [sflag:$0x3] =	stream.linear.gather [hbm4b:s3+s2], $0x4000, $0x38;
	[tilespmem:$0x10000] =	vst v63  }
0x9d: {  	s4 =	rddreg [dreg:$0xa]  }
0x9e: {  	[tilespmem:s23], [sflag:$0x4] =	stream.linear.gather [hbm4b:s4+s2], $0x4000, $0x38;
	[tilespmem:$0x10000] =	vst v63  }
0x9f: {  	_ =	swait.ge [sflag:s24], $0x4000  }
0xa0: {  	[sflag:s24] =	ssyncset.done $0x0  }
0xa1: {  	[sflag:s24] =	ssyncadd.s32 $0xFFFFC000  }
0xa2: {  	s3 =	simm.s32 $0x0;
	_ =	swait.ge [sflag:s25], $0x4000  }
0xa3: {  	s5 =	sand.u32 $0x3C00, s2;
	s4 =	sand.u32 $0x380, s3;
	[sflag:s25] =	ssyncset.done $0x0  }
0xa4: {  	s0 =	sor.u32 s4, s5;
	[sflag:s25] =	ssyncadd.s32 $0xFFFFC000  }
0xa5: {  	v2 =	vld [tilespmem:s0+$0x70]  }
0xa6: {  	v1 =	vld [tilespmem:s0+$0x4070]  }
0xa7: {  	v3 =	vld [tilespmem:s0+$0x0]  }
0xa8: {  	v4 =	vld [tilespmem:s0+$0x4000]  }
0xa9: {  	v6 =	vld [tilespmem:s0+$0x10]  }
0xaa: {  	v5 =	vld [tilespmem:s0+$0x4010]  }
0xab: {  	v0 =	vld [tilespmem:s0+$0x20]  }
0xac: {  	v7 =	vld [tilespmem:s0+$0x4020];
	vm0 =	vlt.s32 v1, $0x3E19999A;
	vm1 =	veq.s32 v2, $0x67  }
0xad: {  	v1 =	vld [tilespmem:s0+$0x30];
	vm0 =	vmor vm1, vm0  }
0xae: {  	vm2 =	vlt.s32 v4, $0x3E19999A;
	v4 =	vld [tilespmem:s0+$0x4030];
	vm1 =	veq.s32 v3, $0x67;
	v8 =	vnsel vm0, $0xFFFFFF9C, v2  }
0xaf: {  	vm0 =	vmor vm1, vm2;
	vm1 =	veq.s32 v6, $0x67;
	vm2 =	vlt.s32 v5, $0x3E19999A;
	v2 =	vld [tilespmem:s0+$0x40]  }
0xb0: {  	v5 =	vld [tilespmem:s0+$0x4040];
	[tilespmem:s0+$0x70] =	vst v8;
	v3 =	vnsel vm0, $0xFFFFFF9C, v3;
	vm1 =	vmor vm1, vm2  }
0xb1: {  	vm0 =	veq.s32 v0, $0x67;
	[tilespmem:s0+$0x0] =	vst v3;
	v6 =	vnsel vm1, $0xFFFFFF9C, v6;
	vm1 =	vlt.s32 v7, $0x3E19999A;
	v3 =	vld [tilespmem:s0+$0x50]  }
.LBB2_6:
0xb2: {  	s3 =	sadd.s32 $0x8, s3;
	[tilespmem:s0+$0x10] =	vst v6;
	vm0 =	vmor vm0, vm1;
	vm1 =	veq.s32 v1, $0x67;
	v6 =	vld [tilespmem:s0+$0x4050];
	s2 =	sadd.s32 $0x400, s2  }
0xb3: {  	s4 =	sand.u32 $0x3C00, s2;
	s5 =	sand.u32 $0x380, s3;
	v0 =	vnsel vm0, $0xFFFFFF9C, v0;
	vm0 =	vlt.s32 v4, $0x3E19999A;
	v4 =	vld [tilespmem:s0+$0x60]  }
0xb4: {  	p0 =	slt.u32 s3, $0x3F8;
	s4 =	sor.u32 s5, s4;
	[tilespmem:s0+$0x20] =	vst v0;
	vm0 =	vmor vm1, vm0;
	vm1 =	veq.s32 v2, $0x67;
	v0 =	vld [tilespmem:s0+$0x4060]  }
0xb5: {  	v7 =	vld [tilespmem:s4+$0x70];
	v1 =	vnsel vm0, $0xFFFFFF9C, v1;
	vm0 =	vlt.s32 v5, $0x3E19999A  }
0xb6: {  	v5 =	vld [tilespmem:s4+$0x4070];
	[tilespmem:s0+$0x30] =	vst v1;
	vm0 =	vmor vm1, vm0;
	vm1 =	veq.s32 v3, $0x67  }
0xb7: {  	v8 =	vld [tilespmem:s4+$0x0];
	v1 =	vnsel vm0, $0xFFFFFF9C, v2;
	vm0 =	vlt.s32 v6, $0x3E19999A  }
0xb8: {  	v2 =	vld [tilespmem:s4+$0x4000];
	[tilespmem:s0+$0x40] =	vst v1;
	vm0 =	vmor vm1, vm0;
	vm1 =	veq.s32 v4, $0x67  }
0xb9: {  	v6 =	vld [tilespmem:s4+$0x10];
	v1 =	vnsel vm0, $0xFFFFFF9C, v3;
	vm0 =	vlt.s32 v0, $0x3E19999A  }
0xba: {  	v3 =	vld [tilespmem:s4+$0x4010];
	[tilespmem:s0+$0x50] =	vst v1;
	vm0 =	vmor vm1, vm0  }
0xbb: {  	vm2 =	veq.s32 v7, $0x67;
	v0 =	vld [tilespmem:s4+$0x20];
	vm1 =	vlt.s32 v5, $0x3E19999A;
	v1 =	vnsel vm0, $0xFFFFFF9C, v4  }
0xbc: {  	vm0 =	veq.s32 v8, $0x67;
	v9 =	vld [tilespmem:s4+$0x4020];
	vm1 =	vmor vm2, vm1;
	[tilespmem:s0+$0x60] =	vst v1;
	s0 =	smov.u32 s4  }
.Ltmp2:
0xbd: {  	vm2 =	vlt.s32 v2, $0x3E19999A;
	v1 =	vld [tilespmem:s0+$0x30];
	v2 =	vnsel vm1, $0xFFFFFF9C, v7;
	(pc) =	sbr.rel @p0 .LBB2_6-.Ltmp2, $4  }
0xbe: {  	vm0 =	vmor vm0, vm2;
	vm1 =	veq.s32 v6, $0x67;
	v4 =	vld [tilespmem:s0+$0x4030];
	[tilespmem:s0+$0x70] =	vst v2  }
0xbf: {  	v5 =	vnsel vm0, $0xFFFFFF9C, v8;
	vm0 =	vlt.s32 v3, $0x3E19999A;
	v2 =	vld [tilespmem:s0+$0x40]  }
0xc0: {  	[tilespmem:s0+$0x0] =	vst v5;
	vm1 =	vmor vm1, vm0;
	vm0 =	veq.s32 v0, $0x67;
	v5 =	vld [tilespmem:s0+$0x4040]  }
0xc1: {  	v6 =	vnsel vm1, $0xFFFFFF9C, v6;
	vm1 =	vlt.s32 v9, $0x3E19999A;
	v3 =	vld [tilespmem:s0+$0x50]  }
0xc2: {  	v7 =	vld [tilespmem:s0+$0x4050]  }
0xc3: {  	v8 =	vld [tilespmem:s0+$0x60]  }
0xc4: {  	v9 =	vld [tilespmem:s0+$0x4060]  }
0xc5: {  	vm0 =	vmor vm0, vm1;
	vm1 =	veq.s32 v1, $0x67;
	vm2 =	vlt.s32 v4, $0x3E19999A  }
0xc6: {  	vm1 =	vmor vm1, vm2;
	vm2 =	veq.s32 v2, $0x67;
	vm3 =	vlt.s32 v5, $0x3E19999A  }
0xc7: {  	[tilespmem:s0+$0x10] =	vst v6;
	v0 =	vnsel vm0, $0xFFFFFF9C, v0;
	v1 =	vnsel vm1, $0xFFFFFF9C, v1;
	vm0 =	vmor vm2, vm3  }
0xc8: {  	[tilespmem:s0+$0x20] =	vst v0;
	vm1 =	veq.s32 v3, $0x67;
	v0 =	vnsel vm0, $0xFFFFFF9C, v2;
	vm0 =	vlt.s32 v7, $0x3E19999A  }
0xc9: {  	[tilespmem:s0+$0x30] =	vst v1;
	vm2 =	vlt.s32 v9, $0x3E19999A;
	vm0 =	vmor vm1, vm0;
	vm1 =	veq.s32 v8, $0x67  }
0xca: {  	[tilespmem:s0+$0x40] =	vst v0;
	v0 =	vnsel vm0, $0xFFFFFF9C, v3;
	vm0 =	vmor vm1, vm2  }
0xcb: {  	[tilespmem:s0+$0x50] =	vst v0;
	v0 =	vnsel vm0, $0xFFFFFF9C, v8  }
0xcc: {  	[tilespmem:s0+$0x60] =	vst v0  }
0xcd: {  	s2 =	simm.s32 $0x0;
	s0 =	rddreg [dreg:$0xb]  }
0xce: {  	[hbm4b:s0+s2] =	stream.linear.scatter [tilespmem:s2], [sflag:$0x5], $0x4000, $0x38;
	[tilespmem:$0x10000] =	vst v63  }
0xcf: {  	_ =	swait.ge [sflag:s26], $0x4000  }
0xd0: {  	[sflag:s26] =	ssyncset.done $0x0  }
0xd1: {  	s3 =	rddreg [dreg:$0xc];
	[sflag:s26] =	ssyncadd.s32 $0xFFFFC000  }
0xd2: {  	[tilespmem:s2], [sflag:$0x1] =	stream.linear.gather [hbm4b:s3+s2], $0x4000, $0x38;
	[tilespmem:$0x10000] =	vst v63  }
0xd3: {  	s4 =	rddreg [dreg:$0xd]  }
0xd4: {  	[tilespmem:s21], [sflag:$0x2] =	stream.linear.gather [hbm4b:s4+s2], $0x4000, $0x38;
	[tilespmem:$0x10000] =	vst v63  }
0xd5: {  	_ =	swait.ge [sflag:s28], $0x4000  }
0xd6: {  	[sflag:s28] =	ssyncset.done $0x0  }
0xd7: {  	[sflag:s28] =	ssyncadd.s32 $0xFFFFC000  }
0xd8: {  	s3 =	simm.s32 $0x0;
	_ =	swait.ge [sflag:s29], $0x4000  }
0xd9: {  	s5 =	sand.u32 $0x3C00, s2;
	s4 =	sand.u32 $0x380, s3;
	[sflag:s29] =	ssyncset.done $0x0  }
0xda: {  	s0 =	sor.u32 s4, s5;
	[sflag:s29] =	ssyncadd.s32 $0xFFFFC000  }
0xdb: {  	v2 =	vld [tilespmem:s0+$0x8070]  }
0xdc: {  	v1 =	vld [tilespmem:s0+$0xC070]  }
0xdd: {  	v3 =	vld [tilespmem:s0+$0x8000]  }
0xde: {  	v4 =	vld [tilespmem:s0+$0xC000]  }
0xdf: {  	v6 =	vld [tilespmem:s0+$0x8010]  }
0xe0: {  	v5 =	vld [tilespmem:s0+$0xC010]  }
0xe1: {  	v0 =	vld [tilespmem:s0+$0x8020]  }
0xe2: {  	v7 =	vld [tilespmem:s0+$0xC020];
	vm0 =	vlt.s32 v1, $0x3E19999A;
	vm1 =	veq.s32 v2, $0x67  }
0xe3: {  	v1 =	vld [tilespmem:s0+$0x8030];
	vm0 =	vmor vm1, vm0  }
0xe4: {  	vm2 =	vlt.s32 v4, $0x3E19999A;
	v4 =	vld [tilespmem:s0+$0xC030];
	vm1 =	veq.s32 v3, $0x67;
	v8 =	vnsel vm0, $0xFFFFFF9C, v2  }
0xe5: {  	vm0 =	vmor vm1, vm2;
	vm1 =	veq.s32 v6, $0x67;
	vm2 =	vlt.s32 v5, $0x3E19999A;
	v2 =	vld [tilespmem:s0+$0x8040]  }
0xe6: {  	v5 =	vld [tilespmem:s0+$0xC040];
	[tilespmem:s0+$0x8070] =	vst v8;
	v3 =	vnsel vm0, $0xFFFFFF9C, v3;
	vm1 =	vmor vm1, vm2  }
0xe7: {  	vm0 =	veq.s32 v0, $0x67;
	[tilespmem:s0+$0x8000] =	vst v3;
	v6 =	vnsel vm1, $0xFFFFFF9C, v6;
	vm1 =	vlt.s32 v7, $0x3E19999A;
	v3 =	vld [tilespmem:s0+$0x8050]  }
.LBB2_8:
0xe8: {  	s3 =	sadd.s32 $0x8, s3;
	[tilespmem:s0+$0x8010] =	vst v6;
	vm0 =	vmor vm0, vm1;
	vm1 =	veq.s32 v1, $0x67;
	v6 =	vld [tilespmem:s0+$0xC050];
	s2 =	sadd.s32 $0x400, s2  }
0xe9: {  	s4 =	sand.u32 $0x3C00, s2;
	s5 =	sand.u32 $0x380, s3;
	v0 =	vnsel vm0, $0xFFFFFF9C, v0;
	vm0 =	vlt.s32 v4, $0x3E19999A;
	v4 =	vld [tilespmem:s0+$0x8060]  }
0xea: {  	p0 =	slt.u32 s3, $0x3F8;
	s4 =	sor.u32 s5, s4;
	[tilespmem:s0+$0x8020] =	vst v0;
	vm0 =	vmor vm1, vm0;
	vm1 =	veq.s32 v2, $0x67;
	v0 =	vld [tilespmem:s0+$0xC060]  }
0xeb: {  	v7 =	vld [tilespmem:s4+$0x8070];
	v1 =	vnsel vm0, $0xFFFFFF9C, v1;
	vm0 =	vlt.s32 v5, $0x3E19999A  }
0xec: {  	v5 =	vld [tilespmem:s4+$0xC070];
	[tilespmem:s0+$0x8030] =	vst v1;
	vm0 =	vmor vm1, vm0;
	vm1 =	veq.s32 v3, $0x67  }
0xed: {  	v8 =	vld [tilespmem:s4+$0x8000];
	v1 =	vnsel vm0, $0xFFFFFF9C, v2;
	vm0 =	vlt.s32 v6, $0x3E19999A  }
0xee: {  	v2 =	vld [tilespmem:s4+$0xC000];
	[tilespmem:s0+$0x8040] =	vst v1;
	vm0 =	vmor vm1, vm0;
	vm1 =	veq.s32 v4, $0x67  }
0xef: {  	v6 =	vld [tilespmem:s4+$0x8010];
	v1 =	vnsel vm0, $0xFFFFFF9C, v3;
	vm0 =	vlt.s32 v0, $0x3E19999A  }
0xf0: {  	v3 =	vld [tilespmem:s4+$0xC010];
	[tilespmem:s0+$0x8050] =	vst v1;
	vm0 =	vmor vm1, vm0  }
0xf1: {  	vm2 =	veq.s32 v7, $0x67;
	v0 =	vld [tilespmem:s4+$0x8020];
	vm1 =	vlt.s32 v5, $0x3E19999A;
	v1 =	vnsel vm0, $0xFFFFFF9C, v4  }
0xf2: {  	vm0 =	veq.s32 v8, $0x67;
	v9 =	vld [tilespmem:s4+$0xC020];
	vm1 =	vmor vm2, vm1;
	[tilespmem:s0+$0x8060] =	vst v1;
	s0 =	smov.u32 s4  }
.Ltmp3:
0xf3: {  	vm2 =	vlt.s32 v2, $0x3E19999A;
	v1 =	vld [tilespmem:s0+$0x8030];
	v2 =	vnsel vm1, $0xFFFFFF9C, v7;
	(pc) =	sbr.rel @p0 .LBB2_8-.Ltmp3, $4  }
0xf4: {  	vm0 =	vmor vm0, vm2;
	vm1 =	veq.s32 v6, $0x67;
	v4 =	vld [tilespmem:s0+$0xC030];
	[tilespmem:s0+$0x8070] =	vst v2  }
0xf5: {  	v5 =	vnsel vm0, $0xFFFFFF9C, v8;
	vm0 =	vlt.s32 v3, $0x3E19999A;
	v2 =	vld [tilespmem:s0+$0x8040]  }
0xf6: {  	[tilespmem:s0+$0x8000] =	vst v5;
	vm1 =	vmor vm1, vm0;
	vm0 =	veq.s32 v0, $0x67;
	v5 =	vld [tilespmem:s0+$0xC040]  }
0xf7: {  	v6 =	vnsel vm1, $0xFFFFFF9C, v6;
	vm1 =	vlt.s32 v9, $0x3E19999A;
	v3 =	vld [tilespmem:s0+$0x8050]  }
0xf8: {  	v7 =	vld [tilespmem:s0+$0xC050]  }
0xf9: {  	v8 =	vld [tilespmem:s0+$0x8060]  }
0xfa: {  	v9 =	vld [tilespmem:s0+$0xC060]  }
0xfb: {  	vm0 =	vmor vm0, vm1;
	vm1 =	veq.s32 v1, $0x67;
	vm2 =	vlt.s32 v4, $0x3E19999A  }
0xfc: {  	vm1 =	vmor vm1, vm2;
	vm2 =	veq.s32 v2, $0x67;
	vm3 =	vlt.s32 v5, $0x3E19999A  }
0xfd: {  	[tilespmem:s0+$0x8010] =	vst v6;
	v0 =	vnsel vm0, $0xFFFFFF9C, v0;
	v1 =	vnsel vm1, $0xFFFFFF9C, v1;
	vm0 =	vmor vm2, vm3  }
0xfe: {  	[tilespmem:s0+$0x8020] =	vst v0;
	vm1 =	veq.s32 v3, $0x67;
	v0 =	vnsel vm0, $0xFFFFFF9C, v2;
	vm0 =	vlt.s32 v7, $0x3E19999A  }
0xff: {  	[tilespmem:s0+$0x8030] =	vst v1;
	vm2 =	vlt.s32 v9, $0x3E19999A;
	vm0 =	vmor vm1, vm0;
	vm1 =	veq.s32 v8, $0x67  }
0x100: {  	[tilespmem:s0+$0x8040] =	vst v0;
	v0 =	vnsel vm0, $0xFFFFFF9C, v3;
	vm0 =	vmor vm1, vm2  }
0x101: {  	[tilespmem:s0+$0x8050] =	vst v0;
	v0 =	vnsel vm0, $0xFFFFFF9C, v8  }
0x102: {  	[tilespmem:s0+$0x8060] =	vst v0  }
0x103: {  	s2 =	simm.s32 $0x0;
	s0 =	rddreg [dreg:$0xe]  }
0x104: {  	[hbm4b:s0+s2] =	stream.linear.scatter [tilespmem:s22], [sflag:$0x6], $0x4000, $0x38;
	[tilespmem:$0x10000] =	vst v63  }
0x105: {  	_ =	swait.ge [sflag:s30], $0x4000  }
0x106: {  	[sflag:s30] =	ssyncset.done $0x0  }
0x107: {  	s3 =	rddreg [dreg:$0xf];
	[sflag:s30] =	ssyncadd.s32 $0xFFFFC000  }
0x108: {  	[tilespmem:s22], [sflag:$0x3] =	stream.linear.gather [hbm4b:s3+s2], $0x4000, $0x38;
	[tilespmem:$0x10000] =	vst v63  }
0x109: {  	s4 =	rddreg [dreg:$0x10]  }
0x10a: {  	[tilespmem:s23], [sflag:$0x4] =	stream.linear.gather [hbm4b:s4+s2], $0x4000, $0x38;
	[tilespmem:$0x10000] =	vst v63  }
0x10b: {  	_ =	swait.ge [sflag:s24], $0x4000  }
0x10c: {  	[sflag:s24] =	ssyncset.done $0x0  }
0x10d: {  	[sflag:s24] =	ssyncadd.s32 $0xFFFFC000  }
0x10e: {  	s3 =	simm.s32 $0x0;
	_ =	swait.ge [sflag:s25], $0x4000  }
0x10f: {  	s5 =	sand.u32 $0x3C00, s2;
	s4 =	sand.u32 $0x380, s3;
	[sflag:s25] =	ssyncset.done $0x0  }
0x110: {  	s0 =	sor.u32 s4, s5;
	[sflag:s25] =	ssyncadd.s32 $0xFFFFC000  }
0x111: {  	v2 =	vld [tilespmem:s0+$0x70]  }
0x112: {  	v1 =	vld [tilespmem:s0+$0x4070]  }
0x113: {  	v3 =	vld [tilespmem:s0+$0x0]  }
0x114: {  	v4 =	vld [tilespmem:s0+$0x4000]  }
0x115: {  	v6 =	vld [tilespmem:s0+$0x10]  }
0x116: {  	v5 =	vld [tilespmem:s0+$0x4010]  }
0x117: {  	v0 =	vld [tilespmem:s0+$0x20]  }
0x118: {  	v7 =	vld [tilespmem:s0+$0x4020];
	vm0 =	vlt.s32 v1, $0x3E19999A;
	vm1 =	veq.s32 v2, $0x67  }
0x119: {  	v1 =	vld [tilespmem:s0+$0x30];
	vm0 =	vmor vm1, vm0  }
0x11a: {  	vm2 =	vlt.s32 v4, $0x3E19999A;
	v4 =	vld [tilespmem:s0+$0x4030];
	vm1 =	veq.s32 v3, $0x67;
	v8 =	vnsel vm0, $0xFFFFFF9C, v2  }
0x11b: {  	vm0 =	vmor vm1, vm2;
	vm1 =	veq.s32 v6, $0x67;
	vm2 =	vlt.s32 v5, $0x3E19999A;
	v2 =	vld [tilespmem:s0+$0x40]  }
0x11c: {  	v5 =	vld [tilespmem:s0+$0x4040];
	[tilespmem:s0+$0x70] =	vst v8;
	v3 =	vnsel vm0, $0xFFFFFF9C, v3;
	vm1 =	vmor vm1, vm2  }
0x11d: {  	vm0 =	veq.s32 v0, $0x67;
	[tilespmem:s0+$0x0] =	vst v3;
	v6 =	vnsel vm1, $0xFFFFFF9C, v6;
	vm1 =	vlt.s32 v7, $0x3E19999A;
	v3 =	vld [tilespmem:s0+$0x50]  }
.LBB2_10:
0x11e: {  	s3 =	sadd.s32 $0x8, s3;
	[tilespmem:s0+$0x10] =	vst v6;
	vm0 =	vmor vm0, vm1;
	vm1 =	veq.s32 v1, $0x67;
	v6 =	vld [tilespmem:s0+$0x4050];
	s2 =	sadd.s32 $0x400, s2  }
0x11f: {  	s4 =	sand.u32 $0x3C00, s2;
	s5 =	sand.u32 $0x380, s3;
	v0 =	vnsel vm0, $0xFFFFFF9C, v0;
	vm0 =	vlt.s32 v4, $0x3E19999A;
	v4 =	vld [tilespmem:s0+$0x60]  }
0x120: {  	p0 =	slt.u32 s3, $0x3F8;
	s4 =	sor.u32 s5, s4;
	[tilespmem:s0+$0x20] =	vst v0;
	vm0 =	vmor vm1, vm0;
	vm1 =	veq.s32 v2, $0x67;
	v0 =	vld [tilespmem:s0+$0x4060]  }
0x121: {  	v7 =	vld [tilespmem:s4+$0x70];
	v1 =	vnsel vm0, $0xFFFFFF9C, v1;
	vm0 =	vlt.s32 v5, $0x3E19999A  }
0x122: {  	v5 =	vld [tilespmem:s4+$0x4070];
	[tilespmem:s0+$0x30] =	vst v1;
	vm0 =	vmor vm1, vm0;
	vm1 =	veq.s32 v3, $0x67  }
0x123: {  	v8 =	vld [tilespmem:s4+$0x0];
	v1 =	vnsel vm0, $0xFFFFFF9C, v2;
	vm0 =	vlt.s32 v6, $0x3E19999A  }
0x124: {  	v2 =	vld [tilespmem:s4+$0x4000];
	[tilespmem:s0+$0x40] =	vst v1;
	vm0 =	vmor vm1, vm0;
	vm1 =	veq.s32 v4, $0x67  }
0x125: {  	v6 =	vld [tilespmem:s4+$0x10];
	v1 =	vnsel vm0, $0xFFFFFF9C, v3;
	vm0 =	vlt.s32 v0, $0x3E19999A  }
0x126: {  	v3 =	vld [tilespmem:s4+$0x4010];
	[tilespmem:s0+$0x50] =	vst v1;
	vm0 =	vmor vm1, vm0  }
0x127: {  	vm2 =	veq.s32 v7, $0x67;
	v0 =	vld [tilespmem:s4+$0x20];
	vm1 =	vlt.s32 v5, $0x3E19999A;
	v1 =	vnsel vm0, $0xFFFFFF9C, v4  }
0x128: {  	vm0 =	veq.s32 v8, $0x67;
	v9 =	vld [tilespmem:s4+$0x4020];
	vm1 =	vmor vm2, vm1;
	[tilespmem:s0+$0x60] =	vst v1;
	s0 =	smov.u32 s4  }
.Ltmp4:
0x129: {  	vm2 =	vlt.s32 v2, $0x3E19999A;
	v1 =	vld [tilespmem:s0+$0x30];
	v2 =	vnsel vm1, $0xFFFFFF9C, v7;
	(pc) =	sbr.rel @p0 .LBB2_10-.Ltmp4, $4  }
0x12a: {  	vm0 =	vmor vm0, vm2;
	vm1 =	veq.s32 v6, $0x67;
	v4 =	vld [tilespmem:s0+$0x4030];
	[tilespmem:s0+$0x70] =	vst v2  }
0x12b: {  	v5 =	vnsel vm0, $0xFFFFFF9C, v8;
	vm0 =	vlt.s32 v3, $0x3E19999A;
	v2 =	vld [tilespmem:s0+$0x40]  }
0x12c: {  	[tilespmem:s0+$0x0] =	vst v5;
	vm1 =	vmor vm1, vm0;
	vm0 =	veq.s32 v0, $0x67;
	v5 =	vld [tilespmem:s0+$0x4040]  }
0x12d: {  	v6 =	vnsel vm1, $0xFFFFFF9C, v6;
	vm1 =	vlt.s32 v9, $0x3E19999A;
	v3 =	vld [tilespmem:s0+$0x50]  }
0x12e: {  	v7 =	vld [tilespmem:s0+$0x4050]  }
0x12f: {  	v8 =	vld [tilespmem:s0+$0x60]  }
0x130: {  	v9 =	vld [tilespmem:s0+$0x4060]  }
0x131: {  	vm0 =	vmor vm0, vm1;
	vm1 =	veq.s32 v1, $0x67;
	vm2 =	vlt.s32 v4, $0x3E19999A  }
0x132: {  	vm1 =	vmor vm1, vm2;
	vm2 =	veq.s32 v2, $0x67;
	vm3 =	vlt.s32 v5, $0x3E19999A  }
0x133: {  	[tilespmem:s0+$0x10] =	vst v6;
	v0 =	vnsel vm0, $0xFFFFFF9C, v0;
	v1 =	vnsel vm1, $0xFFFFFF9C, v1;
	vm0 =	vmor vm2, vm3  }
0x134: {  	[tilespmem:s0+$0x20] =	vst v0;
	vm1 =	veq.s32 v3, $0x67;
	v0 =	vnsel vm0, $0xFFFFFF9C, v2;
	vm0 =	vlt.s32 v7, $0x3E19999A  }
0x135: {  	[tilespmem:s0+$0x30] =	vst v1;
	vm2 =	vlt.s32 v9, $0x3E19999A;
	vm0 =	vmor vm1, vm0;
	vm1 =	veq.s32 v8, $0x67  }
0x136: {  	[tilespmem:s0+$0x40] =	vst v0;
	v0 =	vnsel vm0, $0xFFFFFF9C, v3;
	vm0 =	vmor vm1, vm2  }
0x137: {  	[tilespmem:s0+$0x50] =	vst v0;
	v0 =	vnsel vm0, $0xFFFFFF9C, v8  }
0x138: {  	[tilespmem:s0+$0x60] =	vst v0  }
0x139: {  	s2 =	simm.s32 $0x0;
	s0 =	rddreg [dreg:$0x11]  }
0x13a: {  	[hbm4b:s0+s2] =	stream.linear.scatter [tilespmem:s2], [sflag:$0x5], $0x4000, $0x38;
	[tilespmem:$0x10000] =	vst v63  }
0x13b: {  	_ =	swait.ge [sflag:s26], $0x4000  }
0x13c: {  	[sflag:s26] =	ssyncset.done $0x0  }
0x13d: {  	s3 =	rddreg [dreg:$0x12];
	[sflag:s26] =	ssyncadd.s32 $0xFFFFC000  }
0x13e: {  	[tilespmem:s2], [sflag:$0x1] =	stream.linear.gather [hbm4b:s3+s2], $0x4000, $0x38;
	[tilespmem:$0x10000] =	vst v63  }
0x13f: {  	s4 =	rddreg [dreg:$0x13]  }
0x140: {  	[tilespmem:s21], [sflag:$0x2] =	stream.linear.gather [hbm4b:s4+s2], $0x4000, $0x38;
	[tilespmem:$0x10000] =	vst v63  }
0x141: {  	_ =	swait.ge [sflag:s28], $0x4000  }
0x142: {  	[sflag:s28] =	ssyncset.done $0x0  }
0x143: {  	[sflag:s28] =	ssyncadd.s32 $0xFFFFC000  }
0x144: {  	s3 =	simm.s32 $0x0;
	_ =	swait.ge [sflag:s29], $0x4000  }
0x145: {  	s5 =	sand.u32 $0x3C00, s2;
	s4 =	sand.u32 $0x380, s3;
	[sflag:s29] =	ssyncset.done $0x0  }
0x146: {  	s0 =	sor.u32 s4, s5;
	[sflag:s29] =	ssyncadd.s32 $0xFFFFC000  }
0x147: {  	v2 =	vld [tilespmem:s0+$0x8070]  }
0x148: {  	v1 =	vld [tilespmem:s0+$0xC070]  }
0x149: {  	v3 =	vld [tilespmem:s0+$0x8000]  }
0x14a: {  	v4 =	vld [tilespmem:s0+$0xC000]  }
0x14b: {  	v6 =	vld [tilespmem:s0+$0x8010]  }
0x14c: {  	v5 =	vld [tilespmem:s0+$0xC010]  }
0x14d: {  	v0 =	vld [tilespmem:s0+$0x8020]  }
0x14e: {  	v7 =	vld [tilespmem:s0+$0xC020];
	vm0 =	vlt.s32 v1, $0x3E19999A;
	vm1 =	veq.s32 v2, $0x67  }
0x14f: {  	v1 =	vld [tilespmem:s0+$0x8030];
	vm0 =	vmor vm1, vm0  }
0x150: {  	vm2 =	vlt.s32 v4, $0x3E19999A;
	v4 =	vld [tilespmem:s0+$0xC030];
	vm1 =	veq.s32 v3, $0x67;
	v8 =	vnsel vm0, $0xFFFFFF9C, v2  }
0x151: {  	vm0 =	vmor vm1, vm2;
	vm1 =	veq.s32 v6, $0x67;
	vm2 =	vlt.s32 v5, $0x3E19999A;
	v2 =	vld [tilespmem:s0+$0x8040]  }
0x152: {  	v5 =	vld [tilespmem:s0+$0xC040];
	[tilespmem:s0+$0x8070] =	vst v8;
	v3 =	vnsel vm0, $0xFFFFFF9C, v3;
	vm1 =	vmor vm1, vm2  }
0x153: {  	vm0 =	veq.s32 v0, $0x67;
	[tilespmem:s0+$0x8000] =	vst v3;
	v6 =	vnsel vm1, $0xFFFFFF9C, v6;
	vm1 =	vlt.s32 v7, $0x3E19999A;
	v3 =	vld [tilespmem:s0+$0x8050]  }
.LBB2_12:
0x154: {  	s3 =	sadd.s32 $0x8, s3;
	[tilespmem:s0+$0x8010] =	vst v6;
	vm0 =	vmor vm0, vm1;
	vm1 =	veq.s32 v1, $0x67;
	v6 =	vld [tilespmem:s0+$0xC050];
	s2 =	sadd.s32 $0x400, s2  }
0x155: {  	s4 =	sand.u32 $0x3C00, s2;
	s5 =	sand.u32 $0x380, s3;
	v0 =	vnsel vm0, $0xFFFFFF9C, v0;
	vm0 =	vlt.s32 v4, $0x3E19999A;
	v4 =	vld [tilespmem:s0+$0x8060]  }
0x156: {  	p0 =	slt.u32 s3, $0x3F8;
	s4 =	sor.u32 s5, s4;
	[tilespmem:s0+$0x8020] =	vst v0;
	vm0 =	vmor vm1, vm0;
	vm1 =	veq.s32 v2, $0x67;
	v0 =	vld [tilespmem:s0+$0xC060]  }
0x157: {  	v7 =	vld [tilespmem:s4+$0x8070];
	v1 =	vnsel vm0, $0xFFFFFF9C, v1;
	vm0 =	vlt.s32 v5, $0x3E19999A  }
0x158: {  	v5 =	vld [tilespmem:s4+$0xC070];
	[tilespmem:s0+$0x8030] =	vst v1;
	vm0 =	vmor vm1, vm0;
	vm1 =	veq.s32 v3, $0x67  }
0x159: {  	v8 =	vld [tilespmem:s4+$0x8000];
	v1 =	vnsel vm0, $0xFFFFFF9C, v2;
	vm0 =	vlt.s32 v6, $0x3E19999A  }
0x15a: {  	v2 =	vld [tilespmem:s4+$0xC000];
	[tilespmem:s0+$0x8040] =	vst v1;
	vm0 =	vmor vm1, vm0;
	vm1 =	veq.s32 v4, $0x67  }
0x15b: {  	v6 =	vld [tilespmem:s4+$0x8010];
	v1 =	vnsel vm0, $0xFFFFFF9C, v3;
	vm0 =	vlt.s32 v0, $0x3E19999A  }
0x15c: {  	v3 =	vld [tilespmem:s4+$0xC010];
	[tilespmem:s0+$0x8050] =	vst v1;
	vm0 =	vmor vm1, vm0  }
0x15d: {  	vm2 =	veq.s32 v7, $0x67;
	v0 =	vld [tilespmem:s4+$0x8020];
	vm1 =	vlt.s32 v5, $0x3E19999A;
	v1 =	vnsel vm0, $0xFFFFFF9C, v4  }
0x15e: {  	vm0 =	veq.s32 v8, $0x67;
	v9 =	vld [tilespmem:s4+$0xC020];
	vm1 =	vmor vm2, vm1;
	[tilespmem:s0+$0x8060] =	vst v1;
	s0 =	smov.u32 s4  }
.Ltmp5:
0x15f: {  	vm2 =	vlt.s32 v2, $0x3E19999A;
	v1 =	vld [tilespmem:s0+$0x8030];
	v2 =	vnsel vm1, $0xFFFFFF9C, v7;
	(pc) =	sbr.rel @p0 .LBB2_12-.Ltmp5, $4  }
0x160: {  	vm0 =	vmor vm0, vm2;
	vm1 =	veq.s32 v6, $0x67;
	v4 =	vld [tilespmem:s0+$0xC030];
	[tilespmem:s0+$0x8070] =	vst v2  }
0x161: {  	v5 =	vnsel vm0, $0xFFFFFF9C, v8;
	vm0 =	vlt.s32 v3, $0x3E19999A;
	v2 =	vld [tilespmem:s0+$0x8040]  }
0x162: {  	[tilespmem:s0+$0x8000] =	vst v5;
	vm1 =	vmor vm1, vm0;
	vm0 =	veq.s32 v0, $0x67;
	v5 =	vld [tilespmem:s0+$0xC040]  }
0x163: {  	v6 =	vnsel vm1, $0xFFFFFF9C, v6;
	vm1 =	vlt.s32 v9, $0x3E19999A;
	v3 =	vld [tilespmem:s0+$0x8050]  }
0x164: {  	v7 =	vld [tilespmem:s0+$0xC050]  }
0x165: {  	v8 =	vld [tilespmem:s0+$0x8060]  }
0x166: {  	v9 =	vld [tilespmem:s0+$0xC060]  }
0x167: {  	vm0 =	vmor vm0, vm1;
	vm1 =	veq.s32 v1, $0x67;
	vm2 =	vlt.s32 v4, $0x3E19999A  }
0x168: {  	vm1 =	vmor vm1, vm2;
	vm2 =	veq.s32 v2, $0x67;
	vm3 =	vlt.s32 v5, $0x3E19999A  }
0x169: {  	[tilespmem:s0+$0x8010] =	vst v6;
	v0 =	vnsel vm0, $0xFFFFFF9C, v0;
	v1 =	vnsel vm1, $0xFFFFFF9C, v1;
	vm0 =	vmor vm2, vm3  }
0x16a: {  	[tilespmem:s0+$0x8020] =	vst v0;
	vm1 =	veq.s32 v3, $0x67;
	v0 =	vnsel vm0, $0xFFFFFF9C, v2;
	vm0 =	vlt.s32 v7, $0x3E19999A  }
0x16b: {  	[tilespmem:s0+$0x8030] =	vst v1;
	vm2 =	vlt.s32 v9, $0x3E19999A;
	vm0 =	vmor vm1, vm0;
	vm1 =	veq.s32 v8, $0x67  }
0x16c: {  	[tilespmem:s0+$0x8040] =	vst v0;
	v0 =	vnsel vm0, $0xFFFFFF9C, v3;
	vm0 =	vmor vm1, vm2  }
0x16d: {  	[tilespmem:s0+$0x8050] =	vst v0;
	v0 =	vnsel vm0, $0xFFFFFF9C, v8  }
0x16e: {  	[tilespmem:s0+$0x8060] =	vst v0  }
0x16f: {  	s2 =	simm.s32 $0x0;
	s0 =	rddreg [dreg:$0x14]  }
0x170: {  	[hbm4b:s0+s2] =	stream.linear.scatter [tilespmem:s22], [sflag:$0x6], $0x4000, $0x38;
	[tilespmem:$0x10000] =	vst v63  }
0x171: {  	_ =	swait.ge [sflag:s30], $0x4000  }
0x172: {  	[sflag:s30] =	ssyncset.done $0x0  }
0x173: {  	s3 =	rddreg [dreg:$0x16];
	[sflag:s30] =	ssyncadd.s32 $0xFFFFC000  }
0x174: {  	[tilespmem:s22], [sflag:$0x3] =	stream.linear.gather [hbm4b:s3+s2], $0x4000, $0x38;
	[tilespmem:$0x10000] =	vst v63  }
0x175: {  	s4 =	rddreg [dreg:$0x17]  }
0x176: {  	[tilespmem:s23], [sflag:$0x4] =	stream.linear.gather [hbm4b:s4+s2], $0x4000, $0x38;
	[tilespmem:$0x10000] =	vst v63  }
0x177: {  	_ =	swait.ge [sflag:s24], $0x4000  }
0x178: {  	[sflag:s24] =	ssyncset.done $0x0  }
0x179: {  	[sflag:s24] =	ssyncadd.s32 $0xFFFFC000  }
0x17a: {  	s3 =	simm.s32 $0x0;
	_ =	swait.ge [sflag:s25], $0x4000  }
0x17b: {  	s5 =	sand.u32 $0x3C00, s2;
	s4 =	sand.u32 $0x380, s3;
	[sflag:s25] =	ssyncset.done $0x0  }
0x17c: {  	s0 =	sor.u32 s4, s5;
	[sflag:s25] =	ssyncadd.s32 $0xFFFFC000  }
0x17d: {  	v2 =	vld [tilespmem:s0+$0x70]  }
0x17e: {  	v1 =	vld [tilespmem:s0+$0x4070]  }
0x17f: {  	v3 =	vld [tilespmem:s0+$0x0]  }
0x180: {  	v4 =	vld [tilespmem:s0+$0x4000]  }
0x181: {  	v6 =	vld [tilespmem:s0+$0x10]  }
0x182: {  	v5 =	vld [tilespmem:s0+$0x4010]  }
0x183: {  	v0 =	vld [tilespmem:s0+$0x20]  }
0x184: {  	v7 =	vld [tilespmem:s0+$0x4020];
	vm0 =	vlt.s32 v1, $0x3E19999A;
	vm1 =	veq.s32 v2, $0x67  }
0x185: {  	v1 =	vld [tilespmem:s0+$0x30];
	vm0 =	vmor vm1, vm0  }
0x186: {  	vm2 =	vlt.s32 v4, $0x3E19999A;
	v4 =	vld [tilespmem:s0+$0x4030];
	vm1 =	veq.s32 v3, $0x67;
	v8 =	vnsel vm0, $0xFFFFFF9C, v2  }
0x187: {  	vm0 =	vmor vm1, vm2;
	vm1 =	veq.s32 v6, $0x67;
	vm2 =	vlt.s32 v5, $0x3E19999A;
	v2 =	vld [tilespmem:s0+$0x40]  }
0x188: {  	v5 =	vld [tilespmem:s0+$0x4040];
	[tilespmem:s0+$0x70] =	vst v8;
	v3 =	vnsel vm0, $0xFFFFFF9C, v3;
	vm1 =	vmor vm1, vm2  }
0x189: {  	vm0 =	veq.s32 v0, $0x67;
	[tilespmem:s0+$0x0] =	vst v3;
	v6 =	vnsel vm1, $0xFFFFFF9C, v6;
	vm1 =	vlt.s32 v7, $0x3E19999A;
	v3 =	vld [tilespmem:s0+$0x50]  }
.LBB2_14:
0x18a: {  	s3 =	sadd.s32 $0x8, s3;
	[tilespmem:s0+$0x10] =	vst v6;
	vm0 =	vmor vm0, vm1;
	vm1 =	veq.s32 v1, $0x67;
	v6 =	vld [tilespmem:s0+$0x4050];
	s2 =	sadd.s32 $0x400, s2  }
0x18b: {  	s4 =	sand.u32 $0x3C00, s2;
	s5 =	sand.u32 $0x380, s3;
	v0 =	vnsel vm0, $0xFFFFFF9C, v0;
	vm0 =	vlt.s32 v4, $0x3E19999A;
	v4 =	vld [tilespmem:s0+$0x60]  }
0x18c: {  	p0 =	slt.u32 s3, $0x3F8;
	s4 =	sor.u32 s5, s4;
	[tilespmem:s0+$0x20] =	vst v0;
	vm0 =	vmor vm1, vm0;
	vm1 =	veq.s32 v2, $0x67;
	v0 =	vld [tilespmem:s0+$0x4060]  }
0x18d: {  	v7 =	vld [tilespmem:s4+$0x70];
	v1 =	vnsel vm0, $0xFFFFFF9C, v1;
	vm0 =	vlt.s32 v5, $0x3E19999A  }
0x18e: {  	v5 =	vld [tilespmem:s4+$0x4070];
	[tilespmem:s0+$0x30] =	vst v1;
	vm0 =	vmor vm1, vm0;
	vm1 =	veq.s32 v3, $0x67  }
0x18f: {  	v8 =	vld [tilespmem:s4+$0x0];
	v1 =	vnsel vm0, $0xFFFFFF9C, v2;
	vm0 =	vlt.s32 v6, $0x3E19999A  }
0x190: {  	v2 =	vld [tilespmem:s4+$0x4000];
	[tilespmem:s0+$0x40] =	vst v1;
	vm0 =	vmor vm1, vm0;
	vm1 =	veq.s32 v4, $0x67  }
0x191: {  	v6 =	vld [tilespmem:s4+$0x10];
	v1 =	vnsel vm0, $0xFFFFFF9C, v3;
	vm0 =	vlt.s32 v0, $0x3E19999A  }
0x192: {  	v3 =	vld [tilespmem:s4+$0x4010];
	[tilespmem:s0+$0x50] =	vst v1;
	vm0 =	vmor vm1, vm0  }
0x193: {  	vm2 =	veq.s32 v7, $0x67;
	v0 =	vld [tilespmem:s4+$0x20];
	vm1 =	vlt.s32 v5, $0x3E19999A;
	v1 =	vnsel vm0, $0xFFFFFF9C, v4  }
0x194: {  	vm0 =	veq.s32 v8, $0x67;
	v9 =	vld [tilespmem:s4+$0x4020];
	vm1 =	vmor vm2, vm1;
	[tilespmem:s0+$0x60] =	vst v1;
	s0 =	smov.u32 s4  }
.Ltmp6:
0x195: {  	vm2 =	vlt.s32 v2, $0x3E19999A;
	v1 =	vld [tilespmem:s0+$0x30];
	v2 =	vnsel vm1, $0xFFFFFF9C, v7;
	(pc) =	sbr.rel @p0 .LBB2_14-.Ltmp6, $4  }
0x196: {  	vm0 =	vmor vm0, vm2;
	vm1 =	veq.s32 v6, $0x67;
	v4 =	vld [tilespmem:s0+$0x4030];
	[tilespmem:s0+$0x70] =	vst v2  }
0x197: {  	v5 =	vnsel vm0, $0xFFFFFF9C, v8;
	vm0 =	vlt.s32 v3, $0x3E19999A;
	v2 =	vld [tilespmem:s0+$0x40]  }
0x198: {  	[tilespmem:s0+$0x0] =	vst v5;
	vm1 =	vmor vm1, vm0;
	vm0 =	veq.s32 v0, $0x67;
	v5 =	vld [tilespmem:s0+$0x4040]  }
0x199: {  	v6 =	vnsel vm1, $0xFFFFFF9C, v6;
	vm1 =	vlt.s32 v9, $0x3E19999A;
	v3 =	vld [tilespmem:s0+$0x50]  }
0x19a: {  	v7 =	vld [tilespmem:s0+$0x4050]  }
0x19b: {  	v8 =	vld [tilespmem:s0+$0x60]  }
0x19c: {  	v9 =	vld [tilespmem:s0+$0x4060]  }
0x19d: {  	vm0 =	vmor vm0, vm1;
	vm1 =	veq.s32 v1, $0x67;
	vm2 =	vlt.s32 v4, $0x3E19999A  }
0x19e: {  	vm1 =	vmor vm1, vm2;
	vm2 =	veq.s32 v2, $0x67;
	vm3 =	vlt.s32 v5, $0x3E19999A  }
0x19f: {  	[tilespmem:s0+$0x10] =	vst v6;
	v0 =	vnsel vm0, $0xFFFFFF9C, v0;
	v1 =	vnsel vm1, $0xFFFFFF9C, v1;
	vm0 =	vmor vm2, vm3  }
0x1a0: {  	[tilespmem:s0+$0x20] =	vst v0;
	vm1 =	veq.s32 v3, $0x67;
	v0 =	vnsel vm0, $0xFFFFFF9C, v2;
	vm0 =	vlt.s32 v7, $0x3E19999A  }
0x1a1: {  	[tilespmem:s0+$0x30] =	vst v1;
	vm2 =	vlt.s32 v9, $0x3E19999A;
	vm0 =	vmor vm1, vm0;
	vm1 =	veq.s32 v8, $0x67  }
0x1a2: {  	[tilespmem:s0+$0x40] =	vst v0;
	v0 =	vnsel vm0, $0xFFFFFF9C, v3;
	vm0 =	vmor vm1, vm2  }
0x1a3: {  	[tilespmem:s0+$0x50] =	vst v0;
	v0 =	vnsel vm0, $0xFFFFFF9C, v8  }
0x1a4: {  	[tilespmem:s0+$0x60] =	vst v0  }
0x1a5: {  	s2 =	simm.s32 $0x0;
	s0 =	rddreg [dreg:$0x15]  }
0x1a6: {  	[hbm4b:s0+s2] =	stream.linear.scatter [tilespmem:s2], [sflag:$0x5], $0x4000, $0x38;
	[tilespmem:$0x10000] =	vst v63  }
0x1a7: {  	_ =	swait.ge [sflag:s26], $0x4000  }
0x1a8: {  	[sflag:s26] =	ssyncset.done $0x0  }
0x1a9: {  	s3 =	rddreg [dreg:$0x19];
	[sflag:s26] =	ssyncadd.s32 $0xFFFFC000  }
0x1aa: {  	[tilespmem:s2], [sflag:$0x1] =	stream.linear.gather [hbm4b:s3+s2], $0x4000, $0x38;
	[tilespmem:$0x10000] =	vst v63  }
0x1ab: {  	s4 =	rddreg [dreg:$0x1a]  }
0x1ac: {  	[tilespmem:s21], [sflag:$0x2] =	stream.linear.gather [hbm4b:s4+s2], $0x4000, $0x38;
	[tilespmem:$0x10000] =	vst v63  }
0x1ad: {  	_ =	swait.ge [sflag:s28], $0x4000  }
0x1ae: {  	[sflag:s28] =	ssyncset.done $0x0  }
0x1af: {  	[sflag:s28] =	ssyncadd.s32 $0xFFFFC000  }
0x1b0: {  	s3 =	simm.s32 $0x0;
	_ =	swait.ge [sflag:s29], $0x4000  }
0x1b1: {  	s5 =	sand.u32 $0x3C00, s2;
	s4 =	sand.u32 $0x380, s3;
	[sflag:s29] =	ssyncset.done $0x0  }
0x1b2: {  	s0 =	sor.u32 s4, s5;
	[sflag:s29] =	ssyncadd.s32 $0xFFFFC000  }
0x1b3: {  	v2 =	vld [tilespmem:s0+$0x8070]  }
0x1b4: {  	v1 =	vld [tilespmem:s0+$0xC070]  }
0x1b5: {  	v3 =	vld [tilespmem:s0+$0x8000]  }
0x1b6: {  	v4 =	vld [tilespmem:s0+$0xC000]  }
0x1b7: {  	v6 =	vld [tilespmem:s0+$0x8010]  }
0x1b8: {  	v5 =	vld [tilespmem:s0+$0xC010]  }
0x1b9: {  	v0 =	vld [tilespmem:s0+$0x8020]  }
0x1ba: {  	v7 =	vld [tilespmem:s0+$0xC020];
	vm0 =	vlt.s32 v1, $0x3E19999A;
	vm1 =	veq.s32 v2, $0x67  }
0x1bb: {  	v1 =	vld [tilespmem:s0+$0x8030];
	vm0 =	vmor vm1, vm0  }
0x1bc: {  	vm2 =	vlt.s32 v4, $0x3E19999A;
	v4 =	vld [tilespmem:s0+$0xC030];
	vm1 =	veq.s32 v3, $0x67;
	v8 =	vnsel vm0, $0xFFFFFF9C, v2  }
0x1bd: {  	vm0 =	vmor vm1, vm2;
	vm1 =	veq.s32 v6, $0x67;
	vm2 =	vlt.s32 v5, $0x3E19999A;
	v2 =	vld [tilespmem:s0+$0x8040]  }
0x1be: {  	v5 =	vld [tilespmem:s0+$0xC040];
	[tilespmem:s0+$0x8070] =	vst v8;
	v3 =	vnsel vm0, $0xFFFFFF9C, v3;
	vm1 =	vmor vm1, vm2  }
0x1bf: {  	vm0 =	veq.s32 v0, $0x67;
	[tilespmem:s0+$0x8000] =	vst v3;
	v6 =	vnsel vm1, $0xFFFFFF9C, v6;
	vm1 =	vlt.s32 v7, $0x3E19999A;
	v3 =	vld [tilespmem:s0+$0x8050]  }
.LBB2_16:
0x1c0: {  	s3 =	sadd.s32 $0x8, s3;
	[tilespmem:s0+$0x8010] =	vst v6;
	vm0 =	vmor vm0, vm1;
	vm1 =	veq.s32 v1, $0x67;
	v6 =	vld [tilespmem:s0+$0xC050];
	s2 =	sadd.s32 $0x400, s2  }
0x1c1: {  	s4 =	sand.u32 $0x3C00, s2;
	s5 =	sand.u32 $0x380, s3;
	v0 =	vnsel vm0, $0xFFFFFF9C, v0;
	vm0 =	vlt.s32 v4, $0x3E19999A;
	v4 =	vld [tilespmem:s0+$0x8060]  }
0x1c2: {  	p0 =	slt.u32 s3, $0x3F8;
	s4 =	sor.u32 s5, s4;
	[tilespmem:s0+$0x8020] =	vst v0;
	vm0 =	vmor vm1, vm0;
	vm1 =	veq.s32 v2, $0x67;
	v0 =	vld [tilespmem:s0+$0xC060]  }
0x1c3: {  	v7 =	vld [tilespmem:s4+$0x8070];
	v1 =	vnsel vm0, $0xFFFFFF9C, v1;
	vm0 =	vlt.s32 v5, $0x3E19999A  }
0x1c4: {  	v5 =	vld [tilespmem:s4+$0xC070];
	[tilespmem:s0+$0x8030] =	vst v1;
	vm0 =	vmor vm1, vm0;
	vm1 =	veq.s32 v3, $0x67  }
0x1c5: {  	v8 =	vld [tilespmem:s4+$0x8000];
	v1 =	vnsel vm0, $0xFFFFFF9C, v2;
	vm0 =	vlt.s32 v6, $0x3E19999A  }
0x1c6: {  	v2 =	vld [tilespmem:s4+$0xC000];
	[tilespmem:s0+$0x8040] =	vst v1;
	vm0 =	vmor vm1, vm0;
	vm1 =	veq.s32 v4, $0x67  }
0x1c7: {  	v6 =	vld [tilespmem:s4+$0x8010];
	v1 =	vnsel vm0, $0xFFFFFF9C, v3;
	vm0 =	vlt.s32 v0, $0x3E19999A  }
0x1c8: {  	v3 =	vld [tilespmem:s4+$0xC010];
	[tilespmem:s0+$0x8050] =	vst v1;
	vm0 =	vmor vm1, vm0  }
0x1c9: {  	vm2 =	veq.s32 v7, $0x67;
	v0 =	vld [tilespmem:s4+$0x8020];
	vm1 =	vlt.s32 v5, $0x3E19999A;
	v1 =	vnsel vm0, $0xFFFFFF9C, v4  }
0x1ca: {  	vm0 =	veq.s32 v8, $0x67;
	v9 =	vld [tilespmem:s4+$0xC020];
	vm1 =	vmor vm2, vm1;
	[tilespmem:s0+$0x8060] =	vst v1;
	s0 =	smov.u32 s4  }
.Ltmp7:
0x1cb: {  	vm2 =	vlt.s32 v2, $0x3E19999A;
	v1 =	vld [tilespmem:s0+$0x8030];
	v2 =	vnsel vm1, $0xFFFFFF9C, v7;
	(pc) =	sbr.rel @p0 .LBB2_16-.Ltmp7, $4  }
0x1cc: {  	vm0 =	vmor vm0, vm2;
	vm1 =	veq.s32 v6, $0x67;
	v4 =	vld [tilespmem:s0+$0xC030];
	[tilespmem:s0+$0x8070] =	vst v2  }
0x1cd: {  	v5 =	vnsel vm0, $0xFFFFFF9C, v8;
	vm0 =	vlt.s32 v3, $0x3E19999A;
	v2 =	vld [tilespmem:s0+$0x8040]  }
0x1ce: {  	[tilespmem:s0+$0x8000] =	vst v5;
	vm1 =	vmor vm1, vm0;
	vm0 =	veq.s32 v0, $0x67;
	v5 =	vld [tilespmem:s0+$0xC040]  }
0x1cf: {  	v6 =	vnsel vm1, $0xFFFFFF9C, v6;
	vm1 =	vlt.s32 v9, $0x3E19999A;
	v3 =	vld [tilespmem:s0+$0x8050]  }
0x1d0: {  	v7 =	vld [tilespmem:s0+$0xC050]  }
0x1d1: {  	v8 =	vld [tilespmem:s0+$0x8060]  }
0x1d2: {  	v9 =	vld [tilespmem:s0+$0xC060]  }
0x1d3: {  	vm0 =	vmor vm0, vm1;
	vm1 =	veq.s32 v1, $0x67;
	vm2 =	vlt.s32 v4, $0x3E19999A  }
0x1d4: {  	vm1 =	vmor vm1, vm2;
	vm2 =	veq.s32 v2, $0x67;
	vm3 =	vlt.s32 v5, $0x3E19999A  }
0x1d5: {  	[tilespmem:s0+$0x8010] =	vst v6;
	v0 =	vnsel vm0, $0xFFFFFF9C, v0;
	v1 =	vnsel vm1, $0xFFFFFF9C, v1;
	vm0 =	vmor vm2, vm3  }
0x1d6: {  	[tilespmem:s0+$0x8020] =	vst v0;
	vm1 =	veq.s32 v3, $0x67;
	v0 =	vnsel vm0, $0xFFFFFF9C, v2;
	vm0 =	vlt.s32 v7, $0x3E19999A  }
0x1d7: {  	[tilespmem:s0+$0x8030] =	vst v1;
	vm2 =	vlt.s32 v9, $0x3E19999A;
	vm0 =	vmor vm1, vm0;
	vm1 =	veq.s32 v8, $0x67  }
0x1d8: {  	[tilespmem:s0+$0x8040] =	vst v0;
	v0 =	vnsel vm0, $0xFFFFFF9C, v3;
	vm0 =	vmor vm1, vm2  }
0x1d9: {  	[tilespmem:s0+$0x8050] =	vst v0;
	v0 =	vnsel vm0, $0xFFFFFF9C, v8  }
0x1da: {  	[tilespmem:s0+$0x8060] =	vst v0  }
0x1db: {  	s2 =	simm.s32 $0x0;
	s0 =	rddreg [dreg:$0x18]  }
0x1dc: {  	[hbm4b:s0+s2] =	stream.linear.scatter [tilespmem:s22], [sflag:$0x6], $0x4000, $0x38;
	[tilespmem:$0x10000] =	vst v63  }
0x1dd: {  	_ =	swait.ge [sflag:s30], $0x4000  }
0x1de: {  	[sflag:s30] =	ssyncset.done $0x0  }
0x1df: {  	s3 =	rddreg [dreg:$0x1c];
	[sflag:s30] =	ssyncadd.s32 $0xFFFFC000  }
0x1e0: {  	[tilespmem:s22], [sflag:$0x3] =	stream.linear.gather [hbm4b:s3+s2], $0x4000, $0x38;
	[tilespmem:$0x10000] =	vst v63  }
0x1e1: {  	s4 =	rddreg [dreg:$0x1d]  }
0x1e2: {  	[tilespmem:s23], [sflag:$0x4] =	stream.linear.gather [hbm4b:s4+s2], $0x4000, $0x38;
	[tilespmem:$0x10000] =	vst v63  }
0x1e3: {  	_ =	swait.ge [sflag:s24], $0x4000  }
0x1e4: {  	[sflag:s24] =	ssyncset.done $0x0  }
0x1e5: {  	[sflag:s24] =	ssyncadd.s32 $0xFFFFC000  }
0x1e6: {  	s3 =	simm.s32 $0x0;
	_ =	swait.ge [sflag:s25], $0x4000  }
0x1e7: {  	s5 =	sand.u32 $0x3C00, s2;
	s4 =	sand.u32 $0x380, s3;
	[sflag:s25] =	ssyncset.done $0x0  }
0x1e8: {  	s0 =	sor.u32 s4, s5;
	[sflag:s25] =	ssyncadd.s32 $0xFFFFC000  }
0x1e9: {  	v2 =	vld [tilespmem:s0+$0x70]  }
0x1ea: {  	v1 =	vld [tilespmem:s0+$0x4070]  }
0x1eb: {  	v3 =	vld [tilespmem:s0+$0x0]  }
0x1ec: {  	v4 =	vld [tilespmem:s0+$0x4000]  }
0x1ed: {  	v6 =	vld [tilespmem:s0+$0x10]  }
0x1ee: {  	v5 =	vld [tilespmem:s0+$0x4010]  }
0x1ef: {  	v0 =	vld [tilespmem:s0+$0x20]  }
0x1f0: {  	v7 =	vld [tilespmem:s0+$0x4020];
	vm0 =	vlt.s32 v1, $0x3E19999A;
	vm1 =	veq.s32 v2, $0x67  }
0x1f1: {  	v1 =	vld [tilespmem:s0+$0x30];
	vm0 =	vmor vm1, vm0  }
0x1f2: {  	vm2 =	vlt.s32 v4, $0x3E19999A;
	v4 =	vld [tilespmem:s0+$0x4030];
	vm1 =	veq.s32 v3, $0x67;
	v8 =	vnsel vm0, $0xFFFFFF9C, v2  }
0x1f3: {  	vm0 =	vmor vm1, vm2;
	vm1 =	veq.s32 v6, $0x67;
	vm2 =	vlt.s32 v5, $0x3E19999A;
	v2 =	vld [tilespmem:s0+$0x40]  }
0x1f4: {  	v5 =	vld [tilespmem:s0+$0x4040];
	[tilespmem:s0+$0x70] =	vst v8;
	v3 =	vnsel vm0, $0xFFFFFF9C, v3;
	vm1 =	vmor vm1, vm2  }
0x1f5: {  	vm0 =	veq.s32 v0, $0x67;
	[tilespmem:s0+$0x0] =	vst v3;
	v6 =	vnsel vm1, $0xFFFFFF9C, v6;
	vm1 =	vlt.s32 v7, $0x3E19999A;
	v3 =	vld [tilespmem:s0+$0x50]  }
.LBB2_18:
0x1f6: {  	s3 =	sadd.s32 $0x8, s3;
	[tilespmem:s0+$0x10] =	vst v6;
	vm0 =	vmor vm0, vm1;
	vm1 =	veq.s32 v1, $0x67;
	v6 =	vld [tilespmem:s0+$0x4050];
	s2 =	sadd.s32 $0x400, s2  }
0x1f7: {  	s4 =	sand.u32 $0x3C00, s2;
	s5 =	sand.u32 $0x380, s3;
	v0 =	vnsel vm0, $0xFFFFFF9C, v0;
	vm0 =	vlt.s32 v4, $0x3E19999A;
	v4 =	vld [tilespmem:s0+$0x60]  }
0x1f8: {  	p0 =	slt.u32 s3, $0x3F8;
	s4 =	sor.u32 s5, s4;
	[tilespmem:s0+$0x20] =	vst v0;
	vm0 =	vmor vm1, vm0;
	vm1 =	veq.s32 v2, $0x67;
	v0 =	vld [tilespmem:s0+$0x4060]  }
0x1f9: {  	v7 =	vld [tilespmem:s4+$0x70];
	v1 =	vnsel vm0, $0xFFFFFF9C, v1;
	vm0 =	vlt.s32 v5, $0x3E19999A  }
0x1fa: {  	v5 =	vld [tilespmem:s4+$0x4070];
	[tilespmem:s0+$0x30] =	vst v1;
	vm0 =	vmor vm1, vm0;
	vm1 =	veq.s32 v3, $0x67  }
0x1fb: {  	v8 =	vld [tilespmem:s4+$0x0];
	v1 =	vnsel vm0, $0xFFFFFF9C, v2;
	vm0 =	vlt.s32 v6, $0x3E19999A  }
0x1fc: {  	v2 =	vld [tilespmem:s4+$0x4000];
	[tilespmem:s0+$0x40] =	vst v1;
	vm0 =	vmor vm1, vm0;
	vm1 =	veq.s32 v4, $0x67  }
0x1fd: {  	v6 =	vld [tilespmem:s4+$0x10];
	v1 =	vnsel vm0, $0xFFFFFF9C, v3;
	vm0 =	vlt.s32 v0, $0x3E19999A  }
0x1fe: {  	v3 =	vld [tilespmem:s4+$0x4010];
	[tilespmem:s0+$0x50] =	vst v1;
	vm0 =	vmor vm1, vm0  }
0x1ff: {  	vm2 =	veq.s32 v7, $0x67;
	v0 =	vld [tilespmem:s4+$0x20];
	vm1 =	vlt.s32 v5, $0x3E19999A;
	v1 =	vnsel vm0, $0xFFFFFF9C, v4  }
0x200: {  	vm0 =	veq.s32 v8, $0x67;
	v9 =	vld [tilespmem:s4+$0x4020];
	vm1 =	vmor vm2, vm1;
	[tilespmem:s0+$0x60] =	vst v1;
	s0 =	smov.u32 s4  }
.Ltmp8:
0x201: {  	vm2 =	vlt.s32 v2, $0x3E19999A;
	v1 =	vld [tilespmem:s0+$0x30];
	v2 =	vnsel vm1, $0xFFFFFF9C, v7;
	(pc) =	sbr.rel @p0 .LBB2_18-.Ltmp8, $4  }
0x202: {  	vm0 =	vmor vm0, vm2;
	vm1 =	veq.s32 v6, $0x67;
	v4 =	vld [tilespmem:s0+$0x4030];
	[tilespmem:s0+$0x70] =	vst v2  }
0x203: {  	v5 =	vnsel vm0, $0xFFFFFF9C, v8;
	vm0 =	vlt.s32 v3, $0x3E19999A;
	v2 =	vld [tilespmem:s0+$0x40]  }
0x204: {  	[tilespmem:s0+$0x0] =	vst v5;
	vm1 =	vmor vm1, vm0;
	vm0 =	veq.s32 v0, $0x67;
	v5 =	vld [tilespmem:s0+$0x4040]  }
0x205: {  	v6 =	vnsel vm1, $0xFFFFFF9C, v6;
	vm1 =	vlt.s32 v9, $0x3E19999A;
	v3 =	vld [tilespmem:s0+$0x50]  }
0x206: {  	v7 =	vld [tilespmem:s0+$0x4050]  }
0x207: {  	v8 =	vld [tilespmem:s0+$0x60]  }
0x208: {  	v9 =	vld [tilespmem:s0+$0x4060]  }
0x209: {  	vm0 =	vmor vm0, vm1;
	vm1 =	veq.s32 v1, $0x67;
	vm2 =	vlt.s32 v4, $0x3E19999A  }
0x20a: {  	vm1 =	vmor vm1, vm2;
	vm2 =	veq.s32 v2, $0x67;
	vm3 =	vlt.s32 v5, $0x3E19999A  }
0x20b: {  	[tilespmem:s0+$0x10] =	vst v6;
	v0 =	vnsel vm0, $0xFFFFFF9C, v0;
	v1 =	vnsel vm1, $0xFFFFFF9C, v1;
	vm0 =	vmor vm2, vm3  }
0x20c: {  	[tilespmem:s0+$0x20] =	vst v0;
	vm1 =	veq.s32 v3, $0x67;
	v0 =	vnsel vm0, $0xFFFFFF9C, v2;
	vm0 =	vlt.s32 v7, $0x3E19999A  }
0x20d: {  	[tilespmem:s0+$0x30] =	vst v1;
	vm2 =	vlt.s32 v9, $0x3E19999A;
	vm0 =	vmor vm1, vm0;
	vm1 =	veq.s32 v8, $0x67  }
0x20e: {  	[tilespmem:s0+$0x40] =	vst v0;
	v0 =	vnsel vm0, $0xFFFFFF9C, v3;
	vm0 =	vmor vm1, vm2  }
0x20f: {  	[tilespmem:s0+$0x50] =	vst v0;
	v0 =	vnsel vm0, $0xFFFFFF9C, v8  }
0x210: {  	[tilespmem:s0+$0x60] =	vst v0  }
0x211: {  	s2 =	simm.s32 $0x0;
	s0 =	rddreg [dreg:$0x1b]  }
0x212: {  	[hbm4b:s0+s2] =	stream.linear.scatter [tilespmem:s2], [sflag:$0x5], $0x4000, $0x38;
	[tilespmem:$0x10000] =	vst v63  }
0x213: {  	_ =	swait.ge [sflag:s26], $0x4000  }
0x214: {  	[sflag:s26] =	ssyncset.done $0x0;
	s3 =	rddreg [dreg:$0x1f]  }
0x215: {  	s4 =	sld [smem:$0x7F8];
	[sflag:s26] =	ssyncadd.s32 $0xFFFFC000  }
0x216: {  	[tilespmem:s2], [sflag:$0x1] =	stream.linear.gather [hbm4b:s3+s2], $0x4000, $0x38;
	[tilespmem:$0x10000] =	vst v63  }
0x217: {  	_ = 	snop  }
0x218: {  	[tilespmem:s21], [sflag:$0x2] =	stream.linear.gather [hbm4b:s4+s2], $0x4000, $0x38;
	[tilespmem:$0x10000] =	vst v63  }
0x219: {  	_ =	swait.ge [sflag:s28], $0x4000  }
0x21a: {  	[sflag:s28] =	ssyncset.done $0x0  }
0x21b: {  	[sflag:s28] =	ssyncadd.s32 $0xFFFFC000  }
0x21c: {  	s3 =	simm.s32 $0x0;
	_ =	swait.ge [sflag:s29], $0x4000  }
0x21d: {  	s5 =	sand.u32 $0x3C00, s2;
	s4 =	sand.u32 $0x380, s3;
	[sflag:s29] =	ssyncset.done $0x0  }
0x21e: {  	s0 =	sor.u32 s4, s5;
	[sflag:s29] =	ssyncadd.s32 $0xFFFFC000  }
0x21f: {  	v2 =	vld [tilespmem:s0+$0x8070]  }
0x220: {  	v1 =	vld [tilespmem:s0+$0xC070]  }
0x221: {  	v3 =	vld [tilespmem:s0+$0x8000]  }
0x222: {  	v4 =	vld [tilespmem:s0+$0xC000]  }
0x223: {  	v6 =	vld [tilespmem:s0+$0x8010]  }
0x224: {  	v5 =	vld [tilespmem:s0+$0xC010]  }
0x225: {  	v0 =	vld [tilespmem:s0+$0x8020]  }
0x226: {  	v7 =	vld [tilespmem:s0+$0xC020];
	vm0 =	vlt.s32 v1, $0x3E19999A;
	vm1 =	veq.s32 v2, $0x67  }
0x227: {  	v1 =	vld [tilespmem:s0+$0x8030];
	vm0 =	vmor vm1, vm0  }
0x228: {  	vm2 =	vlt.s32 v4, $0x3E19999A;
	v4 =	vld [tilespmem:s0+$0xC030];
	vm1 =	veq.s32 v3, $0x67;
	v8 =	vnsel vm0, $0xFFFFFF9C, v2  }
0x229: {  	vm0 =	vmor vm1, vm2;
	vm1 =	veq.s32 v6, $0x67;
	vm2 =	vlt.s32 v5, $0x3E19999A;
	v2 =	vld [tilespmem:s0+$0x8040]  }
0x22a: {  	v5 =	vld [tilespmem:s0+$0xC040];
	[tilespmem:s0+$0x8070] =	vst v8;
	v3 =	vnsel vm0, $0xFFFFFF9C, v3;
	vm1 =	vmor vm1, vm2  }
0x22b: {  	vm0 =	veq.s32 v0, $0x67;
	[tilespmem:s0+$0x8000] =	vst v3;
	v6 =	vnsel vm1, $0xFFFFFF9C, v6;
	vm1 =	vlt.s32 v7, $0x3E19999A;
	v3 =	vld [tilespmem:s0+$0x8050]  }
.LBB2_20:
0x22c: {  	s3 =	sadd.s32 $0x8, s3;
	[tilespmem:s0+$0x8010] =	vst v6;
	vm0 =	vmor vm0, vm1;
	vm1 =	veq.s32 v1, $0x67;
	v6 =	vld [tilespmem:s0+$0xC050];
	s2 =	sadd.s32 $0x400, s2  }
0x22d: {  	s4 =	sand.u32 $0x3C00, s2;
	s5 =	sand.u32 $0x380, s3;
	v0 =	vnsel vm0, $0xFFFFFF9C, v0;
	vm0 =	vlt.s32 v4, $0x3E19999A;
	v4 =	vld [tilespmem:s0+$0x8060]  }
0x22e: {  	p0 =	slt.u32 s3, $0x3F8;
	s4 =	sor.u32 s5, s4;
	[tilespmem:s0+$0x8020] =	vst v0;
	vm0 =	vmor vm1, vm0;
	vm1 =	veq.s32 v2, $0x67;
	v0 =	vld [tilespmem:s0+$0xC060]  }
0x22f: {  	v7 =	vld [tilespmem:s4+$0x8070];
	v1 =	vnsel vm0, $0xFFFFFF9C, v1;
	vm0 =	vlt.s32 v5, $0x3E19999A  }
0x230: {  	v5 =	vld [tilespmem:s4+$0xC070];
	[tilespmem:s0+$0x8030] =	vst v1;
	vm0 =	vmor vm1, vm0;
	vm1 =	veq.s32 v3, $0x67  }
0x231: {  	v8 =	vld [tilespmem:s4+$0x8000];
	v1 =	vnsel vm0, $0xFFFFFF9C, v2;
	vm0 =	vlt.s32 v6, $0x3E19999A  }
0x232: {  	v2 =	vld [tilespmem:s4+$0xC000];
	[tilespmem:s0+$0x8040] =	vst v1;
	vm0 =	vmor vm1, vm0;
	vm1 =	veq.s32 v4, $0x67  }
0x233: {  	v6 =	vld [tilespmem:s4+$0x8010];
	v1 =	vnsel vm0, $0xFFFFFF9C, v3;
	vm0 =	vlt.s32 v0, $0x3E19999A  }
0x234: {  	v3 =	vld [tilespmem:s4+$0xC010];
	[tilespmem:s0+$0x8050] =	vst v1;
	vm0 =	vmor vm1, vm0  }
0x235: {  	vm2 =	veq.s32 v7, $0x67;
	v0 =	vld [tilespmem:s4+$0x8020];
	vm1 =	vlt.s32 v5, $0x3E19999A;
	v1 =	vnsel vm0, $0xFFFFFF9C, v4  }
0x236: {  	vm0 =	veq.s32 v8, $0x67;
	v9 =	vld [tilespmem:s4+$0xC020];
	vm1 =	vmor vm2, vm1;
	[tilespmem:s0+$0x8060] =	vst v1;
	s0 =	smov.u32 s4  }
.Ltmp9:
0x237: {  	vm2 =	vlt.s32 v2, $0x3E19999A;
	v1 =	vld [tilespmem:s0+$0x8030];
	v2 =	vnsel vm1, $0xFFFFFF9C, v7;
	(pc) =	sbr.rel @p0 .LBB2_20-.Ltmp9, $4  }
0x238: {  	vm0 =	vmor vm0, vm2;
	vm1 =	veq.s32 v6, $0x67;
	v4 =	vld [tilespmem:s0+$0xC030];
	[tilespmem:s0+$0x8070] =	vst v2  }
0x239: {  	v5 =	vnsel vm0, $0xFFFFFF9C, v8;
	vm0 =	vlt.s32 v3, $0x3E19999A;
	v2 =	vld [tilespmem:s0+$0x8040]  }
0x23a: {  	[tilespmem:s0+$0x8000] =	vst v5;
	vm1 =	vmor vm1, vm0;
	vm0 =	veq.s32 v0, $0x67;
	v5 =	vld [tilespmem:s0+$0xC040]  }
0x23b: {  	v6 =	vnsel vm1, $0xFFFFFF9C, v6;
	vm1 =	vlt.s32 v9, $0x3E19999A;
	v3 =	vld [tilespmem:s0+$0x8050]  }
0x23c: {  	v7 =	vld [tilespmem:s0+$0xC050]  }
0x23d: {  	v8 =	vld [tilespmem:s0+$0x8060]  }
0x23e: {  	v9 =	vld [tilespmem:s0+$0xC060]  }
0x23f: {  	vm0 =	vmor vm0, vm1;
	vm1 =	veq.s32 v1, $0x67;
	vm2 =	vlt.s32 v4, $0x3E19999A  }
0x240: {  	vm1 =	vmor vm1, vm2;
	vm2 =	veq.s32 v2, $0x67;
	vm3 =	vlt.s32 v5, $0x3E19999A  }
0x241: {  	[tilespmem:s0+$0x8010] =	vst v6;
	v0 =	vnsel vm0, $0xFFFFFF9C, v0;
	v1 =	vnsel vm1, $0xFFFFFF9C, v1;
	vm0 =	vmor vm2, vm3  }
0x242: {  	[tilespmem:s0+$0x8020] =	vst v0;
	vm1 =	veq.s32 v3, $0x67;
	v0 =	vnsel vm0, $0xFFFFFF9C, v2;
	vm0 =	vlt.s32 v7, $0x3E19999A  }
0x243: {  	[tilespmem:s0+$0x8030] =	vst v1;
	vm2 =	vlt.s32 v9, $0x3E19999A;
	vm0 =	vmor vm1, vm0;
	vm1 =	veq.s32 v8, $0x67  }
0x244: {  	[tilespmem:s0+$0x8040] =	vst v0;
	v0 =	vnsel vm0, $0xFFFFFF9C, v3;
	vm0 =	vmor vm1, vm2  }
0x245: {  	[tilespmem:s0+$0x8050] =	vst v0;
	v0 =	vnsel vm0, $0xFFFFFF9C, v8  }
0x246: {  	[tilespmem:s0+$0x8060] =	vst v0  }
0x247: {  	s2 =	simm.s32 $0x0;
	s0 =	rddreg [dreg:$0x1e]  }
0x248: {  	[hbm4b:s0+s2] =	stream.linear.scatter [tilespmem:s22], [sflag:$0x6], $0x4000, $0x38;
	[tilespmem:$0x10000] =	vst v63  }
0x249: {  	_ =	swait.ge [sflag:s30], $0x4000  }
0x24a: {  	s3 =	sld [smem:$0x7FA]  }
0x24b: {  	[sflag:s30] =	ssyncset.done $0x0  }
0x24c: {  	s4 =	sld [smem:$0x7FB];
	[sflag:s30] =	ssyncadd.s32 $0xFFFFC000  }
0x24d: {  	[tilespmem:s22], [sflag:$0x3] =	stream.linear.gather [hbm4b:s3+s2], $0x4000, $0x38;
	[tilespmem:$0x10000] =	vst v63  }
0x24e: {  	_ = 	snop  }
0x24f: {  	[tilespmem:s23], [sflag:$0x4] =	stream.linear.gather [hbm4b:s4+s2], $0x4000, $0x38;
	[tilespmem:$0x10000] =	vst v63  }
0x250: {  	_ =	swait.ge [sflag:s24], $0x4000  }
0x251: {  	[sflag:s24] =	ssyncset.done $0x0  }
0x252: {  	[sflag:s24] =	ssyncadd.s32 $0xFFFFC000  }
0x253: {  	s3 =	simm.s32 $0x0;
	_ =	swait.ge [sflag:s25], $0x4000  }
0x254: {  	s5 =	sand.u32 $0x3C00, s2;
	s4 =	sand.u32 $0x380, s3;
	[sflag:s25] =	ssyncset.done $0x0  }
0x255: {  	s0 =	sor.u32 s4, s5;
	[sflag:s25] =	ssyncadd.s32 $0xFFFFC000  }
0x256: {  	v2 =	vld [tilespmem:s0+$0x70]  }
0x257: {  	v1 =	vld [tilespmem:s0+$0x4070]  }
0x258: {  	v3 =	vld [tilespmem:s0+$0x0]  }
0x259: {  	v4 =	vld [tilespmem:s0+$0x4000]  }
0x25a: {  	v6 =	vld [tilespmem:s0+$0x10]  }
0x25b: {  	v5 =	vld [tilespmem:s0+$0x4010]  }
0x25c: {  	v0 =	vld [tilespmem:s0+$0x20]  }
0x25d: {  	v7 =	vld [tilespmem:s0+$0x4020];
	vm0 =	vlt.s32 v1, $0x3E19999A;
	vm1 =	veq.s32 v2, $0x67  }
0x25e: {  	v1 =	vld [tilespmem:s0+$0x30];
	vm0 =	vmor vm1, vm0  }
0x25f: {  	vm2 =	vlt.s32 v4, $0x3E19999A;
	v4 =	vld [tilespmem:s0+$0x4030];
	vm1 =	veq.s32 v3, $0x67;
	v8 =	vnsel vm0, $0xFFFFFF9C, v2  }
0x260: {  	vm0 =	vmor vm1, vm2;
	vm1 =	veq.s32 v6, $0x67;
	vm2 =	vlt.s32 v5, $0x3E19999A;
	v2 =	vld [tilespmem:s0+$0x40]  }
0x261: {  	v5 =	vld [tilespmem:s0+$0x4040];
	[tilespmem:s0+$0x70] =	vst v8;
	v3 =	vnsel vm0, $0xFFFFFF9C, v3;
	vm1 =	vmor vm1, vm2  }
0x262: {  	vm0 =	veq.s32 v0, $0x67;
	[tilespmem:s0+$0x0] =	vst v3;
	v6 =	vnsel vm1, $0xFFFFFF9C, v6;
	vm1 =	vlt.s32 v7, $0x3E19999A;
	v3 =	vld [tilespmem:s0+$0x50]  }
.LBB2_22:
0x263: {  	s3 =	sadd.s32 $0x8, s3;
	[tilespmem:s0+$0x10] =	vst v6;
	vm0 =	vmor vm0, vm1;
	vm1 =	veq.s32 v1, $0x67;
	v6 =	vld [tilespmem:s0+$0x4050];
	s2 =	sadd.s32 $0x400, s2  }
0x264: {  	s4 =	sand.u32 $0x3C00, s2;
	s5 =	sand.u32 $0x380, s3;
	v0 =	vnsel vm0, $0xFFFFFF9C, v0;
	vm0 =	vlt.s32 v4, $0x3E19999A;
	v4 =	vld [tilespmem:s0+$0x60]  }
0x265: {  	p0 =	slt.u32 s3, $0x3F8;
	s4 =	sor.u32 s5, s4;
	[tilespmem:s0+$0x20] =	vst v0;
	vm0 =	vmor vm1, vm0;
	vm1 =	veq.s32 v2, $0x67;
	v0 =	vld [tilespmem:s0+$0x4060]  }
0x266: {  	v7 =	vld [tilespmem:s4+$0x70];
	v1 =	vnsel vm0, $0xFFFFFF9C, v1;
	vm0 =	vlt.s32 v5, $0x3E19999A  }
0x267: {  	v5 =	vld [tilespmem:s4+$0x4070];
	[tilespmem:s0+$0x30] =	vst v1;
	vm0 =	vmor vm1, vm0;
	vm1 =	veq.s32 v3, $0x67  }
0x268: {  	v8 =	vld [tilespmem:s4+$0x0];
	v1 =	vnsel vm0, $0xFFFFFF9C, v2;
	vm0 =	vlt.s32 v6, $0x3E19999A  }
0x269: {  	v2 =	vld [tilespmem:s4+$0x4000];
	[tilespmem:s0+$0x40] =	vst v1;
	vm0 =	vmor vm1, vm0;
	vm1 =	veq.s32 v4, $0x67  }
0x26a: {  	v6 =	vld [tilespmem:s4+$0x10];
	v1 =	vnsel vm0, $0xFFFFFF9C, v3;
	vm0 =	vlt.s32 v0, $0x3E19999A  }
0x26b: {  	v3 =	vld [tilespmem:s4+$0x4010];
	[tilespmem:s0+$0x50] =	vst v1;
	vm0 =	vmor vm1, vm0  }
0x26c: {  	vm2 =	veq.s32 v7, $0x67;
	v0 =	vld [tilespmem:s4+$0x20];
	vm1 =	vlt.s32 v5, $0x3E19999A;
	v1 =	vnsel vm0, $0xFFFFFF9C, v4  }
0x26d: {  	vm0 =	veq.s32 v8, $0x67;
	v9 =	vld [tilespmem:s4+$0x4020];
	vm1 =	vmor vm2, vm1;
	[tilespmem:s0+$0x60] =	vst v1;
	s0 =	smov.u32 s4  }
.Ltmp10:
0x26e: {  	vm2 =	vlt.s32 v2, $0x3E19999A;
	v1 =	vld [tilespmem:s0+$0x30];
	v2 =	vnsel vm1, $0xFFFFFF9C, v7;
	(pc) =	sbr.rel @p0 .LBB2_22-.Ltmp10, $4  }
0x26f: {  	vm0 =	vmor vm0, vm2;
	vm1 =	veq.s32 v6, $0x67;
	v4 =	vld [tilespmem:s0+$0x4030];
	[tilespmem:s0+$0x70] =	vst v2  }
0x270: {  	v5 =	vnsel vm0, $0xFFFFFF9C, v8;
	vm0 =	vlt.s32 v3, $0x3E19999A;
	v2 =	vld [tilespmem:s0+$0x40]  }
0x271: {  	[tilespmem:s0+$0x0] =	vst v5;
	vm1 =	vmor vm1, vm0;
	vm0 =	veq.s32 v0, $0x67;
	v5 =	vld [tilespmem:s0+$0x4040]  }
0x272: {  	v6 =	vnsel vm1, $0xFFFFFF9C, v6;
	vm1 =	vlt.s32 v9, $0x3E19999A;
	v3 =	vld [tilespmem:s0+$0x50]  }
0x273: {  	v7 =	vld [tilespmem:s0+$0x4050]  }
0x274: {  	v8 =	vld [tilespmem:s0+$0x60]  }
0x275: {  	v9 =	vld [tilespmem:s0+$0x4060]  }
0x276: {  	vm0 =	vmor vm0, vm1;
	vm1 =	veq.s32 v1, $0x67;
	vm2 =	vlt.s32 v4, $0x3E19999A  }
0x277: {  	vm1 =	vmor vm1, vm2;
	vm2 =	veq.s32 v2, $0x67;
	vm3 =	vlt.s32 v5, $0x3E19999A  }
0x278: {  	[tilespmem:s0+$0x10] =	vst v6;
	v0 =	vnsel vm0, $0xFFFFFF9C, v0;
	v1 =	vnsel vm1, $0xFFFFFF9C, v1;
	vm0 =	vmor vm2, vm3  }
0x279: {  	[tilespmem:s0+$0x20] =	vst v0;
	vm1 =	veq.s32 v3, $0x67;
	v0 =	vnsel vm0, $0xFFFFFF9C, v2;
	vm0 =	vlt.s32 v7, $0x3E19999A  }
0x27a: {  	[tilespmem:s0+$0x30] =	vst v1;
	vm2 =	vlt.s32 v9, $0x3E19999A;
	vm0 =	vmor vm1, vm0;
	vm1 =	veq.s32 v8, $0x67  }
0x27b: {  	[tilespmem:s0+$0x40] =	vst v0;
	v0 =	vnsel vm0, $0xFFFFFF9C, v3;
	vm0 =	vmor vm1, vm2  }
0x27c: {  	[tilespmem:s0+$0x50] =	vst v0;
	v0 =	vnsel vm0, $0xFFFFFF9C, v8  }
0x27d: {  	[tilespmem:s0+$0x60] =	vst v0  }
0x27e: {  	s0 =	sld [smem:$0x7F9];
	_ =	sdelay $0x1  }
0x27f: {  	s2 =	simm.s32 $0x0  }
0x280: {  	[hbm4b:s0+s2] =	stream.linear.scatter [tilespmem:s2], [sflag:$0x5], $0x4000, $0x38;
	[tilespmem:$0x10000] =	vst v63  }
0x281: {  	_ =	swait.ge [sflag:s26], $0x4000  }
0x282: {  	s4 =	sld [smem:$0x7FD]  }
0x283: {  	[sflag:s26] =	ssyncset.done $0x0  }
0x284: {  	[sflag:s26] =	ssyncadd.s32 $0xFFFFC000  }
0x285: {  	[tilespmem:s2], [sflag:$0x1] =	stream.linear.gather [hbm4b:s4+s2], $0x4000, $0x38;
	[tilespmem:$0x10000] =	vst v63  }
0x286: {  	_ = 	snop  }
0x287: {  	[tilespmem:s21], [sflag:$0x2] =	stream.linear.gather [hbm4b:s6+s2], $0x4000, $0x38;
	[tilespmem:$0x10000] =	vst v63  }
0x288: {  	_ =	swait.ge [sflag:s28], $0x4000  }
0x289: {  	[sflag:s28] =	ssyncset.done $0x0  }
0x28a: {  	[sflag:s28] =	ssyncadd.s32 $0xFFFFC000  }
0x28b: {  	s3 =	simm.s32 $0x0;
	_ =	swait.ge [sflag:s29], $0x4000  }
0x28c: {  	s5 =	sand.u32 $0x3C00, s2;
	s4 =	sand.u32 $0x380, s3;
	[sflag:s29] =	ssyncset.done $0x0  }
0x28d: {  	s0 =	sor.u32 s4, s5;
	[sflag:s29] =	ssyncadd.s32 $0xFFFFC000  }
0x28e: {  	v2 =	vld [tilespmem:s0+$0x8070]  }
0x28f: {  	v1 =	vld [tilespmem:s0+$0xC070]  }
0x290: {  	v3 =	vld [tilespmem:s0+$0x8000]  }
0x291: {  	v4 =	vld [tilespmem:s0+$0xC000]  }
0x292: {  	v6 =	vld [tilespmem:s0+$0x8010]  }
0x293: {  	v5 =	vld [tilespmem:s0+$0xC010]  }
0x294: {  	v0 =	vld [tilespmem:s0+$0x8020]  }
0x295: {  	v7 =	vld [tilespmem:s0+$0xC020];
	vm0 =	vlt.s32 v1, $0x3E19999A;
	vm1 =	veq.s32 v2, $0x67  }
0x296: {  	v1 =	vld [tilespmem:s0+$0x8030];
	vm0 =	vmor vm1, vm0  }
0x297: {  	vm2 =	vlt.s32 v4, $0x3E19999A;
	v4 =	vld [tilespmem:s0+$0xC030];
	vm1 =	veq.s32 v3, $0x67;
	v8 =	vnsel vm0, $0xFFFFFF9C, v2  }
0x298: {  	vm0 =	vmor vm1, vm2;
	vm1 =	veq.s32 v6, $0x67;
	vm2 =	vlt.s32 v5, $0x3E19999A;
	v2 =	vld [tilespmem:s0+$0x8040]  }
0x299: {  	v5 =	vld [tilespmem:s0+$0xC040];
	[tilespmem:s0+$0x8070] =	vst v8;
	v3 =	vnsel vm0, $0xFFFFFF9C, v3;
	vm1 =	vmor vm1, vm2  }
0x29a: {  	vm0 =	veq.s32 v0, $0x67;
	[tilespmem:s0+$0x8000] =	vst v3;
	v6 =	vnsel vm1, $0xFFFFFF9C, v6;
	vm1 =	vlt.s32 v7, $0x3E19999A;
	v3 =	vld [tilespmem:s0+$0x8050]  }
.LBB2_24:
0x29b: {  	s3 =	sadd.s32 $0x8, s3;
	[tilespmem:s0+$0x8010] =	vst v6;
	vm0 =	vmor vm0, vm1;
	vm1 =	veq.s32 v1, $0x67;
	v6 =	vld [tilespmem:s0+$0xC050];
	s2 =	sadd.s32 $0x400, s2  }
0x29c: {  	s4 =	sand.u32 $0x3C00, s2;
	s5 =	sand.u32 $0x380, s3;
	v0 =	vnsel vm0, $0xFFFFFF9C, v0;
	vm0 =	vlt.s32 v4, $0x3E19999A;
	v4 =	vld [tilespmem:s0+$0x8060]  }
0x29d: {  	p0 =	slt.u32 s3, $0x3F8;
	s4 =	sor.u32 s5, s4;
	[tilespmem:s0+$0x8020] =	vst v0;
	vm0 =	vmor vm1, vm0;
	vm1 =	veq.s32 v2, $0x67;
	v0 =	vld [tilespmem:s0+$0xC060]  }
0x29e: {  	v7 =	vld [tilespmem:s4+$0x8070];
	v1 =	vnsel vm0, $0xFFFFFF9C, v1;
	vm0 =	vlt.s32 v5, $0x3E19999A  }
0x29f: {  	v5 =	vld [tilespmem:s4+$0xC070];
	[tilespmem:s0+$0x8030] =	vst v1;
	vm0 =	vmor vm1, vm0;
	vm1 =	veq.s32 v3, $0x67  }
0x2a0: {  	v8 =	vld [tilespmem:s4+$0x8000];
	v1 =	vnsel vm0, $0xFFFFFF9C, v2;
	vm0 =	vlt.s32 v6, $0x3E19999A  }
0x2a1: {  	v2 =	vld [tilespmem:s4+$0xC000];
	[tilespmem:s0+$0x8040] =	vst v1;
	vm0 =	vmor vm1, vm0;
	vm1 =	veq.s32 v4, $0x67  }
0x2a2: {  	v6 =	vld [tilespmem:s4+$0x8010];
	v1 =	vnsel vm0, $0xFFFFFF9C, v3;
	vm0 =	vlt.s32 v0, $0x3E19999A  }
0x2a3: {  	v3 =	vld [tilespmem:s4+$0xC010];
	[tilespmem:s0+$0x8050] =	vst v1;
	vm0 =	vmor vm1, vm0  }
0x2a4: {  	vm2 =	veq.s32 v7, $0x67;
	v0 =	vld [tilespmem:s4+$0x8020];
	vm1 =	vlt.s32 v5, $0x3E19999A;
	v1 =	vnsel vm0, $0xFFFFFF9C, v4  }
0x2a5: {  	vm0 =	veq.s32 v8, $0x67;
	v9 =	vld [tilespmem:s4+$0xC020];
	vm1 =	vmor vm2, vm1;
	[tilespmem:s0+$0x8060] =	vst v1;
	s0 =	smov.u32 s4  }
.Ltmp11:
0x2a6: {  	vm2 =	vlt.s32 v2, $0x3E19999A;
	v1 =	vld [tilespmem:s0+$0x8030];
	v2 =	vnsel vm1, $0xFFFFFF9C, v7;
	(pc) =	sbr.rel @p0 .LBB2_24-.Ltmp11, $4  }
0x2a7: {  	vm0 =	vmor vm0, vm2;
	vm1 =	veq.s32 v6, $0x67;
	v4 =	vld [tilespmem:s0+$0xC030];
	[tilespmem:s0+$0x8070] =	vst v2  }
0x2a8: {  	v5 =	vnsel vm0, $0xFFFFFF9C, v8;
	vm0 =	vlt.s32 v3, $0x3E19999A;
	v2 =	vld [tilespmem:s0+$0x8040]  }
0x2a9: {  	[tilespmem:s0+$0x8000] =	vst v5;
	vm1 =	vmor vm1, vm0;
	vm0 =	veq.s32 v0, $0x67;
	v5 =	vld [tilespmem:s0+$0xC040]  }
0x2aa: {  	v6 =	vnsel vm1, $0xFFFFFF9C, v6;
	vm1 =	vlt.s32 v9, $0x3E19999A;
	v3 =	vld [tilespmem:s0+$0x8050]  }
0x2ab: {  	v7 =	vld [tilespmem:s0+$0xC050]  }
0x2ac: {  	v8 =	vld [tilespmem:s0+$0x8060]  }
0x2ad: {  	v9 =	vld [tilespmem:s0+$0xC060]  }
0x2ae: {  	vm0 =	vmor vm0, vm1;
	vm1 =	veq.s32 v1, $0x67;
	vm2 =	vlt.s32 v4, $0x3E19999A  }
0x2af: {  	vm1 =	vmor vm1, vm2;
	vm2 =	veq.s32 v2, $0x67;
	vm3 =	vlt.s32 v5, $0x3E19999A  }
0x2b0: {  	[tilespmem:s0+$0x8010] =	vst v6;
	v0 =	vnsel vm0, $0xFFFFFF9C, v0;
	v1 =	vnsel vm1, $0xFFFFFF9C, v1;
	vm0 =	vmor vm2, vm3  }
0x2b1: {  	[tilespmem:s0+$0x8020] =	vst v0;
	vm1 =	veq.s32 v3, $0x67;
	v0 =	vnsel vm0, $0xFFFFFF9C, v2;
	vm0 =	vlt.s32 v7, $0x3E19999A  }
0x2b2: {  	[tilespmem:s0+$0x8030] =	vst v1;
	vm2 =	vlt.s32 v9, $0x3E19999A;
	vm0 =	vmor vm1, vm0;
	vm1 =	veq.s32 v8, $0x67  }
0x2b3: {  	[tilespmem:s0+$0x8040] =	vst v0;
	v0 =	vnsel vm0, $0xFFFFFF9C, v3;
	vm0 =	vmor vm1, vm2  }
0x2b4: {  	[tilespmem:s0+$0x8050] =	vst v0;
	v0 =	vnsel vm0, $0xFFFFFF9C, v8  }
0x2b5: {  	[tilespmem:s0+$0x8060] =	vst v0  }
0x2b6: {  	s0 =	sld [smem:$0x7FC];
	_ =	sdelay $0x1  }
0x2b7: {  	s2 =	simm.s32 $0x0  }
0x2b8: {  	[hbm4b:s0+s2] =	stream.linear.scatter [tilespmem:s22], [sflag:$0x6], $0x4000, $0x38;
	[tilespmem:$0x10000] =	vst v63  }
0x2b9: {  	_ =	swait.ge [sflag:s30], $0x4000  }
0x2ba: {  	[sflag:s30] =	ssyncset.done $0x0  }
0x2bb: {  	[sflag:s30] =	ssyncadd.s32 $0xFFFFC000  }
0x2bc: {  	[tilespmem:s22], [sflag:$0x3] =	stream.linear.gather [hbm4b:s8+s2], $0x4000, $0x38;
	[tilespmem:$0x10000] =	vst v63  }
0x2bd: {  	_ = 	snop  }
0x2be: {  	[tilespmem:s23], [sflag:$0x4] =	stream.linear.gather [hbm4b:s9+s2], $0x4000, $0x38;
	[tilespmem:$0x10000] =	vst v63  }
0x2bf: {  	_ =	swait.ge [sflag:s24], $0x4000  }
0x2c0: {  	[sflag:s24] =	ssyncset.done $0x0  }
0x2c1: {  	[sflag:s24] =	ssyncadd.s32 $0xFFFFC000  }
0x2c2: {  	s3 =	simm.s32 $0x0;
	_ =	swait.ge [sflag:s25], $0x4000  }
0x2c3: {  	s5 =	sand.u32 $0x3C00, s2;
	s4 =	sand.u32 $0x380, s3;
	[sflag:s25] =	ssyncset.done $0x0  }
0x2c4: {  	s0 =	sor.u32 s4, s5;
	[sflag:s25] =	ssyncadd.s32 $0xFFFFC000  }
0x2c5: {  	v2 =	vld [tilespmem:s0+$0x70]  }
0x2c6: {  	v1 =	vld [tilespmem:s0+$0x4070]  }
0x2c7: {  	v3 =	vld [tilespmem:s0+$0x0]  }
0x2c8: {  	v4 =	vld [tilespmem:s0+$0x4000]  }
0x2c9: {  	v6 =	vld [tilespmem:s0+$0x10]  }
0x2ca: {  	v5 =	vld [tilespmem:s0+$0x4010]  }
0x2cb: {  	v0 =	vld [tilespmem:s0+$0x20]  }
0x2cc: {  	v7 =	vld [tilespmem:s0+$0x4020];
	vm0 =	vlt.s32 v1, $0x3E19999A;
	vm1 =	veq.s32 v2, $0x67  }
0x2cd: {  	v1 =	vld [tilespmem:s0+$0x30];
	vm0 =	vmor vm1, vm0  }
0x2ce: {  	vm2 =	vlt.s32 v4, $0x3E19999A;
	v4 =	vld [tilespmem:s0+$0x4030];
	vm1 =	veq.s32 v3, $0x67;
	v8 =	vnsel vm0, $0xFFFFFF9C, v2  }
0x2cf: {  	vm0 =	vmor vm1, vm2;
	vm1 =	veq.s32 v6, $0x67;
	vm2 =	vlt.s32 v5, $0x3E19999A;
	v2 =	vld [tilespmem:s0+$0x40]  }
0x2d0: {  	v5 =	vld [tilespmem:s0+$0x4040];
	[tilespmem:s0+$0x70] =	vst v8;
	v3 =	vnsel vm0, $0xFFFFFF9C, v3;
	vm1 =	vmor vm1, vm2  }
0x2d1: {  	vm0 =	veq.s32 v0, $0x67;
	[tilespmem:s0+$0x0] =	vst v3;
	v6 =	vnsel vm1, $0xFFFFFF9C, v6;
	vm1 =	vlt.s32 v7, $0x3E19999A;
	v3 =	vld [tilespmem:s0+$0x50]  }
.LBB2_26:
0x2d2: {  	s3 =	sadd.s32 $0x8, s3;
	[tilespmem:s0+$0x10] =	vst v6;
	vm0 =	vmor vm0, vm1;
	vm1 =	veq.s32 v1, $0x67;
	v6 =	vld [tilespmem:s0+$0x4050];
	s2 =	sadd.s32 $0x400, s2  }
0x2d3: {  	s4 =	sand.u32 $0x3C00, s2;
	s5 =	sand.u32 $0x380, s3;
	v0 =	vnsel vm0, $0xFFFFFF9C, v0;
	vm0 =	vlt.s32 v4, $0x3E19999A;
	v4 =	vld [tilespmem:s0+$0x60]  }
0x2d4: {  	p0 =	slt.u32 s3, $0x3F8;
	s4 =	sor.u32 s5, s4;
	[tilespmem:s0+$0x20] =	vst v0;
	vm0 =	vmor vm1, vm0;
	vm1 =	veq.s32 v2, $0x67;
	v0 =	vld [tilespmem:s0+$0x4060]  }
0x2d5: {  	v7 =	vld [tilespmem:s4+$0x70];
	v1 =	vnsel vm0, $0xFFFFFF9C, v1;
	vm0 =	vlt.s32 v5, $0x3E19999A  }
0x2d6: {  	v5 =	vld [tilespmem:s4+$0x4070];
	[tilespmem:s0+$0x30] =	vst v1;
	vm0 =	vmor vm1, vm0;
	vm1 =	veq.s32 v3, $0x67  }
0x2d7: {  	v8 =	vld [tilespmem:s4+$0x0];
	v1 =	vnsel vm0, $0xFFFFFF9C, v2;
	vm0 =	vlt.s32 v6, $0x3E19999A  }
0x2d8: {  	v2 =	vld [tilespmem:s4+$0x4000];
	[tilespmem:s0+$0x40] =	vst v1;
	vm0 =	vmor vm1, vm0;
	vm1 =	veq.s32 v4, $0x67  }
0x2d9: {  	v6 =	vld [tilespmem:s4+$0x10];
	v1 =	vnsel vm0, $0xFFFFFF9C, v3;
	vm0 =	vlt.s32 v0, $0x3E19999A  }
0x2da: {  	v3 =	vld [tilespmem:s4+$0x4010];
	[tilespmem:s0+$0x50] =	vst v1;
	vm0 =	vmor vm1, vm0  }
0x2db: {  	vm2 =	veq.s32 v7, $0x67;
	v0 =	vld [tilespmem:s4+$0x20];
	vm1 =	vlt.s32 v5, $0x3E19999A;
	v1 =	vnsel vm0, $0xFFFFFF9C, v4  }
0x2dc: {  	vm0 =	veq.s32 v8, $0x67;
	v9 =	vld [tilespmem:s4+$0x4020];
	vm1 =	vmor vm2, vm1;
	[tilespmem:s0+$0x60] =	vst v1;
	s0 =	smov.u32 s4  }
.Ltmp12:
0x2dd: {  	vm2 =	vlt.s32 v2, $0x3E19999A;
	v1 =	vld [tilespmem:s0+$0x30];
	v2 =	vnsel vm1, $0xFFFFFF9C, v7;
	(pc) =	sbr.rel @p0 .LBB2_26-.Ltmp12, $4  }
0x2de: {  	vm0 =	vmor vm0, vm2;
	vm1 =	veq.s32 v6, $0x67;
	v4 =	vld [tilespmem:s0+$0x4030];
	[tilespmem:s0+$0x70] =	vst v2  }
0x2df: {  	v5 =	vnsel vm0, $0xFFFFFF9C, v8;
	vm0 =	vlt.s32 v3, $0x3E19999A;
	v2 =	vld [tilespmem:s0+$0x40]  }
0x2e0: {  	[tilespmem:s0+$0x0] =	vst v5;
	vm1 =	vmor vm1, vm0;
	vm0 =	veq.s32 v0, $0x67;
	v5 =	vld [tilespmem:s0+$0x4040]  }
0x2e1: {  	v6 =	vnsel vm1, $0xFFFFFF9C, v6;
	vm1 =	vlt.s32 v9, $0x3E19999A;
	v3 =	vld [tilespmem:s0+$0x50]  }
0x2e2: {  	v7 =	vld [tilespmem:s0+$0x4050]  }
0x2e3: {  	v8 =	vld [tilespmem:s0+$0x60]  }
0x2e4: {  	v9 =	vld [tilespmem:s0+$0x4060]  }
0x2e5: {  	vm0 =	vmor vm0, vm1;
	vm1 =	veq.s32 v1, $0x67;
	vm2 =	vlt.s32 v4, $0x3E19999A  }
0x2e6: {  	vm1 =	vmor vm1, vm2;
	vm2 =	veq.s32 v2, $0x67;
	vm3 =	vlt.s32 v5, $0x3E19999A  }
0x2e7: {  	[tilespmem:s0+$0x10] =	vst v6;
	v0 =	vnsel vm0, $0xFFFFFF9C, v0;
	v1 =	vnsel vm1, $0xFFFFFF9C, v1;
	vm0 =	vmor vm2, vm3  }
0x2e8: {  	[tilespmem:s0+$0x20] =	vst v0;
	vm1 =	veq.s32 v3, $0x67;
	v0 =	vnsel vm0, $0xFFFFFF9C, v2;
	vm0 =	vlt.s32 v7, $0x3E19999A  }
0x2e9: {  	[tilespmem:s0+$0x30] =	vst v1;
	vm2 =	vlt.s32 v9, $0x3E19999A;
	vm0 =	vmor vm1, vm0;
	vm1 =	veq.s32 v8, $0x67  }
0x2ea: {  	[tilespmem:s0+$0x40] =	vst v0;
	v0 =	vnsel vm0, $0xFFFFFF9C, v3;
	vm0 =	vmor vm1, vm2  }
0x2eb: {  	[tilespmem:s0+$0x50] =	vst v0;
	v0 =	vnsel vm0, $0xFFFFFF9C, v8  }
0x2ec: {  	s2 =	simm.s32 $0x0;
	[tilespmem:s0+$0x60] =	vst v0  }
0x2ed: {  	[hbm4b:s7+s2] =	stream.linear.scatter [tilespmem:s2], [sflag:$0x5], $0x4000, $0x38;
	[tilespmem:$0x10000] =	vst v63  }
0x2ee: {  	_ =	swait.ge [sflag:s26], $0x4000  }
0x2ef: {  	[sflag:s26] =	ssyncset.done $0x0  }
0x2f0: {  	[sflag:s26] =	ssyncadd.s32 $0xFFFFC000  }
0x2f1: {  	[tilespmem:s2], [sflag:$0x1] =	stream.linear.gather [hbm4b:s14+s2], $0x4000, $0x38;
	[tilespmem:$0x10000] =	vst v63  }
0x2f2: {  	_ = 	snop  }
0x2f3: {  	[tilespmem:s21], [sflag:$0x2] =	stream.linear.gather [hbm4b:s16+s2], $0x4000, $0x38;
	[tilespmem:$0x10000] =	vst v63  }
0x2f4: {  	_ =	swait.ge [sflag:s28], $0x4000  }
0x2f5: {  	[sflag:s28] =	ssyncset.done $0x0  }
0x2f6: {  	[sflag:s28] =	ssyncadd.s32 $0xFFFFC000  }
0x2f7: {  	s3 =	simm.s32 $0x0;
	_ =	swait.ge [sflag:s29], $0x4000  }
0x2f8: {  	s5 =	sand.u32 $0x3C00, s2;
	s4 =	sand.u32 $0x380, s3;
	[sflag:s29] =	ssyncset.done $0x0  }
0x2f9: {  	s0 =	sor.u32 s4, s5;
	[sflag:s29] =	ssyncadd.s32 $0xFFFFC000  }
0x2fa: {  	v2 =	vld [tilespmem:s0+$0x8070]  }
0x2fb: {  	v1 =	vld [tilespmem:s0+$0xC070]  }
0x2fc: {  	v3 =	vld [tilespmem:s0+$0x8000]  }
0x2fd: {  	v4 =	vld [tilespmem:s0+$0xC000]  }
0x2fe: {  	v6 =	vld [tilespmem:s0+$0x8010]  }
0x2ff: {  	v5 =	vld [tilespmem:s0+$0xC010]  }
0x300: {  	v0 =	vld [tilespmem:s0+$0x8020]  }
0x301: {  	v7 =	vld [tilespmem:s0+$0xC020];
	vm0 =	vlt.s32 v1, $0x3E19999A;
	vm1 =	veq.s32 v2, $0x67  }
0x302: {  	v1 =	vld [tilespmem:s0+$0x8030];
	vm0 =	vmor vm1, vm0  }
0x303: {  	vm2 =	vlt.s32 v4, $0x3E19999A;
	v4 =	vld [tilespmem:s0+$0xC030];
	vm1 =	veq.s32 v3, $0x67;
	v8 =	vnsel vm0, $0xFFFFFF9C, v2  }
0x304: {  	vm0 =	vmor vm1, vm2;
	vm1 =	veq.s32 v6, $0x67;
	vm2 =	vlt.s32 v5, $0x3E19999A;
	v2 =	vld [tilespmem:s0+$0x8040]  }
0x305: {  	v5 =	vld [tilespmem:s0+$0xC040];
	[tilespmem:s0+$0x8070] =	vst v8;
	v3 =	vnsel vm0, $0xFFFFFF9C, v3;
	vm1 =	vmor vm1, vm2  }
0x306: {  	vm0 =	veq.s32 v0, $0x67;
	[tilespmem:s0+$0x8000] =	vst v3;
	v6 =	vnsel vm1, $0xFFFFFF9C, v6;
	vm1 =	vlt.s32 v7, $0x3E19999A;
	v3 =	vld [tilespmem:s0+$0x8050]  }
.LBB2_28:
0x307: {  	s3 =	sadd.s32 $0x8, s3;
	[tilespmem:s0+$0x8010] =	vst v6;
	vm0 =	vmor vm0, vm1;
	vm1 =	veq.s32 v1, $0x67;
	v6 =	vld [tilespmem:s0+$0xC050];
	s2 =	sadd.s32 $0x400, s2  }
0x308: {  	s4 =	sand.u32 $0x3C00, s2;
	s5 =	sand.u32 $0x380, s3;
	v0 =	vnsel vm0, $0xFFFFFF9C, v0;
	vm0 =	vlt.s32 v4, $0x3E19999A;
	v4 =	vld [tilespmem:s0+$0x8060]  }
0x309: {  	p0 =	slt.u32 s3, $0x3F8;
	s4 =	sor.u32 s5, s4;
	[tilespmem:s0+$0x8020] =	vst v0;
	vm0 =	vmor vm1, vm0;
	vm1 =	veq.s32 v2, $0x67;
	v0 =	vld [tilespmem:s0+$0xC060]  }
0x30a: {  	v7 =	vld [tilespmem:s4+$0x8070];
	v1 =	vnsel vm0, $0xFFFFFF9C, v1;
	vm0 =	vlt.s32 v5, $0x3E19999A  }
0x30b: {  	v5 =	vld [tilespmem:s4+$0xC070];
	[tilespmem:s0+$0x8030] =	vst v1;
	vm0 =	vmor vm1, vm0;
	vm1 =	veq.s32 v3, $0x67  }
0x30c: {  	v8 =	vld [tilespmem:s4+$0x8000];
	v1 =	vnsel vm0, $0xFFFFFF9C, v2;
	vm0 =	vlt.s32 v6, $0x3E19999A  }
0x30d: {  	v2 =	vld [tilespmem:s4+$0xC000];
	[tilespmem:s0+$0x8040] =	vst v1;
	vm0 =	vmor vm1, vm0;
	vm1 =	veq.s32 v4, $0x67  }
0x30e: {  	v6 =	vld [tilespmem:s4+$0x8010];
	v1 =	vnsel vm0, $0xFFFFFF9C, v3;
	vm0 =	vlt.s32 v0, $0x3E19999A  }
0x30f: {  	v3 =	vld [tilespmem:s4+$0xC010];
	[tilespmem:s0+$0x8050] =	vst v1;
	vm0 =	vmor vm1, vm0  }
0x310: {  	vm2 =	veq.s32 v7, $0x67;
	v0 =	vld [tilespmem:s4+$0x8020];
	vm1 =	vlt.s32 v5, $0x3E19999A;
	v1 =	vnsel vm0, $0xFFFFFF9C, v4  }
0x311: {  	vm0 =	veq.s32 v8, $0x67;
	v9 =	vld [tilespmem:s4+$0xC020];
	vm1 =	vmor vm2, vm1;
	[tilespmem:s0+$0x8060] =	vst v1;
	s0 =	smov.u32 s4  }
.Ltmp13:
0x312: {  	vm2 =	vlt.s32 v2, $0x3E19999A;
	v1 =	vld [tilespmem:s0+$0x8030];
	v2 =	vnsel vm1, $0xFFFFFF9C, v7;
	(pc) =	sbr.rel @p0 .LBB2_28-.Ltmp13, $4  }
0x313: {  	vm0 =	vmor vm0, vm2;
	vm1 =	veq.s32 v6, $0x67;
	v4 =	vld [tilespmem:s0+$0xC030];
	[tilespmem:s0+$0x8070] =	vst v2  }
0x314: {  	v5 =	vnsel vm0, $0xFFFFFF9C, v8;
	vm0 =	vlt.s32 v3, $0x3E19999A;
	v2 =	vld [tilespmem:s0+$0x8040]  }
0x315: {  	[tilespmem:s0+$0x8000] =	vst v5;
	vm1 =	vmor vm1, vm0;
	vm0 =	veq.s32 v0, $0x67;
	v5 =	vld [tilespmem:s0+$0xC040]  }
0x316: {  	v6 =	vnsel vm1, $0xFFFFFF9C, v6;
	vm1 =	vlt.s32 v9, $0x3E19999A;
	v3 =	vld [tilespmem:s0+$0x8050]  }
0x317: {  	v7 =	vld [tilespmem:s0+$0xC050]  }
0x318: {  	v8 =	vld [tilespmem:s0+$0x8060]  }
0x319: {  	v9 =	vld [tilespmem:s0+$0xC060]  }
0x31a: {  	vm0 =	vmor vm0, vm1;
	vm1 =	veq.s32 v1, $0x67;
	vm2 =	vlt.s32 v4, $0x3E19999A  }
0x31b: {  	vm1 =	vmor vm1, vm2;
	vm2 =	veq.s32 v2, $0x67;
	vm3 =	vlt.s32 v5, $0x3E19999A  }
0x31c: {  	[tilespmem:s0+$0x8010] =	vst v6;
	v0 =	vnsel vm0, $0xFFFFFF9C, v0;
	v1 =	vnsel vm1, $0xFFFFFF9C, v1;
	vm0 =	vmor vm2, vm3  }
0x31d: {  	[tilespmem:s0+$0x8020] =	vst v0;
	vm1 =	veq.s32 v3, $0x67;
	v0 =	vnsel vm0, $0xFFFFFF9C, v2;
	vm0 =	vlt.s32 v7, $0x3E19999A  }
0x31e: {  	[tilespmem:s0+$0x8030] =	vst v1;
	vm2 =	vlt.s32 v9, $0x3E19999A;
	vm0 =	vmor vm1, vm0;
	vm1 =	veq.s32 v8, $0x67  }
0x31f: {  	[tilespmem:s0+$0x8040] =	vst v0;
	v0 =	vnsel vm0, $0xFFFFFF9C, v3;
	vm0 =	vmor vm1, vm2  }
0x320: {  	[tilespmem:s0+$0x8050] =	vst v0;
	v0 =	vnsel vm0, $0xFFFFFF9C, v8  }
0x321: {  	s2 =	simm.s32 $0x0;
	[tilespmem:s0+$0x8060] =	vst v0  }
0x322: {  	[hbm4b:s10+s2] =	stream.linear.scatter [tilespmem:s22], [sflag:$0x6], $0x4000, $0x38;
	[tilespmem:$0x10000] =	vst v63  }
0x323: {  	_ =	swait.ge [sflag:s30], $0x4000  }
0x324: {  	[sflag:s30] =	ssyncset.done $0x0  }
0x325: {  	[sflag:s30] =	ssyncadd.s32 $0xFFFFC000  }
0x326: {  	[tilespmem:s22], [sflag:$0x3] =	stream.linear.gather [hbm4b:s15+s2], $0x4000, $0x38;
	[tilespmem:$0x10000] =	vst v63  }
0x327: {  	_ = 	snop  }
0x328: {  	[tilespmem:s23], [sflag:$0x4] =	stream.linear.gather [hbm4b:s17+s2], $0x4000, $0x38;
	[tilespmem:$0x10000] =	vst v63  }
0x329: {  	_ =	swait.ge [sflag:s24], $0x4000  }
0x32a: {  	[sflag:s24] =	ssyncset.done $0x0  }
0x32b: {  	[sflag:s24] =	ssyncadd.s32 $0xFFFFC000  }
0x32c: {  	s3 =	simm.s32 $0x0;
	_ =	swait.ge [sflag:s25], $0x4000  }
0x32d: {  	s5 =	sand.u32 $0x3C00, s2;
	s4 =	sand.u32 $0x380, s3;
	[sflag:s25] =	ssyncset.done $0x0  }
0x32e: {  	s0 =	sor.u32 s4, s5;
	[sflag:s25] =	ssyncadd.s32 $0xFFFFC000  }
0x32f: {  	v2 =	vld [tilespmem:s0+$0x70]  }
0x330: {  	v1 =	vld [tilespmem:s0+$0x4070]  }
0x331: {  	v3 =	vld [tilespmem:s0+$0x0]  }
0x332: {  	v4 =	vld [tilespmem:s0+$0x4000]  }
0x333: {  	v6 =	vld [tilespmem:s0+$0x10]  }
0x334: {  	v5 =	vld [tilespmem:s0+$0x4010]  }
0x335: {  	v0 =	vld [tilespmem:s0+$0x20]  }
0x336: {  	v7 =	vld [tilespmem:s0+$0x4020];
	vm0 =	vlt.s32 v1, $0x3E19999A;
	vm1 =	veq.s32 v2, $0x67  }
0x337: {  	v1 =	vld [tilespmem:s0+$0x30];
	vm0 =	vmor vm1, vm0  }
0x338: {  	vm2 =	vlt.s32 v4, $0x3E19999A;
	v4 =	vld [tilespmem:s0+$0x4030];
	vm1 =	veq.s32 v3, $0x67;
	v8 =	vnsel vm0, $0xFFFFFF9C, v2  }
0x339: {  	vm0 =	vmor vm1, vm2;
	vm1 =	veq.s32 v6, $0x67;
	vm2 =	vlt.s32 v5, $0x3E19999A;
	v2 =	vld [tilespmem:s0+$0x40]  }
0x33a: {  	v5 =	vld [tilespmem:s0+$0x4040];
	[tilespmem:s0+$0x70] =	vst v8;
	v3 =	vnsel vm0, $0xFFFFFF9C, v3;
	vm1 =	vmor vm1, vm2  }
0x33b: {  	vm0 =	veq.s32 v0, $0x67;
	[tilespmem:s0+$0x0] =	vst v3;
	v6 =	vnsel vm1, $0xFFFFFF9C, v6;
	vm1 =	vlt.s32 v7, $0x3E19999A;
	v3 =	vld [tilespmem:s0+$0x50]  }
.LBB2_30:
0x33c: {  	s3 =	sadd.s32 $0x8, s3;
	[tilespmem:s0+$0x10] =	vst v6;
	vm0 =	vmor vm0, vm1;
	vm1 =	veq.s32 v1, $0x67;
	v6 =	vld [tilespmem:s0+$0x4050];
	s2 =	sadd.s32 $0x400, s2  }
0x33d: {  	s4 =	sand.u32 $0x3C00, s2;
	s5 =	sand.u32 $0x380, s3;
	v0 =	vnsel vm0, $0xFFFFFF9C, v0;
	vm0 =	vlt.s32 v4, $0x3E19999A;
	v4 =	vld [tilespmem:s0+$0x60]  }
0x33e: {  	p0 =	slt.u32 s3, $0x3F8;
	s4 =	sor.u32 s5, s4;
	[tilespmem:s0+$0x20] =	vst v0;
	vm0 =	vmor vm1, vm0;
	vm1 =	veq.s32 v2, $0x67;
	v0 =	vld [tilespmem:s0+$0x4060]  }
0x33f: {  	v7 =	vld [tilespmem:s4+$0x70];
	v1 =	vnsel vm0, $0xFFFFFF9C, v1;
	vm0 =	vlt.s32 v5, $0x3E19999A  }
0x340: {  	v5 =	vld [tilespmem:s4+$0x4070];
	[tilespmem:s0+$0x30] =	vst v1;
	vm0 =	vmor vm1, vm0;
	vm1 =	veq.s32 v3, $0x67  }
0x341: {  	v8 =	vld [tilespmem:s4+$0x0];
	v1 =	vnsel vm0, $0xFFFFFF9C, v2;
	vm0 =	vlt.s32 v6, $0x3E19999A  }
0x342: {  	v2 =	vld [tilespmem:s4+$0x4000];
	[tilespmem:s0+$0x40] =	vst v1;
	vm0 =	vmor vm1, vm0;
	vm1 =	veq.s32 v4, $0x67  }
0x343: {  	v6 =	vld [tilespmem:s4+$0x10];
	v1 =	vnsel vm0, $0xFFFFFF9C, v3;
	vm0 =	vlt.s32 v0, $0x3E19999A  }
0x344: {  	v3 =	vld [tilespmem:s4+$0x4010];
	[tilespmem:s0+$0x50] =	vst v1;
	vm0 =	vmor vm1, vm0  }
0x345: {  	vm2 =	veq.s32 v7, $0x67;
	v0 =	vld [tilespmem:s4+$0x20];
	vm1 =	vlt.s32 v5, $0x3E19999A;
	v1 =	vnsel vm0, $0xFFFFFF9C, v4  }
0x346: {  	vm0 =	veq.s32 v8, $0x67;
	v9 =	vld [tilespmem:s4+$0x4020];
	vm1 =	vmor vm2, vm1;
	[tilespmem:s0+$0x60] =	vst v1;
	s0 =	smov.u32 s4  }
.Ltmp14:
0x347: {  	vm2 =	vlt.s32 v2, $0x3E19999A;
	v1 =	vld [tilespmem:s0+$0x30];
	v2 =	vnsel vm1, $0xFFFFFF9C, v7;
	(pc) =	sbr.rel @p0 .LBB2_30-.Ltmp14, $4  }
0x348: {  	vm0 =	vmor vm0, vm2;
	vm1 =	veq.s32 v6, $0x67;
	v4 =	vld [tilespmem:s0+$0x4030];
	[tilespmem:s0+$0x70] =	vst v2  }
0x349: {  	v5 =	vnsel vm0, $0xFFFFFF9C, v8;
	vm0 =	vlt.s32 v3, $0x3E19999A;
	v2 =	vld [tilespmem:s0+$0x40]  }
0x34a: {  	[tilespmem:s0+$0x0] =	vst v5;
	vm1 =	vmor vm1, vm0;
	vm0 =	veq.s32 v0, $0x67;
	v5 =	vld [tilespmem:s0+$0x4040]  }
0x34b: {  	v6 =	vnsel vm1, $0xFFFFFF9C, v6;
	vm1 =	vlt.s32 v9, $0x3E19999A;
	v3 =	vld [tilespmem:s0+$0x50]  }
0x34c: {  	v7 =	vld [tilespmem:s0+$0x4050]  }
0x34d: {  	v8 =	vld [tilespmem:s0+$0x60]  }
0x34e: {  	v9 =	vld [tilespmem:s0+$0x4060]  }
0x34f: {  	vm0 =	vmor vm0, vm1;
	vm1 =	veq.s32 v1, $0x67;
	vm2 =	vlt.s32 v4, $0x3E19999A  }
0x350: {  	vm1 =	vmor vm1, vm2;
	vm2 =	veq.s32 v2, $0x67;
	vm3 =	vlt.s32 v5, $0x3E19999A  }
0x351: {  	[tilespmem:s0+$0x10] =	vst v6;
	v0 =	vnsel vm0, $0xFFFFFF9C, v0;
	v1 =	vnsel vm1, $0xFFFFFF9C, v1;
	vm0 =	vmor vm2, vm3  }
0x352: {  	[tilespmem:s0+$0x20] =	vst v0;
	vm1 =	veq.s32 v3, $0x67;
	v0 =	vnsel vm0, $0xFFFFFF9C, v2;
	vm0 =	vlt.s32 v7, $0x3E19999A  }
0x353: {  	[tilespmem:s0+$0x30] =	vst v1;
	vm2 =	vlt.s32 v9, $0x3E19999A;
	vm0 =	vmor vm1, vm0;
	vm1 =	veq.s32 v8, $0x67  }
0x354: {  	[tilespmem:s0+$0x40] =	vst v0;
	v0 =	vnsel vm0, $0xFFFFFF9C, v3;
	vm0 =	vmor vm1, vm2  }
0x355: {  	[tilespmem:s0+$0x50] =	vst v0;
	v0 =	vnsel vm0, $0xFFFFFF9C, v8  }
0x356: {  	s2 =	simm.s32 $0x0;
	[tilespmem:s0+$0x60] =	vst v0  }
0x357: {  	[hbm4b:s18+s2] =	stream.linear.scatter [tilespmem:s2], [sflag:$0x5], $0x4000, $0x38;
	[tilespmem:$0x10000] =	vst v63  }
0x358: {  	_ =	swait.ge [sflag:s28], $0x4000  }
0x359: {  	[sflag:s28] =	ssyncset.done $0x0  }
0x35a: {  	[sflag:s28] =	ssyncadd.s32 $0xFFFFC000  }
0x35b: {  	s3 =	simm.s32 $0x0;
	_ =	swait.ge [sflag:s29], $0x4000  }
0x35c: {  	s5 =	sand.u32 $0x3C00, s2;
	s4 =	sand.u32 $0x380, s3;
	[sflag:s29] =	ssyncset.done $0x0  }
0x35d: {  	s0 =	sor.u32 s4, s5;
	[sflag:s29] =	ssyncadd.s32 $0xFFFFC000  }
0x35e: {  	v2 =	vld [tilespmem:s0+$0x8070]  }
0x35f: {  	v1 =	vld [tilespmem:s0+$0xC070]  }
0x360: {  	v3 =	vld [tilespmem:s0+$0x8000]  }
0x361: {  	v4 =	vld [tilespmem:s0+$0xC000]  }
0x362: {  	v6 =	vld [tilespmem:s0+$0x8010]  }
0x363: {  	v5 =	vld [tilespmem:s0+$0xC010]  }
0x364: {  	v0 =	vld [tilespmem:s0+$0x8020]  }
0x365: {  	v7 =	vld [tilespmem:s0+$0xC020];
	vm0 =	vlt.s32 v1, $0x3E19999A;
	vm1 =	veq.s32 v2, $0x67  }
0x366: {  	v1 =	vld [tilespmem:s0+$0x8030];
	vm0 =	vmor vm1, vm0  }
0x367: {  	vm2 =	vlt.s32 v4, $0x3E19999A;
	v4 =	vld [tilespmem:s0+$0xC030];
	vm1 =	veq.s32 v3, $0x67;
	v8 =	vnsel vm0, $0xFFFFFF9C, v2  }
0x368: {  	vm0 =	vmor vm1, vm2;
	vm1 =	veq.s32 v6, $0x67;
	vm2 =	vlt.s32 v5, $0x3E19999A;
	v2 =	vld [tilespmem:s0+$0x8040]  }
0x369: {  	v5 =	vld [tilespmem:s0+$0xC040];
	[tilespmem:s0+$0x8070] =	vst v8;
	v3 =	vnsel vm0, $0xFFFFFF9C, v3;
	vm1 =	vmor vm1, vm2  }
0x36a: {  	vm0 =	veq.s32 v0, $0x67;
	[tilespmem:s0+$0x8000] =	vst v3;
	v6 =	vnsel vm1, $0xFFFFFF9C, v6;
	vm1 =	vlt.s32 v7, $0x3E19999A;
	v3 =	vld [tilespmem:s0+$0x8050]  }
.LBB2_32:
0x36b: {  	s3 =	sadd.s32 $0x8, s3;
	[tilespmem:s0+$0x8010] =	vst v6;
	vm0 =	vmor vm0, vm1;
	vm1 =	veq.s32 v1, $0x67;
	v6 =	vld [tilespmem:s0+$0xC050];
	s2 =	sadd.s32 $0x400, s2  }
0x36c: {  	s4 =	sand.u32 $0x3C00, s2;
	s5 =	sand.u32 $0x380, s3;
	v0 =	vnsel vm0, $0xFFFFFF9C, v0;
	vm0 =	vlt.s32 v4, $0x3E19999A;
	v4 =	vld [tilespmem:s0+$0x8060]  }
0x36d: {  	p0 =	slt.u32 s3, $0x3F8;
	s4 =	sor.u32 s5, s4;
	[tilespmem:s0+$0x8020] =	vst v0;
	vm0 =	vmor vm1, vm0;
	vm1 =	veq.s32 v2, $0x67;
	v0 =	vld [tilespmem:s0+$0xC060]  }
0x36e: {  	v7 =	vld [tilespmem:s4+$0x8070];
	v1 =	vnsel vm0, $0xFFFFFF9C, v1;
	vm0 =	vlt.s32 v5, $0x3E19999A  }
0x36f: {  	v5 =	vld [tilespmem:s4+$0xC070];
	[tilespmem:s0+$0x8030] =	vst v1;
	vm0 =	vmor vm1, vm0;
	vm1 =	veq.s32 v3, $0x67  }
0x370: {  	v8 =	vld [tilespmem:s4+$0x8000];
	v1 =	vnsel vm0, $0xFFFFFF9C, v2;
	vm0 =	vlt.s32 v6, $0x3E19999A  }
0x371: {  	v2 =	vld [tilespmem:s4+$0xC000];
	[tilespmem:s0+$0x8040] =	vst v1;
	vm0 =	vmor vm1, vm0;
	vm1 =	veq.s32 v4, $0x67  }
0x372: {  	v6 =	vld [tilespmem:s4+$0x8010];
	v1 =	vnsel vm0, $0xFFFFFF9C, v3;
	vm0 =	vlt.s32 v0, $0x3E19999A  }
0x373: {  	v3 =	vld [tilespmem:s4+$0xC010];
	[tilespmem:s0+$0x8050] =	vst v1;
	vm0 =	vmor vm1, vm0  }
0x374: {  	vm2 =	veq.s32 v7, $0x67;
	v0 =	vld [tilespmem:s4+$0x8020];
	vm1 =	vlt.s32 v5, $0x3E19999A;
	v1 =	vnsel vm0, $0xFFFFFF9C, v4  }
0x375: {  	vm0 =	veq.s32 v8, $0x67;
	v9 =	vld [tilespmem:s4+$0xC020];
	vm1 =	vmor vm2, vm1;
	[tilespmem:s0+$0x8060] =	vst v1;
	s0 =	smov.u32 s4  }
.Ltmp15:
0x376: {  	vm2 =	vlt.s32 v2, $0x3E19999A;
	v1 =	vld [tilespmem:s0+$0x8030];
	v2 =	vnsel vm1, $0xFFFFFF9C, v7;
	(pc) =	sbr.rel @p0 .LBB2_32-.Ltmp15, $4  }
0x377: {  	vm0 =	vmor vm0, vm2;
	vm1 =	veq.s32 v6, $0x67;
	v4 =	vld [tilespmem:s0+$0xC030];
	[tilespmem:s0+$0x8070] =	vst v2  }
0x378: {  	v5 =	vnsel vm0, $0xFFFFFF9C, v8;
	vm0 =	vlt.s32 v3, $0x3E19999A;
	v2 =	vld [tilespmem:s0+$0x8040]  }
0x379: {  	[tilespmem:s0+$0x8000] =	vst v5;
	vm1 =	vmor vm1, vm0;
	vm0 =	veq.s32 v0, $0x67;
	v5 =	vld [tilespmem:s0+$0xC040]  }
0x37a: {  	v6 =	vnsel vm1, $0xFFFFFF9C, v6;
	vm1 =	vlt.s32 v9, $0x3E19999A;
	v3 =	vld [tilespmem:s0+$0x8050]  }
0x37b: {  	v7 =	vld [tilespmem:s0+$0xC050]  }
0x37c: {  	v8 =	vld [tilespmem:s0+$0x8060]  }
0x37d: {  	v9 =	vld [tilespmem:s0+$0xC060]  }
0x37e: {  	vm0 =	vmor vm0, vm1;
	vm8 =	veq.s32 v1, $0x67;
	vm2 =	vlt.s32 v4, $0x3E19999A  }
0x37f: {  	vm1 =	vmor vm8, vm2;
	vm9 =	veq.s32 v2, $0x67;
	vm3 =	vlt.s32 v5, $0x3E19999A  }
0x380: {  	[tilespmem:s0+$0x8010] =	vst v6;
	v0 =	vnsel vm0, $0xFFFFFF9C, v0;
	v60 =	vnsel vm1, $0xFFFFFF9C, v1;
	vm10 =	vmor vm9, vm3  }
0x381: {  	[tilespmem:s0+$0x8020] =	vst v0;
	vm11 =	veq.s32 v3, $0x67;
	v61 =	vnsel vm10, $0xFFFFFF9C, v2;
	vm12 =	vlt.s32 v7, $0x3E19999A  }
0x382: {  	[tilespmem:s0+$0x8030] =	vst v60;
	vm13 =	veq.s32 v8, $0x67;
	vm14 =	vlt.s32 v9, $0x3E19999A;
	vm0 =	vmor vm11, vm12  }
0x383: {  	[tilespmem:s0+$0x8040] =	vst v61;
	vm15 =	vmor vm13, vm14;
	v62 =	vnsel vm0, $0xFFFFFF9C, v3  }
0x384: {  	v63 =	vnsel vm15, $0xFFFFFF9C, v8;
	[tilespmem:s0+$0x8050] =	vst v62  }
0x385: {  	s31 =	sadd.s32 $0x1, s31;
	[tilespmem:s0+$0x8060] =	vst v63  }
0x386: {  	[hbm4b:s19+s1] =	stream.linear.scatter [tilespmem:s22], [sflag:$0x6], $0x4000, $0x38;
	[tilespmem:$0x10000] =	vst v63  }
0x387: {  	p0 =	sne.s32 s31, s20;
	_ =	swait.ge [sflag:s26], $0x4000  }
.Ltmp16:
0x388: {  	[sflag:s26] =	ssyncset.done $0x0;
	(pc) =	sbr.rel @p0 .LBB2_1-.Ltmp16, $4  }
0x389: {  	[sflag:s26] =	ssyncadd.s32 $0xFFFFC000  }
0x38a: {  	_ =	swait.ge [sflag:s30], $0x4000  }
0x38b: {  	[sflag:s30] =	ssyncset.done $0x0  }
0x38c: {  	[sflag:s30] =	ssyncadd.s32 $0xFFFFC000  }
0x38d: {  	_ =	sfence.sel $0x180000  }
0x38e: {  	[bflag:$0x0] =	sbarrier.arrive $0xFFFF  }
0x38f: {  	_ =	strace $0x90000047  }
0x390: {  	s0 =	stileid.u32;
	[bflag:$0x2] =	sbarrier.arrive $0xFFFF  }
0x391: {  	p0 =	sne.s32 s0, $0x0;
	s0 =	rddreg [dreg:$0x3]  }
0x392: {  	s0 =	sadd.s32 @!p0 $0x100000, s0  }
0x393: {  	[sflag:s0] =	ssyncadd.tile.s32 @!p0 $0x1;
	_ =	shalt  }
.Lfunc_end2:
_tile_overlayer_lowered:
.L_overlay_start_2:
0x394: {  	(tag) =	ssettag $0x2  }
0x395: {  	s0 =	rddreg [dreg:$0x0];
	s2 =	stileid.u32  }
0x396: {  	s1 =	rddreg [dreg:$0x1];
	p0 =	sne.s32 s2, $0x0  }
0x397: {  	s3 =	rddreg [dreg:$0x2];
	[bflag:$0x3] =	sbarrier.arrive $0xFFFF;
	s2 =	simm.s32 @!p0 $0x1C07  }
0x398: {  	[timem:s3], [sflag:s2] =	dma.local @!p0 [hbm:s0], s1  }
0x399: {  	s0 =	simm.s32 @!p0 $0x7  }
0x39a: {  	_ =	swait.ge @!p0 [sflag:s0], s1  }
0x39b: {  	s1 =	ssub.s32 @!p0 $0x0, s1;
	[sflag:s0] =	ssyncset.done @!p0 $0x0  }
0x39c: {  	[sflag:s0] =	ssyncadd.s32 @!p0 s1  }
0x39d: {  	[bflag:$0x3] =	sbarrier.arrive $0xFFFF  }
0x39e: {  	_ =	shalt  }

</sc_bundles>
